<compile_context>
chip_gen: v7x
topology: tpu7x:2x2x1
jax: 0.10.2.dev20260603
libtpu: 0.0.44.dev20260713+nightly
codegen_flags: <defaults>
</compile_context>

<pallas_src>
import functools

import jax
import jax.numpy as jnp
from jax import lax
from jax.experimental import pallas as pl
from jax.experimental.pallas import tpu as pltpu
from jax.experimental.pallas import tpu_sc as plsc

B = 16384
DIM = 64
NC = 2
NS = 16
NW = NC * NS
RPW = B // NW
CHUNK = 128
NCHUNK = RPW // CHUNK
GROUPS = RPW // 16


def _rsqrt(n):
    i = plsc.bitcast(n, jnp.int32)
    y = plsc.bitcast(jnp.int32(0x5F3759DF) - lax.shift_right_logical(i, 1),
                     jnp.float32)
    for _ in range(3):
        y = y * (1.5 - 0.5 * n * y * y)
    return y


@functools.partial(
    pl.kernel,
    mesh=plsc.VectorSubcoreMesh(core_axis_name="c", subcore_axis_name="s"),
    compiler_params=pltpu.CompilerParams(needs_layout_passes=False,
                                         use_tc_tiling_on_sc=False),
    out_type=jax.ShapeDtypeStruct((NW, GROUPS, 16), jnp.float32),
    scratch_types=[
        pltpu.VMEM((NCHUNK, CHUNK), jnp.int32),
        pltpu.VMEM((NCHUNK, CHUNK), jnp.int32),
        pltpu.VMEM((RPW, DIM), jnp.float32),
        pltpu.VMEM((RPW, DIM), jnp.float32),
        pltpu.VMEM((RPW, DIM), jnp.float32),
        pltpu.VMEM((DIM,), jnp.float32),
        pltpu.VMEM((GROUPS, 16), jnp.float32),
        pltpu.SemaphoreType.DMA,
    ],
)
def _bilinear_mf(P_hbm, iw_hbm, il_hbm, q_hbm, w_hbm, out_hbm,
                 iw_v, il_v, win_v, loss_v, q_v, w_v, o_v, sem):
    wid = lax.axis_index("s") * NC + lax.axis_index("c")
    base = wid * RPW

    pltpu.sync_copy(iw_hbm.at[wid], iw_v)
    pltpu.sync_copy(il_hbm.at[wid], il_v)
    pltpu.sync_copy(w_hbm, w_v)
    copies = [pltpu.async_copy(q_hbm.at[pl.ds(base, RPW)], q_v, sem)]
    for j in range(NCHUNK):
        copies.append(pltpu.async_copy(
            P_hbm.at[iw_v.at[j]], win_v.at[pl.ds(j * CHUNK, CHUNK)], sem))
        copies.append(pltpu.async_copy(
            P_hbm.at[il_v.at[j]], loss_v.at[pl.ds(j * CHUNK, CHUNK)], sem))
    for c in copies:
        c.wait()

    iota = lax.iota(jnp.int32, 16)
    zeros = jnp.zeros((16,), jnp.float32)
    w_regs = [w_v[pl.ds(k * 16, 16)] for k in range(DIM // 16)]

    def body(g, carry):
        rows = g * 16 + iota
        nwin, swin, nloss, sloss = zeros, zeros, zeros, zeros
        for d in range(DIM):
            col = jnp.full((16,), d, jnp.int32)
            wv = plsc.load_gather(win_v, [rows, col])
            lv = plsc.load_gather(loss_v, [rows, col])
            qv = plsc.load_gather(q_v, [rows, col])
            u = qv * w_regs[d // 16][d % 16]
            nwin = nwin + wv * wv
            swin = swin + wv * u
            nloss = nloss + lv * lv
            sloss = sloss + lv * u
        sw = jnp.where(nwin == 0.0, 0.0, nwin * _rsqrt(nwin))
        sl = jnp.where(nloss == 0.0, 0.0, nloss * _rsqrt(nloss))
        o_v[g] = (swin / jnp.maximum(sw, 1e-12)
                  - sloss / jnp.maximum(sl, 1e-12))
        return carry

    lax.fori_loop(0, GROUPS, body, 0)
    pltpu.sync_copy(o_v, out_hbm.at[wid])


def kernel(model_win, model_loss, q_emb, P, W_cls):
    iw = model_win.reshape(NW, NCHUNK, CHUNK)
    il = model_loss.reshape(NW, NCHUNK, CHUNK)
    w = W_cls.reshape(DIM)
    out = _bilinear_mf(P, iw, il, q_emb, w)
    return out.reshape(B)

# --- scband reference (transcript-rebuilt; emitter-appended) ---
"""Pipeline reference for scband-bilinear-mf-22565758173892 (READ-ONLY COPY).

The authoritative reference and input builder live on the scoring server;
editing this copy changes nothing except your own understanding.
"""

import jax, jax.numpy as jnp
import numpy as np

B = 16384
DIM = 64
NUM_MODELS = 100000


def _l2_normalize(x):
    # matches torch F.normalize(p=2, dim=-1, eps=1e-12)
    norm = jnp.linalg.norm(x, ord=2, axis=-1, keepdims=True)
    return x / jnp.maximum(norm, 1e-12)


def setup_inputs(seed: int = 0) -> dict:
    key = jax.random.key(seed)
    k1, k2, k3, k4, k5 = jax.random.split(key, 5)
    model_win = jax.random.randint(k1, (B,), 0, NUM_MODELS, dtype=jnp.int32)
    model_loss = jax.random.randint(k2, (B,), 0, NUM_MODELS, dtype=jnp.int32)
    q_emb = jax.random.normal(k3, (B, DIM), dtype=jnp.float32)
    # learned parameters
    P = jax.random.normal(k4, (NUM_MODELS, DIM), dtype=jnp.float32) * 0.02  # nn.Embedding weight
    W_cls = jax.random.normal(k5, (1, DIM), dtype=jnp.float32) * 0.02  # nn.Linear(dim,1,bias=False).weight
    return {"model_win": model_win, "model_loss": model_loss, "q_emb": q_emb, "P": P, "W_cls": W_cls}


def reference(model_win, model_loss, q_emb, P, W_cls):
    # embedding gathers
    v_win = _l2_normalize(jnp.take(P, model_win, axis=0))
    v_loss = _l2_normalize(jnp.take(P, model_loss, axis=0))
    h = v_win - v_loss
    if q_emb.ndim == 1:
        q_emb = q_emb[None, :]
    interaction = h * q_emb
    logit = jnp.squeeze(interaction @ W_cls.T, axis=-1)
    return logit

if __name__ == "__main__":
    import jax
    _d = setup_inputs()
    print(jax.jit(kernel)(*tuple(_d.values())))

</pallas_src>

<mosaic_0001>
#map = affine_map<(d0, d1) -> (0, 0)>
#map1 = affine_map<(d0, d1) -> (0, 0, 0)>
#map2 = affine_map<(d0, d1) -> (0)>
module attributes {stable_mosaic.version = 14 : i64} {
  func.func @_bilinear_mf(%arg0: i32, %arg1: i32, %arg2: memref<100000x64xf32, #tpu.memory_space<hbm>>, %arg3: memref<32x4x128xi32, #tpu.memory_space<hbm>>, %arg4: memref<32x4x128xi32, #tpu.memory_space<hbm>>, %arg5: memref<16384x64xf32, #tpu.memory_space<hbm>>, %arg6: memref<64xf32, #tpu.memory_space<hbm>>, %arg7: memref<32x32x16xf32, #tpu.memory_space<hbm>>, %arg8: memref<4x128xi32, #tpu.memory_space<vmem>>, %arg9: memref<4x128xi32, #tpu.memory_space<vmem>>, %arg10: memref<512x64xf32, #tpu.memory_space<vmem>>, %arg11: memref<512x64xf32, #tpu.memory_space<vmem>>, %arg12: memref<512x64xf32, #tpu.memory_space<vmem>>, %arg13: memref<64xf32, #tpu.memory_space<vmem>>, %arg14: memref<32x16xf32, #tpu.memory_space<vmem>>, %arg15: memref<!tpu.dma_semaphore, #tpu.memory_space<semaphore_mem>>) attributes {dimension_semantics = [#tpu.dimension_semantics<core_parallel>, #tpu.dimension_semantics<subcore_parallel>], iteration_bounds = array<i64: 2, 16>, scalar_prefetch = 0 : i64, scratch_operands = 8 : i64, tpu.core_type = #tpu.core_type<sc_vector_subcore>, window_params = [{transform_indices = #map}, {transform_indices = #map1}, {transform_indices = #map1}, {transform_indices = #map}, {transform_indices = #map2}, {transform_indices = #map1}]} {
    %mul3A = arith.constant 2 : i32
    %mul3A_0 = arith.muli %arg1, %mul3A : i32
    %add3A = arith.addi %mul3A_0, %arg0 : i32
    %mul3A_1 = arith.constant 512 : i32
    %mul3A_2 = arith.muli %add3A, %mul3A_1 : i32
    "tpu.region"() ({
      %run_scoped3A = tpu.sem_alloc : memref<!tpu.dma_semaphore, #tpu.memory_space<semaphore_mem>>
      %dma_start3A_182 = arith.constant 0 : i32
      %dma_start3A_183 = arith.constant 0 : i32
      %dma_start3A_184 = tpu.memref_slice %arg3[%add3A, %dma_start3A_182, %dma_start3A_183] : memref<32x4x128xi32, #tpu.memory_space<hbm>> -> memref<1x4x128xi32, #tpu.memory_space<hbm>>
      %dma_start3A_185 = tpu.memref_squeeze %dma_start3A_184 : memref<1x4x128xi32, #tpu.memory_space<hbm>> -> memref<4x128xi32, #tpu.memory_space<hbm>>
      %dma_start3A_186 = arith.constant 0 : i32
      %dma_start3A_187 = arith.constant 0 : i32
      %dma_start3A_188 = tpu.memref_slice %arg3[%add3A, %dma_start3A_186, %dma_start3A_187] : memref<32x4x128xi32, #tpu.memory_space<hbm>> -> memref<1x4x128xi32, #tpu.memory_space<hbm>>
      %dma_start3A_189 = tpu.memref_squeeze %dma_start3A_188 : memref<1x4x128xi32, #tpu.memory_space<hbm>> -> memref<4x128xi32, #tpu.memory_space<hbm>>
      tpu.enqueue_dma source(%dma_start3A_189 : memref<4x128xi32, #tpu.memory_space<hbm>>) target(%arg8 : memref<4x128xi32, #tpu.memory_space<vmem>>) target_semaphore(%run_scoped3A : memref<!tpu.dma_semaphore, #tpu.memory_space<semaphore_mem>>)
      %dma_wait3A_190 = arith.constant 0 : i32
      %dma_wait3A_191 = arith.constant 0 : i32
      %dma_wait3A_192 = tpu.memref_slice %arg3[%add3A, %dma_wait3A_190, %dma_wait3A_191] : memref<32x4x128xi32, #tpu.memory_space<hbm>> -> memref<1x4x128xi32, #tpu.memory_space<hbm>>
      %dma_wait3A_193 = tpu.memref_squeeze %dma_wait3A_192 : memref<1x4x128xi32, #tpu.memory_space<hbm>> -> memref<4x128xi32, #tpu.memory_space<hbm>>
      %dma_wait3A_194 = arith.constant 0 : i32
      %dma_wait3A_195 = arith.constant 0 : i32
      %dma_wait3A_196 = tpu.memref_slice %arg3[%add3A, %dma_wait3A_194, %dma_wait3A_195] : memref<32x4x128xi32, #tpu.memory_space<hbm>> -> memref<1x4x128xi32, #tpu.memory_space<hbm>>
      %dma_wait3A_197 = tpu.memref_squeeze %dma_wait3A_196 : memref<1x4x128xi32, #tpu.memory_space<hbm>> -> memref<4x128xi32, #tpu.memory_space<hbm>>
      tpu.wait_dma2 semaphore(%run_scoped3A : memref<!tpu.dma_semaphore, #tpu.memory_space<semaphore_mem>>) src(%dma_wait3A_197 : memref<4x128xi32, #tpu.memory_space<hbm>>) dst(%arg8 : memref<4x128xi32, #tpu.memory_space<vmem>>)
      tpu.yield
    }) : () -> ()
    "tpu.region"() ({
      %run_scoped3A = tpu.sem_alloc : memref<!tpu.dma_semaphore, #tpu.memory_space<semaphore_mem>>
      %dma_start3A_182 = arith.constant 0 : i32
      %dma_start3A_183 = arith.constant 0 : i32
      %dma_start3A_184 = tpu.memref_slice %arg4[%add3A, %dma_start3A_182, %dma_start3A_183] : memref<32x4x128xi32, #tpu.memory_space<hbm>> -> memref<1x4x128xi32, #tpu.memory_space<hbm>>
      %dma_start3A_185 = tpu.memref_squeeze %dma_start3A_184 : memref<1x4x128xi32, #tpu.memory_space<hbm>> -> memref<4x128xi32, #tpu.memory_space<hbm>>
      %dma_start3A_186 = arith.constant 0 : i32
      %dma_start3A_187 = arith.constant 0 : i32
      %dma_start3A_188 = tpu.memref_slice %arg4[%add3A, %dma_start3A_186, %dma_start3A_187] : memref<32x4x128xi32, #tpu.memory_space<hbm>> -> memref<1x4x128xi32, #tpu.memory_space<hbm>>
      %dma_start3A_189 = tpu.memref_squeeze %dma_start3A_188 : memref<1x4x128xi32, #tpu.memory_space<hbm>> -> memref<4x128xi32, #tpu.memory_space<hbm>>
      tpu.enqueue_dma source(%dma_start3A_189 : memref<4x128xi32, #tpu.memory_space<hbm>>) target(%arg9 : memref<4x128xi32, #tpu.memory_space<vmem>>) target_semaphore(%run_scoped3A : memref<!tpu.dma_semaphore, #tpu.memory_space<semaphore_mem>>)
      %dma_wait3A_190 = arith.constant 0 : i32
      %dma_wait3A_191 = arith.constant 0 : i32
      %dma_wait3A_192 = tpu.memref_slice %arg4[%add3A, %dma_wait3A_190, %dma_wait3A_191] : memref<32x4x128xi32, #tpu.memory_space<hbm>> -> memref<1x4x128xi32, #tpu.memory_space<hbm>>
      %dma_wait3A_193 = tpu.memref_squeeze %dma_wait3A_192 : memref<1x4x128xi32, #tpu.memory_space<hbm>> -> memref<4x128xi32, #tpu.memory_space<hbm>>
      %dma_wait3A_194 = arith.constant 0 : i32
      %dma_wait3A_195 = arith.constant 0 : i32
      %dma_wait3A_196 = tpu.memref_slice %arg4[%add3A, %dma_wait3A_194, %dma_wait3A_195] : memref<32x4x128xi32, #tpu.memory_space<hbm>> -> memref<1x4x128xi32, #tpu.memory_space<hbm>>
      %dma_wait3A_197 = tpu.memref_squeeze %dma_wait3A_196 : memref<1x4x128xi32, #tpu.memory_space<hbm>> -> memref<4x128xi32, #tpu.memory_space<hbm>>
      tpu.wait_dma2 semaphore(%run_scoped3A : memref<!tpu.dma_semaphore, #tpu.memory_space<semaphore_mem>>) src(%dma_wait3A_197 : memref<4x128xi32, #tpu.memory_space<hbm>>) dst(%arg9 : memref<4x128xi32, #tpu.memory_space<vmem>>)
      tpu.yield
    }) : () -> ()
    "tpu.region"() ({
      %run_scoped3A = tpu.sem_alloc : memref<!tpu.dma_semaphore, #tpu.memory_space<semaphore_mem>>
      tpu.enqueue_dma source(%arg6 : memref<64xf32, #tpu.memory_space<hbm>>) target(%arg13 : memref<64xf32, #tpu.memory_space<vmem>>) target_semaphore(%run_scoped3A : memref<!tpu.dma_semaphore, #tpu.memory_space<semaphore_mem>>)
      tpu.wait_dma2 semaphore(%run_scoped3A : memref<!tpu.dma_semaphore, #tpu.memory_space<semaphore_mem>>) src(%arg6 : memref<64xf32, #tpu.memory_space<hbm>>) dst(%arg13 : memref<64xf32, #tpu.memory_space<vmem>>)
      tpu.yield
    }) : () -> ()
    %dma_start3A = arith.constant 0 : i32
    %dma_start3A_3 = tpu.memref_slice %arg5[%mul3A_2, %dma_start3A] : memref<16384x64xf32, #tpu.memory_space<hbm>> -> memref<512x64xf32, #tpu.memory_space<hbm>>
    %dma_start3A_4 = arith.constant 0 : i32
    %dma_start3A_5 = tpu.memref_slice %arg5[%mul3A_2, %dma_start3A_4] : memref<16384x64xf32, #tpu.memory_space<hbm>> -> memref<512x64xf32, #tpu.memory_space<hbm>>
    tpu.enqueue_dma source(%dma_start3A_5 : memref<512x64xf32, #tpu.memory_space<hbm>>) target(%arg12 : memref<512x64xf32, #tpu.memory_space<vmem>>) target_semaphore(%arg15 : memref<!tpu.dma_semaphore, #tpu.memory_space<semaphore_mem>>)
    %dma_start3A_6 = arith.constant 0 : i32
    %dma_start3A_7 = arith.constant 0 : i32
    %dma_start3A_8 = arith.constant 0 : i32
    %dma_start3A_9 = tpu.memref_slice %arg10[%dma_start3A_7, %dma_start3A_8] : memref<512x64xf32, #tpu.memory_space<vmem>> -> memref<128x64xf32, #tpu.memory_space<vmem>>
    %dma_start3A_10 = arith.constant 0 : i32
    %dma_start3A_11 = tpu.memref_slice %arg8[%dma_start3A_6, %dma_start3A_10] : memref<4x128xi32, #tpu.memory_space<vmem>> -> memref<1x128xi32, #tpu.memory_space<vmem>>
    %dma_start3A_12 = tpu.memref_squeeze %dma_start3A_11 : memref<1x128xi32, #tpu.memory_space<vmem>> -> memref<128xi32, #tpu.memory_space<vmem>>
    %dma_start3A_13 = arith.constant 0 : i32
    %dma_start3A_14 = arith.constant 0 : i32
    %dma_start3A_15 = tpu.memref_slice %arg2[%dma_start3A_13, %dma_start3A_14] : memref<100000x64xf32, #tpu.memory_space<hbm>> -> memref<100000x64xf32, #tpu.memory_space<hbm>>
    tpu.enqueue_indirect_dma source(%dma_start3A_15 : memref<100000x64xf32, #tpu.memory_space<hbm>>) target(%dma_start3A_9 : memref<128x64xf32, #tpu.memory_space<vmem>>) offsets(%dma_start3A_12 : memref<128xi32, #tpu.memory_space<vmem>>) semaphore(%arg15 : memref<!tpu.dma_semaphore, #tpu.memory_space<semaphore_mem>>)
    %dma_start3A_16 = arith.constant 0 : i32
    %dma_start3A_17 = arith.constant 0 : i32
    %dma_start3A_18 = arith.constant 0 : i32
    %dma_start3A_19 = tpu.memref_slice %arg11[%dma_start3A_17, %dma_start3A_18] : memref<512x64xf32, #tpu.memory_space<vmem>> -> memref<128x64xf32, #tpu.memory_space<vmem>>
    %dma_start3A_20 = arith.constant 0 : i32
    %dma_start3A_21 = tpu.memref_slice %arg9[%dma_start3A_16, %dma_start3A_20] : memref<4x128xi32, #tpu.memory_space<vmem>> -> memref<1x128xi32, #tpu.memory_space<vmem>>
    %dma_start3A_22 = tpu.memref_squeeze %dma_start3A_21 : memref<1x128xi32, #tpu.memory_space<vmem>> -> memref<128xi32, #tpu.memory_space<vmem>>
    %dma_start3A_23 = arith.constant 0 : i32
    %dma_start3A_24 = arith.constant 0 : i32
    %dma_start3A_25 = tpu.memref_slice %arg2[%dma_start3A_23, %dma_start3A_24] : memref<100000x64xf32, #tpu.memory_space<hbm>> -> memref<100000x64xf32, #tpu.memory_space<hbm>>
    tpu.enqueue_indirect_dma source(%dma_start3A_25 : memref<100000x64xf32, #tpu.memory_space<hbm>>) target(%dma_start3A_19 : memref<128x64xf32, #tpu.memory_space<vmem>>) offsets(%dma_start3A_22 : memref<128xi32, #tpu.memory_space<vmem>>) semaphore(%arg15 : memref<!tpu.dma_semaphore, #tpu.memory_space<semaphore_mem>>)
    %dma_start3A_26 = arith.constant 1 : i32
    %dma_start3A_27 = arith.constant 128 : i32
    %dma_start3A_28 = arith.constant 0 : i32
    %dma_start3A_29 = tpu.memref_slice %arg10[%dma_start3A_27, %dma_start3A_28] : memref<512x64xf32, #tpu.memory_space<vmem>> -> memref<128x64xf32, #tpu.memory_space<vmem>>
    %dma_start3A_30 = arith.constant 0 : i32
    %dma_start3A_31 = tpu.memref_slice %arg8[%dma_start3A_26, %dma_start3A_30] : memref<4x128xi32, #tpu.memory_space<vmem>> -> memref<1x128xi32, #tpu.memory_space<vmem>>
    %dma_start3A_32 = tpu.memref_squeeze %dma_start3A_31 : memref<1x128xi32, #tpu.memory_space<vmem>> -> memref<128xi32, #tpu.memory_space<vmem>>
    %dma_start3A_33 = arith.constant 0 : i32
    %dma_start3A_34 = arith.constant 0 : i32
    %dma_start3A_35 = tpu.memref_slice %arg2[%dma_start3A_33, %dma_start3A_34] : memref<100000x64xf32, #tpu.memory_space<hbm>> -> memref<100000x64xf32, #tpu.memory_space<hbm>>
    tpu.enqueue_indirect_dma source(%dma_start3A_35 : memref<100000x64xf32, #tpu.memory_space<hbm>>) target(%dma_start3A_29 : memref<128x64xf32, #tpu.memory_space<vmem>>) offsets(%dma_start3A_32 : memref<128xi32, #tpu.memory_space<vmem>>) semaphore(%arg15 : memref<!tpu.dma_semaphore, #tpu.memory_space<semaphore_mem>>)
    %dma_start3A_36 = arith.constant 1 : i32
    %dma_start3A_37 = arith.constant 128 : i32
    %dma_start3A_38 = arith.constant 0 : i32
    %dma_start3A_39 = tpu.memref_slice %arg11[%dma_start3A_37, %dma_start3A_38] : memref<512x64xf32, #tpu.memory_space<vmem>> -> memref<128x64xf32, #tpu.memory_space<vmem>>
    %dma_start3A_40 = arith.constant 0 : i32
    %dma_start3A_41 = tpu.memref_slice %arg9[%dma_start3A_36, %dma_start3A_40] : memref<4x128xi32, #tpu.memory_space<vmem>> -> memref<1x128xi32, #tpu.memory_space<vmem>>
    %dma_start3A_42 = tpu.memref_squeeze %dma_start3A_41 : memref<1x128xi32, #tpu.memory_space<vmem>> -> memref<128xi32, #tpu.memory_space<vmem>>
    %dma_start3A_43 = arith.constant 0 : i32
    %dma_start3A_44 = arith.constant 0 : i32
    %dma_start3A_45 = tpu.memref_slice %arg2[%dma_start3A_43, %dma_start3A_44] : memref<100000x64xf32, #tpu.memory_space<hbm>> -> memref<100000x64xf32, #tpu.memory_space<hbm>>
    tpu.enqueue_indirect_dma source(%dma_start3A_45 : memref<100000x64xf32, #tpu.memory_space<hbm>>) target(%dma_start3A_39 : memref<128x64xf32, #tpu.memory_space<vmem>>) offsets(%dma_start3A_42 : memref<128xi32, #tpu.memory_space<vmem>>) semaphore(%arg15 : memref<!tpu.dma_semaphore, #tpu.memory_space<semaphore_mem>>)
    %dma_start3A_46 = arith.constant 2 : i32
    %dma_start3A_47 = arith.constant 256 : i32
    %dma_start3A_48 = arith.constant 0 : i32
    %dma_start3A_49 = tpu.memref_slice %arg10[%dma_start3A_47, %dma_start3A_48] : memref<512x64xf32, #tpu.memory_space<vmem>> -> memref<128x64xf32, #tpu.memory_space<vmem>>
    %dma_start3A_50 = arith.constant 0 : i32
    %dma_start3A_51 = tpu.memref_slice %arg8[%dma_start3A_46, %dma_start3A_50] : memref<4x128xi32, #tpu.memory_space<vmem>> -> memref<1x128xi32, #tpu.memory_space<vmem>>
    %dma_start3A_52 = tpu.memref_squeeze %dma_start3A_51 : memref<1x128xi32, #tpu.memory_space<vmem>> -> memref<128xi32, #tpu.memory_space<vmem>>
    %dma_start3A_53 = arith.constant 0 : i32
    %dma_start3A_54 = arith.constant 0 : i32
    %dma_start3A_55 = tpu.memref_slice %arg2[%dma_start3A_53, %dma_start3A_54] : memref<100000x64xf32, #tpu.memory_space<hbm>> -> memref<100000x64xf32, #tpu.memory_space<hbm>>
    tpu.enqueue_indirect_dma source(%dma_start3A_55 : memref<100000x64xf32, #tpu.memory_space<hbm>>) target(%dma_start3A_49 : memref<128x64xf32, #tpu.memory_space<vmem>>) offsets(%dma_start3A_52 : memref<128xi32, #tpu.memory_space<vmem>>) semaphore(%arg15 : memref<!tpu.dma_semaphore, #tpu.memory_space<semaphore_mem>>)
    %dma_start3A_56 = arith.constant 2 : i32
    %dma_start3A_57 = arith.constant 256 : i32
    %dma_start3A_58 = arith.constant 0 : i32
    %dma_start3A_59 = tpu.memref_slice %arg11[%dma_start3A_57, %dma_start3A_58] : memref<512x64xf32, #tpu.memory_space<vmem>> -> memref<128x64xf32, #tpu.memory_space<vmem>>
    %dma_start3A_60 = arith.constant 0 : i32
    %dma_start3A_61 = tpu.memref_slice %arg9[%dma_start3A_56, %dma_start3A_60] : memref<4x128xi32, #tpu.memory_space<vmem>> -> memref<1x128xi32, #tpu.memory_space<vmem>>
    %dma_start3A_62 = tpu.memref_squeeze %dma_start3A_61 : memref<1x128xi32, #tpu.memory_space<vmem>> -> memref<128xi32, #tpu.memory_space<vmem>>
    %dma_start3A_63 = arith.constant 0 : i32
    %dma_start3A_64 = arith.constant 0 : i32
    %dma_start3A_65 = tpu.memref_slice %arg2[%dma_start3A_63, %dma_start3A_64] : memref<100000x64xf32, #tpu.memory_space<hbm>> -> memref<100000x64xf32, #tpu.memory_space<hbm>>
    tpu.enqueue_indirect_dma source(%dma_start3A_65 : memref<100000x64xf32, #tpu.memory_space<hbm>>) target(%dma_start3A_59 : memref<128x64xf32, #tpu.memory_space<vmem>>) offsets(%dma_start3A_62 : memref<128xi32, #tpu.memory_space<vmem>>) semaphore(%arg15 : memref<!tpu.dma_semaphore, #tpu.memory_space<semaphore_mem>>)
    %dma_start3A_66 = arith.constant 3 : i32
    %dma_start3A_67 = arith.constant 384 : i32
    %dma_start3A_68 = arith.constant 0 : i32
    %dma_start3A_69 = tpu.memref_slice %arg10[%dma_start3A_67, %dma_start3A_68] : memref<512x64xf32, #tpu.memory_space<vmem>> -> memref<128x64xf32, #tpu.memory_space<vmem>>
    %dma_start3A_70 = arith.constant 0 : i32
    %dma_start3A_71 = tpu.memref_slice %arg8[%dma_start3A_66, %dma_start3A_70] : memref<4x128xi32, #tpu.memory_space<vmem>> -> memref<1x128xi32, #tpu.memory_space<vmem>>
    %dma_start3A_72 = tpu.memref_squeeze %dma_start3A_71 : memref<1x128xi32, #tpu.memory_space<vmem>> -> memref<128xi32, #tpu.memory_space<vmem>>
    %dma_start3A_73 = arith.constant 0 : i32
    %dma_start3A_74 = arith.constant 0 : i32
    %dma_start3A_75 = tpu.memref_slice %arg2[%dma_start3A_73, %dma_start3A_74] : memref<100000x64xf32, #tpu.memory_space<hbm>> -> memref<100000x64xf32, #tpu.memory_space<hbm>>
    tpu.enqueue_indirect_dma source(%dma_start3A_75 : memref<100000x64xf32, #tpu.memory_space<hbm>>) target(%dma_start3A_69 : memref<128x64xf32, #tpu.memory_space<vmem>>) offsets(%dma_start3A_72 : memref<128xi32, #tpu.memory_space<vmem>>) semaphore(%arg15 : memref<!tpu.dma_semaphore, #tpu.memory_space<semaphore_mem>>)
    %dma_start3A_76 = arith.constant 3 : i32
    %dma_start3A_77 = arith.constant 384 : i32
    %dma_start3A_78 = arith.constant 0 : i32
    %dma_start3A_79 = tpu.memref_slice %arg11[%dma_start3A_77, %dma_start3A_78] : memref<512x64xf32, #tpu.memory_space<vmem>> -> memref<128x64xf32, #tpu.memory_space<vmem>>
    %dma_start3A_80 = arith.constant 0 : i32
    %dma_start3A_81 = tpu.memref_slice %arg9[%dma_start3A_76, %dma_start3A_80] : memref<4x128xi32, #tpu.memory_space<vmem>> -> memref<1x128xi32, #tpu.memory_space<vmem>>
    %dma_start3A_82 = tpu.memref_squeeze %dma_start3A_81 : memref<1x128xi32, #tpu.memory_space<vmem>> -> memref<128xi32, #tpu.memory_space<vmem>>
    %dma_start3A_83 = arith.constant 0 : i32
    %dma_start3A_84 = arith.constant 0 : i32
    %dma_start3A_85 = tpu.memref_slice %arg2[%dma_start3A_83, %dma_start3A_84] : memref<100000x64xf32, #tpu.memory_space<hbm>> -> memref<100000x64xf32, #tpu.memory_space<hbm>>
    tpu.enqueue_indirect_dma source(%dma_start3A_85 : memref<100000x64xf32, #tpu.memory_space<hbm>>) target(%dma_start3A_79 : memref<128x64xf32, #tpu.memory_space<vmem>>) offsets(%dma_start3A_82 : memref<128xi32, #tpu.memory_space<vmem>>) semaphore(%arg15 : memref<!tpu.dma_semaphore, #tpu.memory_space<semaphore_mem>>)
    %dma_wait3A = arith.constant 0 : i32
    %dma_wait3A_86 = tpu.memref_slice %arg5[%mul3A_2, %dma_wait3A] : memref<16384x64xf32, #tpu.memory_space<hbm>> -> memref<512x64xf32, #tpu.memory_space<hbm>>
    %dma_wait3A_87 = arith.constant 0 : i32
    %dma_wait3A_88 = tpu.memref_slice %arg5[%mul3A_2, %dma_wait3A_87] : memref<16384x64xf32, #tpu.memory_space<hbm>> -> memref<512x64xf32, #tpu.memory_space<hbm>>
    tpu.wait_dma2 semaphore(%arg15 : memref<!tpu.dma_semaphore, #tpu.memory_space<semaphore_mem>>) src(%dma_wait3A_88 : memref<512x64xf32, #tpu.memory_space<hbm>>) dst(%arg12 : memref<512x64xf32, #tpu.memory_space<vmem>>)
    %dma_wait3A_89 = arith.constant 0 : i32
    %dma_wait3A_90 = arith.constant 0 : i32
    %dma_wait3A_91 = arith.constant 0 : i32
    %dma_wait3A_92 = tpu.memref_slice %arg10[%dma_wait3A_90, %dma_wait3A_91] : memref<512x64xf32, #tpu.memory_space<vmem>> -> memref<128x64xf32, #tpu.memory_space<vmem>>
    %dma_wait3A_93 = arith.constant 0 : i32
    %dma_wait3A_94 = tpu.memref_slice %arg8[%dma_wait3A_89, %dma_wait3A_93] : memref<4x128xi32, #tpu.memory_space<vmem>> -> memref<1x128xi32, #tpu.memory_space<vmem>>
    %dma_wait3A_95 = tpu.memref_squeeze %dma_wait3A_94 : memref<1x128xi32, #tpu.memory_space<vmem>> -> memref<128xi32, #tpu.memory_space<vmem>>
    %dma_wait3A_96 = arith.constant 0 : i32
    %dma_wait3A_97 = arith.constant 0 : i32
    %dma_wait3A_98 = tpu.memref_slice %arg2[%dma_wait3A_96, %dma_wait3A_97] : memref<100000x64xf32, #tpu.memory_space<hbm>> -> memref<100000x64xf32, #tpu.memory_space<hbm>>
    tpu.wait_indirect_dma semaphore(%arg15 : memref<!tpu.dma_semaphore, #tpu.memory_space<semaphore_mem>>) src(%dma_wait3A_98 : memref<100000x64xf32, #tpu.memory_space<hbm>>) dst(%dma_wait3A_92 : memref<128x64xf32, #tpu.memory_space<vmem>>)
    %dma_wait3A_99 = arith.constant 0 : i32
    %dma_wait3A_100 = arith.constant 0 : i32
    %dma_wait3A_101 = arith.constant 0 : i32
    %dma_wait3A_102 = tpu.memref_slice %arg11[%dma_wait3A_100, %dma_wait3A_101] : memref<512x64xf32, #tpu.memory_space<vmem>> -> memref<128x64xf32, #tpu.memory_space<vmem>>
    %dma_wait3A_103 = arith.constant 0 : i32
    %dma_wait3A_104 = tpu.memref_slice %arg9[%dma_wait3A_99, %dma_wait3A_103] : memref<4x128xi32, #tpu.memory_space<vmem>> -> memref<1x128xi32, #tpu.memory_space<vmem>>
    %dma_wait3A_105 = tpu.memref_squeeze %dma_wait3A_104 : memref<1x128xi32, #tpu.memory_space<vmem>> -> memref<128xi32, #tpu.memory_space<vmem>>
    %dma_wait3A_106 = arith.constant 0 : i32
    %dma_wait3A_107 = arith.constant 0 : i32
    %dma_wait3A_108 = tpu.memref_slice %arg2[%dma_wait3A_106, %dma_wait3A_107] : memref<100000x64xf32, #tpu.memory_space<hbm>> -> memref<100000x64xf32, #tpu.memory_space<hbm>>
    tpu.wait_indirect_dma semaphore(%arg15 : memref<!tpu.dma_semaphore, #tpu.memory_space<semaphore_mem>>) src(%dma_wait3A_108 : memref<100000x64xf32, #tpu.memory_space<hbm>>) dst(%dma_wait3A_102 : memref<128x64xf32, #tpu.memory_space<vmem>>)
    %dma_wait3A_109 = arith.constant 1 : i32
    %dma_wait3A_110 = arith.constant 128 : i32
    %dma_wait3A_111 = arith.constant 0 : i32
    %dma_wait3A_112 = tpu.memref_slice %arg10[%dma_wait3A_110, %dma_wait3A_111] : memref<512x64xf32, #tpu.memory_space<vmem>> -> memref<128x64xf32, #tpu.memory_space<vmem>>
    %dma_wait3A_113 = arith.constant 0 : i32
    %dma_wait3A_114 = tpu.memref_slice %arg8[%dma_wait3A_109, %dma_wait3A_113] : memref<4x128xi32, #tpu.memory_space<vmem>> -> memref<1x128xi32, #tpu.memory_space<vmem>>
    %dma_wait3A_115 = tpu.memref_squeeze %dma_wait3A_114 : memref<1x128xi32, #tpu.memory_space<vmem>> -> memref<128xi32, #tpu.memory_space<vmem>>
    %dma_wait3A_116 = arith.constant 0 : i32
    %dma_wait3A_117 = arith.constant 0 : i32
    %dma_wait3A_118 = tpu.memref_slice %arg2[%dma_wait3A_116, %dma_wait3A_117] : memref<100000x64xf32, #tpu.memory_space<hbm>> -> memref<100000x64xf32, #tpu.memory_space<hbm>>
    tpu.wait_indirect_dma semaphore(%arg15 : memref<!tpu.dma_semaphore, #tpu.memory_space<semaphore_mem>>) src(%dma_wait3A_118 : memref<100000x64xf32, #tpu.memory_space<hbm>>) dst(%dma_wait3A_112 : memref<128x64xf32, #tpu.memory_space<vmem>>)
    %dma_wait3A_119 = arith.constant 1 : i32
    %dma_wait3A_120 = arith.constant 128 : i32
    %dma_wait3A_121 = arith.constant 0 : i32
    %dma_wait3A_122 = tpu.memref_slice %arg11[%dma_wait3A_120, %dma_wait3A_121] : memref<512x64xf32, #tpu.memory_space<vmem>> -> memref<128x64xf32, #tpu.memory_space<vmem>>
    %dma_wait3A_123 = arith.constant 0 : i32
    %dma_wait3A_124 = tpu.memref_slice %arg9[%dma_wait3A_119, %dma_wait3A_123] : memref<4x128xi32, #tpu.memory_space<vmem>> -> memref<1x128xi32, #tpu.memory_space<vmem>>
    %dma_wait3A_125 = tpu.memref_squeeze %dma_wait3A_124 : memref<1x128xi32, #tpu.memory_space<vmem>> -> memref<128xi32, #tpu.memory_space<vmem>>
    %dma_wait3A_126 = arith.constant 0 : i32
    %dma_wait3A_127 = arith.constant 0 : i32
    %dma_wait3A_128 = tpu.memref_slice %arg2[%dma_wait3A_126, %dma_wait3A_127] : memref<100000x64xf32, #tpu.memory_space<hbm>> -> memref<100000x64xf32, #tpu.memory_space<hbm>>
    tpu.wait_indirect_dma semaphore(%arg15 : memref<!tpu.dma_semaphore, #tpu.memory_space<semaphore_mem>>) src(%dma_wait3A_128 : memref<100000x64xf32, #tpu.memory_space<hbm>>) dst(%dma_wait3A_122 : memref<128x64xf32, #tpu.memory_space<vmem>>)
    %dma_wait3A_129 = arith.constant 2 : i32
    %dma_wait3A_130 = arith.constant 256 : i32
    %dma_wait3A_131 = arith.constant 0 : i32
    %dma_wait3A_132 = tpu.memref_slice %arg10[%dma_wait3A_130, %dma_wait3A_131] : memref<512x64xf32, #tpu.memory_space<vmem>> -> memref<128x64xf32, #tpu.memory_space<vmem>>
    %dma_wait3A_133 = arith.constant 0 : i32
    %dma_wait3A_134 = tpu.memref_slice %arg8[%dma_wait3A_129, %dma_wait3A_133] : memref<4x128xi32, #tpu.memory_space<vmem>> -> memref<1x128xi32, #tpu.memory_space<vmem>>
    %dma_wait3A_135 = tpu.memref_squeeze %dma_wait3A_134 : memref<1x128xi32, #tpu.memory_space<vmem>> -> memref<128xi32, #tpu.memory_space<vmem>>
    %dma_wait3A_136 = arith.constant 0 : i32
    %dma_wait3A_137 = arith.constant 0 : i32
    %dma_wait3A_138 = tpu.memref_slice %arg2[%dma_wait3A_136, %dma_wait3A_137] : memref<100000x64xf32, #tpu.memory_space<hbm>> -> memref<100000x64xf32, #tpu.memory_space<hbm>>
    tpu.wait_indirect_dma semaphore(%arg15 : memref<!tpu.dma_semaphore, #tpu.memory_space<semaphore_mem>>) src(%dma_wait3A_138 : memref<100000x64xf32, #tpu.memory_space<hbm>>) dst(%dma_wait3A_132 : memref<128x64xf32, #tpu.memory_space<vmem>>)
    %dma_wait3A_139 = arith.constant 2 : i32
    %dma_wait3A_140 = arith.constant 256 : i32
    %dma_wait3A_141 = arith.constant 0 : i32
    %dma_wait3A_142 = tpu.memref_slice %arg11[%dma_wait3A_140, %dma_wait3A_141] : memref<512x64xf32, #tpu.memory_space<vmem>> -> memref<128x64xf32, #tpu.memory_space<vmem>>
    %dma_wait3A_143 = arith.constant 0 : i32
    %dma_wait3A_144 = tpu.memref_slice %arg9[%dma_wait3A_139, %dma_wait3A_143] : memref<4x128xi32, #tpu.memory_space<vmem>> -> memref<1x128xi32, #tpu.memory_space<vmem>>
    %dma_wait3A_145 = tpu.memref_squeeze %dma_wait3A_144 : memref<1x128xi32, #tpu.memory_space<vmem>> -> memref<128xi32, #tpu.memory_space<vmem>>
    %dma_wait3A_146 = arith.constant 0 : i32
    %dma_wait3A_147 = arith.constant 0 : i32
    %dma_wait3A_148 = tpu.memref_slice %arg2[%dma_wait3A_146, %dma_wait3A_147] : memref<100000x64xf32, #tpu.memory_space<hbm>> -> memref<100000x64xf32, #tpu.memory_space<hbm>>
    tpu.wait_indirect_dma semaphore(%arg15 : memref<!tpu.dma_semaphore, #tpu.memory_space<semaphore_mem>>) src(%dma_wait3A_148 : memref<100000x64xf32, #tpu.memory_space<hbm>>) dst(%dma_wait3A_142 : memref<128x64xf32, #tpu.memory_space<vmem>>)
    %dma_wait3A_149 = arith.constant 3 : i32
    %dma_wait3A_150 = arith.constant 384 : i32
    %dma_wait3A_151 = arith.constant 0 : i32
    %dma_wait3A_152 = tpu.memref_slice %arg10[%dma_wait3A_150, %dma_wait3A_151] : memref<512x64xf32, #tpu.memory_space<vmem>> -> memref<128x64xf32, #tpu.memory_space<vmem>>
    %dma_wait3A_153 = arith.constant 0 : i32
    %dma_wait3A_154 = tpu.memref_slice %arg8[%dma_wait3A_149, %dma_wait3A_153] : memref<4x128xi32, #tpu.memory_space<vmem>> -> memref<1x128xi32, #tpu.memory_space<vmem>>
    %dma_wait3A_155 = tpu.memref_squeeze %dma_wait3A_154 : memref<1x128xi32, #tpu.memory_space<vmem>> -> memref<128xi32, #tpu.memory_space<vmem>>
    %dma_wait3A_156 = arith.constant 0 : i32
    %dma_wait3A_157 = arith.constant 0 : i32
    %dma_wait3A_158 = tpu.memref_slice %arg2[%dma_wait3A_156, %dma_wait3A_157] : memref<100000x64xf32, #tpu.memory_space<hbm>> -> memref<100000x64xf32, #tpu.memory_space<hbm>>
    tpu.wait_indirect_dma semaphore(%arg15 : memref<!tpu.dma_semaphore, #tpu.memory_space<semaphore_mem>>) src(%dma_wait3A_158 : memref<100000x64xf32, #tpu.memory_space<hbm>>) dst(%dma_wait3A_152 : memref<128x64xf32, #tpu.memory_space<vmem>>)
    %dma_wait3A_159 = arith.constant 3 : i32
    %dma_wait3A_160 = arith.constant 384 : i32
    %dma_wait3A_161 = arith.constant 0 : i32
    %dma_wait3A_162 = tpu.memref_slice %arg11[%dma_wait3A_160, %dma_wait3A_161] : memref<512x64xf32, #tpu.memory_space<vmem>> -> memref<128x64xf32, #tpu.memory_space<vmem>>
    %dma_wait3A_163 = arith.constant 0 : i32
    %dma_wait3A_164 = tpu.memref_slice %arg9[%dma_wait3A_159, %dma_wait3A_163] : memref<4x128xi32, #tpu.memory_space<vmem>> -> memref<1x128xi32, #tpu.memory_space<vmem>>
    %dma_wait3A_165 = tpu.memref_squeeze %dma_wait3A_164 : memref<1x128xi32, #tpu.memory_space<vmem>> -> memref<128xi32, #tpu.memory_space<vmem>>
    %dma_wait3A_166 = arith.constant 0 : i32
    %dma_wait3A_167 = arith.constant 0 : i32
    %dma_wait3A_168 = tpu.memref_slice %arg2[%dma_wait3A_166, %dma_wait3A_167] : memref<100000x64xf32, #tpu.memory_space<hbm>> -> memref<100000x64xf32, #tpu.memory_space<hbm>>
    tpu.wait_indirect_dma semaphore(%arg15 : memref<!tpu.dma_semaphore, #tpu.memory_space<semaphore_mem>>) src(%dma_wait3A_168 : memref<100000x64xf32, #tpu.memory_space<hbm>>) dst(%dma_wait3A_162 : memref<128x64xf32, #tpu.memory_space<vmem>>)
    %iota3A = tpu.iota {dimensions = array<i32: 0>} : vector<16xi32>
    %broadcast_in_dim3A = arith.constant 0.000000e+00 : f32
    %broadcast_in_dim3A_169 = vector.broadcast %broadcast_in_dim3A : f32 to vector<16xf32>
    %get3A = arith.constant 0 : index
    %get3A_170 = tpu.vector_load %arg13[%get3A] {strides = array<i32>} : memref<64xf32, #tpu.memory_space<vmem>>, vector<16xf32>,
    %get3A_171 = arith.constant 16 : index
    %get3A_172 = tpu.vector_load %arg13[%get3A_171] {strides = array<i32>} : memref<64xf32, #tpu.memory_space<vmem>>, vector<16xf32>,
    %get3A_173 = arith.constant 32 : index
    %get3A_174 = tpu.vector_load %arg13[%get3A_173] {strides = array<i32>} : memref<64xf32, #tpu.memory_space<vmem>>, vector<16xf32>,
    %get3A_175 = arith.constant 48 : index
    %get3A_176 = tpu.vector_load %arg13[%get3A_175] {strides = array<i32>} : memref<64xf32, #tpu.memory_space<vmem>>, vector<16xf32>,
    %scan3A = arith.constant 0 : i32
    %scan3A_177 = arith.constant 0 : i32
    %scan3A_178 = arith.constant 32 : i32
    %scan3A_179 = arith.addi %scan3A_177, %scan3A_178 : i32
    %scan3A_180 = arith.constant 1 : i32
    scf.for %scan3A_182 = %scan3A_177 to %scan3A_179 step %scan3A_180  : i32 {
      %mul3A_183 = arith.constant 16 : i32
      %mul3A_184 = arith.muli %scan3A_182, %mul3A_183 : i32
      %add3A_185 = vector.broadcast %mul3A_184 : i32 to vector<16xi32>
      %add3A_186 = arith.addi %add3A_185, %iota3A : vector<16xi32>
      %broadcast_in_dim3A_187 = arith.constant 0 : i32
      %broadcast_in_dim3A_188 = vector.broadcast %broadcast_in_dim3A_187 : i32 to vector<16xi32>
      %gather3A = tpu.vector_load_idx %arg10[%add3A_186, %broadcast_in_dim3A_188] : memref<512x64xf32, #tpu.memory_space<vmem>>[vector<16xi32>, vector<16xi32>], vector<16xf32>,
      %gather3A_189 = tpu.vector_load_idx %arg11[%add3A_186, %broadcast_in_dim3A_188] : memref<512x64xf32, #tpu.memory_space<vmem>>[vector<16xi32>, vector<16xi32>], vector<16xf32>,
      %gather3A_190 = tpu.vector_load_idx %arg12[%add3A_186, %broadcast_in_dim3A_188] : memref<512x64xf32, #tpu.memory_space<vmem>>[vector<16xi32>, vector<16xi32>], vector<16xf32>,
      %slice3A = vector.extract_strided_slice %get3A_170 {offsets = [0], sizes = [1], strides = [1]} : vector<16xf32> to vector<1xf32>
      %squeeze3A = vector.extract %slice3A[0] : f32 from vector<1xf32>
      %mul3A_191 = vector.broadcast %squeeze3A : f32 to vector<16xf32>
      %mul3A_192 = arith.mulf %gather3A_190, %mul3A_191 : vector<16xf32>
      %mul3A_193 = arith.mulf %gather3A, %gather3A : vector<16xf32>
      %add3A_194 = arith.addf %broadcast_in_dim3A_169, %mul3A_193 : vector<16xf32>
      %mul3A_195 = arith.mulf %gather3A, %mul3A_192 : vector<16xf32>
      %add3A_196 = arith.addf %broadcast_in_dim3A_169, %mul3A_195 : vector<16xf32>
      %mul3A_197 = arith.mulf %gather3A_189, %gather3A_189 : vector<16xf32>
      %add3A_198 = arith.addf %broadcast_in_dim3A_169, %mul3A_197 : vector<16xf32>
      %mul3A_199 = arith.mulf %gather3A_189, %mul3A_192 : vector<16xf32>
      %add3A_200 = arith.addf %broadcast_in_dim3A_169, %mul3A_199 : vector<16xf32>
      %broadcast_in_dim3A_201 = arith.constant 1 : i32
      %broadcast_in_dim3A_202 = vector.broadcast %broadcast_in_dim3A_201 : i32 to vector<16xi32>
      %gather3A_203 = tpu.vector_load_idx %arg10[%add3A_186, %broadcast_in_dim3A_202] : memref<512x64xf32, #tpu.memory_space<vmem>>[vector<16xi32>, vector<16xi32>], vector<16xf32>,
      %gather3A_204 = tpu.vector_load_idx %arg11[%add3A_186, %broadcast_in_dim3A_202] : memref<512x64xf32, #tpu.memory_space<vmem>>[vector<16xi32>, vector<16xi32>], vector<16xf32>,
      %gather3A_205 = tpu.vector_load_idx %arg12[%add3A_186, %broadcast_in_dim3A_202] : memref<512x64xf32, #tpu.memory_space<vmem>>[vector<16xi32>, vector<16xi32>], vector<16xf32>,
      %slice3A_206 = vector.extract_strided_slice %get3A_170 {offsets = [1], sizes = [1], strides = [1]} : vector<16xf32> to vector<1xf32>
      %squeeze3A_207 = vector.extract %slice3A_206[0] : f32 from vector<1xf32>
      %mul3A_208 = vector.broadcast %squeeze3A_207 : f32 to vector<16xf32>
      %mul3A_209 = arith.mulf %gather3A_205, %mul3A_208 : vector<16xf32>
      %mul3A_210 = arith.mulf %gather3A_203, %gather3A_203 : vector<16xf32>
      %add3A_211 = arith.addf %add3A_194, %mul3A_210 : vector<16xf32>
      %mul3A_212 = arith.mulf %gather3A_203, %mul3A_209 : vector<16xf32>
      %add3A_213 = arith.addf %add3A_196, %mul3A_212 : vector<16xf32>
      %mul3A_214 = arith.mulf %gather3A_204, %gather3A_204 : vector<16xf32>
      %add3A_215 = arith.addf %add3A_198, %mul3A_214 : vector<16xf32>
      %mul3A_216 = arith.mulf %gather3A_204, %mul3A_209 : vector<16xf32>
      %add3A_217 = arith.addf %add3A_200, %mul3A_216 : vector<16xf32>
      %broadcast_in_dim3A_218 = arith.constant 2 : i32
      %broadcast_in_dim3A_219 = vector.broadcast %broadcast_in_dim3A_218 : i32 to vector<16xi32>
      %gather3A_220 = tpu.vector_load_idx %arg10[%add3A_186, %broadcast_in_dim3A_219] : memref<512x64xf32, #tpu.memory_space<vmem>>[vector<16xi32>, vector<16xi32>], vector<16xf32>,
      %gather3A_221 = tpu.vector_load_idx %arg11[%add3A_186, %broadcast_in_dim3A_219] : memref<512x64xf32, #tpu.memory_space<vmem>>[vector<16xi32>, vector<16xi32>], vector<16xf32>,
      %gather3A_222 = tpu.vector_load_idx %arg12[%add3A_186, %broadcast_in_dim3A_219] : memref<512x64xf32, #tpu.memory_space<vmem>>[vector<16xi32>, vector<16xi32>], vector<16xf32>,
      %slice3A_223 = vector.extract_strided_slice %get3A_170 {offsets = [2], sizes = [1], strides = [1]} : vector<16xf32> to vector<1xf32>
      %squeeze3A_224 = vector.extract %slice3A_223[0] : f32 from vector<1xf32>
      %mul3A_225 = vector.broadcast %squeeze3A_224 : f32 to vector<16xf32>
      %mul3A_226 = arith.mulf %gather3A_222, %mul3A_225 : vector<16xf32>
      %mul3A_227 = arith.mulf %gather3A_220, %gather3A_220 : vector<16xf32>
      %add3A_228 = arith.addf %add3A_211, %mul3A_227 : vector<16xf32>
      %mul3A_229 = arith.mulf %gather3A_220, %mul3A_226 : vector<16xf32>
      %add3A_230 = arith.addf %add3A_213, %mul3A_229 : vector<16xf32>
      %mul3A_231 = arith.mulf %gather3A_221, %gather3A_221 : vector<16xf32>
      %add3A_232 = arith.addf %add3A_215, %mul3A_231 : vector<16xf32>
      %mul3A_233 = arith.mulf %gather3A_221, %mul3A_226 : vector<16xf32>
      %add3A_234 = arith.addf %add3A_217, %mul3A_233 : vector<16xf32>
      %broadcast_in_dim3A_235 = arith.constant 3 : i32
      %broadcast_in_dim3A_236 = vector.broadcast %broadcast_in_dim3A_235 : i32 to vector<16xi32>
      %gather3A_237 = tpu.vector_load_idx %arg10[%add3A_186, %broadcast_in_dim3A_236] : memref<512x64xf32, #tpu.memory_space<vmem>>[vector<16xi32>, vector<16xi32>], vector<16xf32>,
      %gather3A_238 = tpu.vector_load_idx %arg11[%add3A_186, %broadcast_in_dim3A_236] : memref<512x64xf32, #tpu.memory_space<vmem>>[vector<16xi32>, vector<16xi32>], vector<16xf32>,
      %gather3A_239 = tpu.vector_load_idx %arg12[%add3A_186, %broadcast_in_dim3A_236] : memref<512x64xf32, #tpu.memory_space<vmem>>[vector<16xi32>, vector<16xi32>], vector<16xf32>,
      %slice3A_240 = vector.extract_strided_slice %get3A_170 {offsets = [3], sizes = [1], strides = [1]} : vector<16xf32> to vector<1xf32>
      %squeeze3A_241 = vector.extract %slice3A_240[0] : f32 from vector<1xf32>
      %mul3A_242 = vector.broadcast %squeeze3A_241 : f32 to vector<16xf32>
      %mul3A_243 = arith.mulf %gather3A_239, %mul3A_242 : vector<16xf32>
      %mul3A_244 = arith.mulf %gather3A_237, %gather3A_237 : vector<16xf32>
      %add3A_245 = arith.addf %add3A_228, %mul3A_244 : vector<16xf32>
      %mul3A_246 = arith.mulf %gather3A_237, %mul3A_243 : vector<16xf32>
      %add3A_247 = arith.addf %add3A_230, %mul3A_246 : vector<16xf32>
      %mul3A_248 = arith.mulf %gather3A_238, %gather3A_238 : vector<16xf32>
      %add3A_249 = arith.addf %add3A_232, %mul3A_248 : vector<16xf32>
      %mul3A_250 = arith.mulf %gather3A_238, %mul3A_243 : vector<16xf32>
      %add3A_251 = arith.addf %add3A_234, %mul3A_250 : vector<16xf32>
      %broadcast_in_dim3A_252 = arith.constant 4 : i32
      %broadcast_in_dim3A_253 = vector.broadcast %broadcast_in_dim3A_252 : i32 to vector<16xi32>
      %gather3A_254 = tpu.vector_load_idx %arg10[%add3A_186, %broadcast_in_dim3A_253] : memref<512x64xf32, #tpu.memory_space<vmem>>[vector<16xi32>, vector<16xi32>], vector<16xf32>,
      %gather3A_255 = tpu.vector_load_idx %arg11[%add3A_186, %broadcast_in_dim3A_253] : memref<512x64xf32, #tpu.memory_space<vmem>>[vector<16xi32>, vector<16xi32>], vector<16xf32>,
      %gather3A_256 = tpu.vector_load_idx %arg12[%add3A_186, %broadcast_in_dim3A_253] : memref<512x64xf32, #tpu.memory_space<vmem>>[vector<16xi32>, vector<16xi32>], vector<16xf32>,
      %slice3A_257 = vector.extract_strided_slice %get3A_170 {offsets = [4], sizes = [1], strides = [1]} : vector<16xf32> to vector<1xf32>
      %squeeze3A_258 = vector.extract %slice3A_257[0] : f32 from vector<1xf32>
      %mul3A_259 = vector.broadcast %squeeze3A_258 : f32 to vector<16xf32>
      %mul3A_260 = arith.mulf %gather3A_256, %mul3A_259 : vector<16xf32>
      %mul3A_261 = arith.mulf %gather3A_254, %gather3A_254 : vector<16xf32>
      %add3A_262 = arith.addf %add3A_245, %mul3A_261 : vector<16xf32>
      %mul3A_263 = arith.mulf %gather3A_254, %mul3A_260 : vector<16xf32>
      %add3A_264 = arith.addf %add3A_247, %mul3A_263 : vector<16xf32>
      %mul3A_265 = arith.mulf %gather3A_255, %gather3A_255 : vector<16xf32>
      %add3A_266 = arith.addf %add3A_249, %mul3A_265 : vector<16xf32>
      %mul3A_267 = arith.mulf %gather3A_255, %mul3A_260 : vector<16xf32>
      %add3A_268 = arith.addf %add3A_251, %mul3A_267 : vector<16xf32>
      %broadcast_in_dim3A_269 = arith.constant 5 : i32
      %broadcast_in_dim3A_270 = vector.broadcast %broadcast_in_dim3A_269 : i32 to vector<16xi32>
      %gather3A_271 = tpu.vector_load_idx %arg10[%add3A_186, %broadcast_in_dim3A_270] : memref<512x64xf32, #tpu.memory_space<vmem>>[vector<16xi32>, vector<16xi32>], vector<16xf32>,
      %gather3A_272 = tpu.vector_load_idx %arg11[%add3A_186, %broadcast_in_dim3A_270] : memref<512x64xf32, #tpu.memory_space<vmem>>[vector<16xi32>, vector<16xi32>], vector<16xf32>,
      %gather3A_273 = tpu.vector_load_idx %arg12[%add3A_186, %broadcast_in_dim3A_270] : memref<512x64xf32, #tpu.memory_space<vmem>>[vector<16xi32>, vector<16xi32>], vector<16xf32>,
      %slice3A_274 = vector.extract_strided_slice %get3A_170 {offsets = [5], sizes = [1], strides = [1]} : vector<16xf32> to vector<1xf32>
      %squeeze3A_275 = vector.extract %slice3A_274[0] : f32 from vector<1xf32>
      %mul3A_276 = vector.broadcast %squeeze3A_275 : f32 to vector<16xf32>
      %mul3A_277 = arith.mulf %gather3A_273, %mul3A_276 : vector<16xf32>
      %mul3A_278 = arith.mulf %gather3A_271, %gather3A_271 : vector<16xf32>
      %add3A_279 = arith.addf %add3A_262, %mul3A_278 : vector<16xf32>
      %mul3A_280 = arith.mulf %gather3A_271, %mul3A_277 : vector<16xf32>
      %add3A_281 = arith.addf %add3A_264, %mul3A_280 : vector<16xf32>
      %mul3A_282 = arith.mulf %gather3A_272, %gather3A_272 : vector<16xf32>
      %add3A_283 = arith.addf %add3A_266, %mul3A_282 : vector<16xf32>
      %mul3A_284 = arith.mulf %gather3A_272, %mul3A_277 : vector<16xf32>
      %add3A_285 = arith.addf %add3A_268, %mul3A_284 : vector<16xf32>
      %broadcast_in_dim3A_286 = arith.constant 6 : i32
      %broadcast_in_dim3A_287 = vector.broadcast %broadcast_in_dim3A_286 : i32 to vector<16xi32>
      %gather3A_288 = tpu.vector_load_idx %arg10[%add3A_186, %broadcast_in_dim3A_287] : memref<512x64xf32, #tpu.memory_space<vmem>>[vector<16xi32>, vector<16xi32>], vector<16xf32>,
      %gather3A_289 = tpu.vector_load_idx %arg11[%add3A_186, %broadcast_in_dim3A_287] : memref<512x64xf32, #tpu.memory_space<vmem>>[vector<16xi32>, vector<16xi32>], vector<16xf32>,
      %gather3A_290 = tpu.vector_load_idx %arg12[%add3A_186, %broadcast_in_dim3A_287] : memref<512x64xf32, #tpu.memory_space<vmem>>[vector<16xi32>, vector<16xi32>], vector<16xf32>,
      %slice3A_291 = vector.extract_strided_slice %get3A_170 {offsets = [6], sizes = [1], strides = [1]} : vector<16xf32> to vector<1xf32>
      %squeeze3A_292 = vector.extract %slice3A_291[0] : f32 from vector<1xf32>
      %mul3A_293 = vector.broadcast %squeeze3A_292 : f32 to vector<16xf32>
      %mul3A_294 = arith.mulf %gather3A_290, %mul3A_293 : vector<16xf32>
      %mul3A_295 = arith.mulf %gather3A_288, %gather3A_288 : vector<16xf32>
      %add3A_296 = arith.addf %add3A_279, %mul3A_295 : vector<16xf32>
      %mul3A_297 = arith.mulf %gather3A_288, %mul3A_294 : vector<16xf32>
      %add3A_298 = arith.addf %add3A_281, %mul3A_297 : vector<16xf32>
      %mul3A_299 = arith.mulf %gather3A_289, %gather3A_289 : vector<16xf32>
      %add3A_300 = arith.addf %add3A_283, %mul3A_299 : vector<16xf32>
      %mul3A_301 = arith.mulf %gather3A_289, %mul3A_294 : vector<16xf32>
      %add3A_302 = arith.addf %add3A_285, %mul3A_301 : vector<16xf32>
      %broadcast_in_dim3A_303 = arith.constant 7 : i32
      %broadcast_in_dim3A_304 = vector.broadcast %broadcast_in_dim3A_303 : i32 to vector<16xi32>
      %gather3A_305 = tpu.vector_load_idx %arg10[%add3A_186, %broadcast_in_dim3A_304] : memref<512x64xf32, #tpu.memory_space<vmem>>[vector<16xi32>, vector<16xi32>], vector<16xf32>,
      %gather3A_306 = tpu.vector_load_idx %arg11[%add3A_186, %broadcast_in_dim3A_304] : memref<512x64xf32, #tpu.memory_space<vmem>>[vector<16xi32>, vector<16xi32>], vector<16xf32>,
      %gather3A_307 = tpu.vector_load_idx %arg12[%add3A_186, %broadcast_in_dim3A_304] : memref<512x64xf32, #tpu.memory_space<vmem>>[vector<16xi32>, vector<16xi32>], vector<16xf32>,
      %slice3A_308 = vector.extract_strided_slice %get3A_170 {offsets = [7], sizes = [1], strides = [1]} : vector<16xf32> to vector<1xf32>
      %squeeze3A_309 = vector.extract %slice3A_308[0] : f32 from vector<1xf32>
      %mul3A_310 = vector.broadcast %squeeze3A_309 : f32 to vector<16xf32>
      %mul3A_311 = arith.mulf %gather3A_307, %mul3A_310 : vector<16xf32>
      %mul3A_312 = arith.mulf %gather3A_305, %gather3A_305 : vector<16xf32>
      %add3A_313 = arith.addf %add3A_296, %mul3A_312 : vector<16xf32>
      %mul3A_314 = arith.mulf %gather3A_305, %mul3A_311 : vector<16xf32>
      %add3A_315 = arith.addf %add3A_298, %mul3A_314 : vector<16xf32>
      %mul3A_316 = arith.mulf %gather3A_306, %gather3A_306 : vector<16xf32>
      %add3A_317 = arith.addf %add3A_300, %mul3A_316 : vector<16xf32>
      %mul3A_318 = arith.mulf %gather3A_306, %mul3A_311 : vector<16xf32>
      %add3A_319 = arith.addf %add3A_302, %mul3A_318 : vector<16xf32>
      %broadcast_in_dim3A_320 = arith.constant 8 : i32
      %broadcast_in_dim3A_321 = vector.broadcast %broadcast_in_dim3A_320 : i32 to vector<16xi32>
      %gather3A_322 = tpu.vector_load_idx %arg10[%add3A_186, %broadcast_in_dim3A_321] : memref<512x64xf32, #tpu.memory_space<vmem>>[vector<16xi32>, vector<16xi32>], vector<16xf32>,
      %gather3A_323 = tpu.vector_load_idx %arg11[%add3A_186, %broadcast_in_dim3A_321] : memref<512x64xf32, #tpu.memory_space<vmem>>[vector<16xi32>, vector<16xi32>], vector<16xf32>,
      %gather3A_324 = tpu.vector_load_idx %arg12[%add3A_186, %broadcast_in_dim3A_321] : memref<512x64xf32, #tpu.memory_space<vmem>>[vector<16xi32>, vector<16xi32>], vector<16xf32>,
      %slice3A_325 = vector.extract_strided_slice %get3A_170 {offsets = [8], sizes = [1], strides = [1]} : vector<16xf32> to vector<1xf32>
      %squeeze3A_326 = vector.extract %slice3A_325[0] : f32 from vector<1xf32>
      %mul3A_327 = vector.broadcast %squeeze3A_326 : f32 to vector<16xf32>
      %mul3A_328 = arith.mulf %gather3A_324, %mul3A_327 : vector<16xf32>
      %mul3A_329 = arith.mulf %gather3A_322, %gather3A_322 : vector<16xf32>
      %add3A_330 = arith.addf %add3A_313, %mul3A_329 : vector<16xf32>
      %mul3A_331 = arith.mulf %gather3A_322, %mul3A_328 : vector<16xf32>
      %add3A_332 = arith.addf %add3A_315, %mul3A_331 : vector<16xf32>
      %mul3A_333 = arith.mulf %gather3A_323, %gather3A_323 : vector<16xf32>
      %add3A_334 = arith.addf %add3A_317, %mul3A_333 : vector<16xf32>
      %mul3A_335 = arith.mulf %gather3A_323, %mul3A_328 : vector<16xf32>
      %add3A_336 = arith.addf %add3A_319, %mul3A_335 : vector<16xf32>
      %broadcast_in_dim3A_337 = arith.constant 9 : i32
      %broadcast_in_dim3A_338 = vector.broadcast %broadcast_in_dim3A_337 : i32 to vector<16xi32>
      %gather3A_339 = tpu.vector_load_idx %arg10[%add3A_186, %broadcast_in_dim3A_338] : memref<512x64xf32, #tpu.memory_space<vmem>>[vector<16xi32>, vector<16xi32>], vector<16xf32>,
      %gather3A_340 = tpu.vector_load_idx %arg11[%add3A_186, %broadcast_in_dim3A_338] : memref<512x64xf32, #tpu.memory_space<vmem>>[vector<16xi32>, vector<16xi32>], vector<16xf32>,
      %gather3A_341 = tpu.vector_load_idx %arg12[%add3A_186, %broadcast_in_dim3A_338] : memref<512x64xf32, #tpu.memory_space<vmem>>[vector<16xi32>, vector<16xi32>], vector<16xf32>,
      %slice3A_342 = vector.extract_strided_slice %get3A_170 {offsets = [9], sizes = [1], strides = [1]} : vector<16xf32> to vector<1xf32>
      %squeeze3A_343 = vector.extract %slice3A_342[0] : f32 from vector<1xf32>
      %mul3A_344 = vector.broadcast %squeeze3A_343 : f32 to vector<16xf32>
      %mul3A_345 = arith.mulf %gather3A_341, %mul3A_344 : vector<16xf32>
      %mul3A_346 = arith.mulf %gather3A_339, %gather3A_339 : vector<16xf32>
      %add3A_347 = arith.addf %add3A_330, %mul3A_346 : vector<16xf32>
      %mul3A_348 = arith.mulf %gather3A_339, %mul3A_345 : vector<16xf32>
      %add3A_349 = arith.addf %add3A_332, %mul3A_348 : vector<16xf32>
      %mul3A_350 = arith.mulf %gather3A_340, %gather3A_340 : vector<16xf32>
      %add3A_351 = arith.addf %add3A_334, %mul3A_350 : vector<16xf32>
      %mul3A_352 = arith.mulf %gather3A_340, %mul3A_345 : vector<16xf32>
      %add3A_353 = arith.addf %add3A_336, %mul3A_352 : vector<16xf32>
      %broadcast_in_dim3A_354 = arith.constant 10 : i32
      %broadcast_in_dim3A_355 = vector.broadcast %broadcast_in_dim3A_354 : i32 to vector<16xi32>
      %gather3A_356 = tpu.vector_load_idx %arg10[%add3A_186, %broadcast_in_dim3A_355] : memref<512x64xf32, #tpu.memory_space<vmem>>[vector<16xi32>, vector<16xi32>], vector<16xf32>,
      %gather3A_357 = tpu.vector_load_idx %arg11[%add3A_186, %broadcast_in_dim3A_355] : memref<512x64xf32, #tpu.memory_space<vmem>>[vector<16xi32>, vector<16xi32>], vector<16xf32>,
      %gather3A_358 = tpu.vector_load_idx %arg12[%add3A_186, %broadcast_in_dim3A_355] : memref<512x64xf32, #tpu.memory_space<vmem>>[vector<16xi32>, vector<16xi32>], vector<16xf32>,
      %slice3A_359 = vector.extract_strided_slice %get3A_170 {offsets = [10], sizes = [1], strides = [1]} : vector<16xf32> to vector<1xf32>
      %squeeze3A_360 = vector.extract %slice3A_359[0] : f32 from vector<1xf32>
      %mul3A_361 = vector.broadcast %squeeze3A_360 : f32 to vector<16xf32>
      %mul3A_362 = arith.mulf %gather3A_358, %mul3A_361 : vector<16xf32>
      %mul3A_363 = arith.mulf %gather3A_356, %gather3A_356 : vector<16xf32>
      %add3A_364 = arith.addf %add3A_347, %mul3A_363 : vector<16xf32>
      %mul3A_365 = arith.mulf %gather3A_356, %mul3A_362 : vector<16xf32>
      %add3A_366 = arith.addf %add3A_349, %mul3A_365 : vector<16xf32>
      %mul3A_367 = arith.mulf %gather3A_357, %gather3A_357 : vector<16xf32>
      %add3A_368 = arith.addf %add3A_351, %mul3A_367 : vector<16xf32>
      %mul3A_369 = arith.mulf %gather3A_357, %mul3A_362 : vector<16xf32>
      %add3A_370 = arith.addf %add3A_353, %mul3A_369 : vector<16xf32>
      %broadcast_in_dim3A_371 = arith.constant 11 : i32
      %broadcast_in_dim3A_372 = vector.broadcast %broadcast_in_dim3A_371 : i32 to vector<16xi32>
      %gather3A_373 = tpu.vector_load_idx %arg10[%add3A_186, %broadcast_in_dim3A_372] : memref<512x64xf32, #tpu.memory_space<vmem>>[vector<16xi32>, vector<16xi32>], vector<16xf32>,
      %gather3A_374 = tpu.vector_load_idx %arg11[%add3A_186, %broadcast_in_dim3A_372] : memref<512x64xf32, #tpu.memory_space<vmem>>[vector<16xi32>, vector<16xi32>], vector<16xf32>,
      %gather3A_375 = tpu.vector_load_idx %arg12[%add3A_186, %broadcast_in_dim3A_372] : memref<512x64xf32, #tpu.memory_space<vmem>>[vector<16xi32>, vector<16xi32>], vector<16xf32>,
      %slice3A_376 = vector.extract_strided_slice %get3A_170 {offsets = [11], sizes = [1], strides = [1]} : vector<16xf32> to vector<1xf32>
      %squeeze3A_377 = vector.extract %slice3A_376[0] : f32 from vector<1xf32>
      %mul3A_378 = vector.broadcast %squeeze3A_377 : f32 to vector<16xf32>
      %mul3A_379 = arith.mulf %gather3A_375, %mul3A_378 : vector<16xf32>
      %mul3A_380 = arith.mulf %gather3A_373, %gather3A_373 : vector<16xf32>
      %add3A_381 = arith.addf %add3A_364, %mul3A_380 : vector<16xf32>
      %mul3A_382 = arith.mulf %gather3A_373, %mul3A_379 : vector<16xf32>
      %add3A_383 = arith.addf %add3A_366, %mul3A_382 : vector<16xf32>
      %mul3A_384 = arith.mulf %gather3A_374, %gather3A_374 : vector<16xf32>
      %add3A_385 = arith.addf %add3A_368, %mul3A_384 : vector<16xf32>
      %mul3A_386 = arith.mulf %gather3A_374, %mul3A_379 : vector<16xf32>
      %add3A_387 = arith.addf %add3A_370, %mul3A_386 : vector<16xf32>
      %broadcast_in_dim3A_388 = arith.constant 12 : i32
      %broadcast_in_dim3A_389 = vector.broadcast %broadcast_in_dim3A_388 : i32 to vector<16xi32>
      %gather3A_390 = tpu.vector_load_idx %arg10[%add3A_186, %broadcast_in_dim3A_389] : memref<512x64xf32, #tpu.memory_space<vmem>>[vector<16xi32>, vector<16xi32>], vector<16xf32>,
      %gather3A_391 = tpu.vector_load_idx %arg11[%add3A_186, %broadcast_in_dim3A_389] : memref<512x64xf32, #tpu.memory_space<vmem>>[vector<16xi32>, vector<16xi32>], vector<16xf32>,
      %gather3A_392 = tpu.vector_load_idx %arg12[%add3A_186, %broadcast_in_dim3A_389] : memref<512x64xf32, #tpu.memory_space<vmem>>[vector<16xi32>, vector<16xi32>], vector<16xf32>,
      %slice3A_393 = vector.extract_strided_slice %get3A_170 {offsets = [12], sizes = [1], strides = [1]} : vector<16xf32> to vector<1xf32>
      %squeeze3A_394 = vector.extract %slice3A_393[0] : f32 from vector<1xf32>
      %mul3A_395 = vector.broadcast %squeeze3A_394 : f32 to vector<16xf32>
      %mul3A_396 = arith.mulf %gather3A_392, %mul3A_395 : vector<16xf32>
      %mul3A_397 = arith.mulf %gather3A_390, %gather3A_390 : vector<16xf32>
      %add3A_398 = arith.addf %add3A_381, %mul3A_397 : vector<16xf32>
      %mul3A_399 = arith.mulf %gather3A_390, %mul3A_396 : vector<16xf32>
      %add3A_400 = arith.addf %add3A_383, %mul3A_399 : vector<16xf32>
      %mul3A_401 = arith.mulf %gather3A_391, %gather3A_391 : vector<16xf32>
      %add3A_402 = arith.addf %add3A_385, %mul3A_401 : vector<16xf32>
      %mul3A_403 = arith.mulf %gather3A_391, %mul3A_396 : vector<16xf32>
      %add3A_404 = arith.addf %add3A_387, %mul3A_403 : vector<16xf32>
      %broadcast_in_dim3A_405 = arith.constant 13 : i32
      %broadcast_in_dim3A_406 = vector.broadcast %broadcast_in_dim3A_405 : i32 to vector<16xi32>
      %gather3A_407 = tpu.vector_load_idx %arg10[%add3A_186, %broadcast_in_dim3A_406] : memref<512x64xf32, #tpu.memory_space<vmem>>[vector<16xi32>, vector<16xi32>], vector<16xf32>,
      %gather3A_408 = tpu.vector_load_idx %arg11[%add3A_186, %broadcast_in_dim3A_406] : memref<512x64xf32, #tpu.memory_space<vmem>>[vector<16xi32>, vector<16xi32>], vector<16xf32>,
      %gather3A_409 = tpu.vector_load_idx %arg12[%add3A_186, %broadcast_in_dim3A_406] : memref<512x64xf32, #tpu.memory_space<vmem>>[vector<16xi32>, vector<16xi32>], vector<16xf32>,
      %slice3A_410 = vector.extract_strided_slice %get3A_170 {offsets = [13], sizes = [1], strides = [1]} : vector<16xf32> to vector<1xf32>
      %squeeze3A_411 = vector.extract %slice3A_410[0] : f32 from vector<1xf32>
      %mul3A_412 = vector.broadcast %squeeze3A_411 : f32 to vector<16xf32>
      %mul3A_413 = arith.mulf %gather3A_409, %mul3A_412 : vector<16xf32>
      %mul3A_414 = arith.mulf %gather3A_407, %gather3A_407 : vector<16xf32>
      %add3A_415 = arith.addf %add3A_398, %mul3A_414 : vector<16xf32>
      %mul3A_416 = arith.mulf %gather3A_407, %mul3A_413 : vector<16xf32>
      %add3A_417 = arith.addf %add3A_400, %mul3A_416 : vector<16xf32>
      %mul3A_418 = arith.mulf %gather3A_408, %gather3A_408 : vector<16xf32>
      %add3A_419 = arith.addf %add3A_402, %mul3A_418 : vector<16xf32>
      %mul3A_420 = arith.mulf %gather3A_408, %mul3A_413 : vector<16xf32>
      %add3A_421 = arith.addf %add3A_404, %mul3A_420 : vector<16xf32>
      %broadcast_in_dim3A_422 = arith.constant 14 : i32
      %broadcast_in_dim3A_423 = vector.broadcast %broadcast_in_dim3A_422 : i32 to vector<16xi32>
      %gather3A_424 = tpu.vector_load_idx %arg10[%add3A_186, %broadcast_in_dim3A_423] : memref<512x64xf32, #tpu.memory_space<vmem>>[vector<16xi32>, vector<16xi32>], vector<16xf32>,
      %gather3A_425 = tpu.vector_load_idx %arg11[%add3A_186, %broadcast_in_dim3A_423] : memref<512x64xf32, #tpu.memory_space<vmem>>[vector<16xi32>, vector<16xi32>], vector<16xf32>,
      %gather3A_426 = tpu.vector_load_idx %arg12[%add3A_186, %broadcast_in_dim3A_423] : memref<512x64xf32, #tpu.memory_space<vmem>>[vector<16xi32>, vector<16xi32>], vector<16xf32>,
      %slice3A_427 = vector.extract_strided_slice %get3A_170 {offsets = [14], sizes = [1], strides = [1]} : vector<16xf32> to vector<1xf32>
      %squeeze3A_428 = vector.extract %slice3A_427[0] : f32 from vector<1xf32>
      %mul3A_429 = vector.broadcast %squeeze3A_428 : f32 to vector<16xf32>
      %mul3A_430 = arith.mulf %gather3A_426, %mul3A_429 : vector<16xf32>
      %mul3A_431 = arith.mulf %gather3A_424, %gather3A_424 : vector<16xf32>
      %add3A_432 = arith.addf %add3A_415, %mul3A_431 : vector<16xf32>
      %mul3A_433 = arith.mulf %gather3A_424, %mul3A_430 : vector<16xf32>
      %add3A_434 = arith.addf %add3A_417, %mul3A_433 : vector<16xf32>
      %mul3A_435 = arith.mulf %gather3A_425, %gather3A_425 : vector<16xf32>
      %add3A_436 = arith.addf %add3A_419, %mul3A_435 : vector<16xf32>
      %mul3A_437 = arith.mulf %gather3A_425, %mul3A_430 : vector<16xf32>
      %add3A_438 = arith.addf %add3A_421, %mul3A_437 : vector<16xf32>
      %broadcast_in_dim3A_439 = arith.constant 15 : i32
      %broadcast_in_dim3A_440 = vector.broadcast %broadcast_in_dim3A_439 : i32 to vector<16xi32>
      %gather3A_441 = tpu.vector_load_idx %arg10[%add3A_186, %broadcast_in_dim3A_440] : memref<512x64xf32, #tpu.memory_space<vmem>>[vector<16xi32>, vector<16xi32>], vector<16xf32>,
      %gather3A_442 = tpu.vector_load_idx %arg11[%add3A_186, %broadcast_in_dim3A_440] : memref<512x64xf32, #tpu.memory_space<vmem>>[vector<16xi32>, vector<16xi32>], vector<16xf32>,
      %gather3A_443 = tpu.vector_load_idx %arg12[%add3A_186, %broadcast_in_dim3A_440] : memref<512x64xf32, #tpu.memory_space<vmem>>[vector<16xi32>, vector<16xi32>], vector<16xf32>,
      %slice3A_444 = vector.extract_strided_slice %get3A_170 {offsets = [15], sizes = [1], strides = [1]} : vector<16xf32> to vector<1xf32>
      %squeeze3A_445 = vector.extract %slice3A_444[0] : f32 from vector<1xf32>
      %mul3A_446 = vector.broadcast %squeeze3A_445 : f32 to vector<16xf32>
      %mul3A_447 = arith.mulf %gather3A_443, %mul3A_446 : vector<16xf32>
      %mul3A_448 = arith.mulf %gather3A_441, %gather3A_441 : vector<16xf32>
      %add3A_449 = arith.addf %add3A_432, %mul3A_448 : vector<16xf32>
      %mul3A_450 = arith.mulf %gather3A_441, %mul3A_447 : vector<16xf32>
      %add3A_451 = arith.addf %add3A_434, %mul3A_450 : vector<16xf32>
      %mul3A_452 = arith.mulf %gather3A_442, %gather3A_442 : vector<16xf32>
      %add3A_453 = arith.addf %add3A_436, %mul3A_452 : vector<16xf32>
      %mul3A_454 = arith.mulf %gather3A_442, %mul3A_447 : vector<16xf32>
      %add3A_455 = arith.addf %add3A_438, %mul3A_454 : vector<16xf32>
      %broadcast_in_dim3A_456 = arith.constant 16 : i32
      %broadcast_in_dim3A_457 = vector.broadcast %broadcast_in_dim3A_456 : i32 to vector<16xi32>
      %gather3A_458 = tpu.vector_load_idx %arg10[%add3A_186, %broadcast_in_dim3A_457] : memref<512x64xf32, #tpu.memory_space<vmem>>[vector<16xi32>, vector<16xi32>], vector<16xf32>,
      %gather3A_459 = tpu.vector_load_idx %arg11[%add3A_186, %broadcast_in_dim3A_457] : memref<512x64xf32, #tpu.memory_space<vmem>>[vector<16xi32>, vector<16xi32>], vector<16xf32>,
      %gather3A_460 = tpu.vector_load_idx %arg12[%add3A_186, %broadcast_in_dim3A_457] : memref<512x64xf32, #tpu.memory_space<vmem>>[vector<16xi32>, vector<16xi32>], vector<16xf32>,
      %slice3A_461 = vector.extract_strided_slice %get3A_172 {offsets = [0], sizes = [1], strides = [1]} : vector<16xf32> to vector<1xf32>
      %squeeze3A_462 = vector.extract %slice3A_461[0] : f32 from vector<1xf32>
      %mul3A_463 = vector.broadcast %squeeze3A_462 : f32 to vector<16xf32>
      %mul3A_464 = arith.mulf %gather3A_460, %mul3A_463 : vector<16xf32>
      %mul3A_465 = arith.mulf %gather3A_458, %gather3A_458 : vector<16xf32>
      %add3A_466 = arith.addf %add3A_449, %mul3A_465 : vector<16xf32>
      %mul3A_467 = arith.mulf %gather3A_458, %mul3A_464 : vector<16xf32>
      %add3A_468 = arith.addf %add3A_451, %mul3A_467 : vector<16xf32>
      %mul3A_469 = arith.mulf %gather3A_459, %gather3A_459 : vector<16xf32>
      %add3A_470 = arith.addf %add3A_453, %mul3A_469 : vector<16xf32>
      %mul3A_471 = arith.mulf %gather3A_459, %mul3A_464 : vector<16xf32>
      %add3A_472 = arith.addf %add3A_455, %mul3A_471 : vector<16xf32>
      %broadcast_in_dim3A_473 = arith.constant 17 : i32
      %broadcast_in_dim3A_474 = vector.broadcast %broadcast_in_dim3A_473 : i32 to vector<16xi32>
      %gather3A_475 = tpu.vector_load_idx %arg10[%add3A_186, %broadcast_in_dim3A_474] : memref<512x64xf32, #tpu.memory_space<vmem>>[vector<16xi32>, vector<16xi32>], vector<16xf32>,
      %gather3A_476 = tpu.vector_load_idx %arg11[%add3A_186, %broadcast_in_dim3A_474] : memref<512x64xf32, #tpu.memory_space<vmem>>[vector<16xi32>, vector<16xi32>], vector<16xf32>,
      %gather3A_477 = tpu.vector_load_idx %arg12[%add3A_186, %broadcast_in_dim3A_474] : memref<512x64xf32, #tpu.memory_space<vmem>>[vector<16xi32>, vector<16xi32>], vector<16xf32>,
      %slice3A_478 = vector.extract_strided_slice %get3A_172 {offsets = [1], sizes = [1], strides = [1]} : vector<16xf32> to vector<1xf32>
      %squeeze3A_479 = vector.extract %slice3A_478[0] : f32 from vector<1xf32>
      %mul3A_480 = vector.broadcast %squeeze3A_479 : f32 to vector<16xf32>
      %mul3A_481 = arith.mulf %gather3A_477, %mul3A_480 : vector<16xf32>
      %mul3A_482 = arith.mulf %gather3A_475, %gather3A_475 : vector<16xf32>
      %add3A_483 = arith.addf %add3A_466, %mul3A_482 : vector<16xf32>
      %mul3A_484 = arith.mulf %gather3A_475, %mul3A_481 : vector<16xf32>
      %add3A_485 = arith.addf %add3A_468, %mul3A_484 : vector<16xf32>
      %mul3A_486 = arith.mulf %gather3A_476, %gather3A_476 : vector<16xf32>
      %add3A_487 = arith.addf %add3A_470, %mul3A_486 : vector<16xf32>
      %mul3A_488 = arith.mulf %gather3A_476, %mul3A_481 : vector<16xf32>
      %add3A_489 = arith.addf %add3A_472, %mul3A_488 : vector<16xf32>
      %broadcast_in_dim3A_490 = arith.constant 18 : i32
      %broadcast_in_dim3A_491 = vector.broadcast %broadcast_in_dim3A_490 : i32 to vector<16xi32>
      %gather3A_492 = tpu.vector_load_idx %arg10[%add3A_186, %broadcast_in_dim3A_491] : memref<512x64xf32, #tpu.memory_space<vmem>>[vector<16xi32>, vector<16xi32>], vector<16xf32>,
      %gather3A_493 = tpu.vector_load_idx %arg11[%add3A_186, %broadcast_in_dim3A_491] : memref<512x64xf32, #tpu.memory_space<vmem>>[vector<16xi32>, vector<16xi32>], vector<16xf32>,
      %gather3A_494 = tpu.vector_load_idx %arg12[%add3A_186, %broadcast_in_dim3A_491] : memref<512x64xf32, #tpu.memory_space<vmem>>[vector<16xi32>, vector<16xi32>], vector<16xf32>,
      %slice3A_495 = vector.extract_strided_slice %get3A_172 {offsets = [2], sizes = [1], strides = [1]} : vector<16xf32> to vector<1xf32>
      %squeeze3A_496 = vector.extract %slice3A_495[0] : f32 from vector<1xf32>
      %mul3A_497 = vector.broadcast %squeeze3A_496 : f32 to vector<16xf32>
      %mul3A_498 = arith.mulf %gather3A_494, %mul3A_497 : vector<16xf32>
      %mul3A_499 = arith.mulf %gather3A_492, %gather3A_492 : vector<16xf32>
      %add3A_500 = arith.addf %add3A_483, %mul3A_499 : vector<16xf32>
      %mul3A_501 = arith.mulf %gather3A_492, %mul3A_498 : vector<16xf32>
      %add3A_502 = arith.addf %add3A_485, %mul3A_501 : vector<16xf32>
      %mul3A_503 = arith.mulf %gather3A_493, %gather3A_493 : vector<16xf32>
      %add3A_504 = arith.addf %add3A_487, %mul3A_503 : vector<16xf32>
      %mul3A_505 = arith.mulf %gather3A_493, %mul3A_498 : vector<16xf32>
      %add3A_506 = arith.addf %add3A_489, %mul3A_505 : vector<16xf32>
      %broadcast_in_dim3A_507 = arith.constant 19 : i32
      %broadcast_in_dim3A_508 = vector.broadcast %broadcast_in_dim3A_507 : i32 to vector<16xi32>
      %gather3A_509 = tpu.vector_load_idx %arg10[%add3A_186, %broadcast_in_dim3A_508] : memref<512x64xf32, #tpu.memory_space<vmem>>[vector<16xi32>, vector<16xi32>], vector<16xf32>,
      %gather3A_510 = tpu.vector_load_idx %arg11[%add3A_186, %broadcast_in_dim3A_508] : memref<512x64xf32, #tpu.memory_space<vmem>>[vector<16xi32>, vector<16xi32>], vector<16xf32>,
      %gather3A_511 = tpu.vector_load_idx %arg12[%add3A_186, %broadcast_in_dim3A_508] : memref<512x64xf32, #tpu.memory_space<vmem>>[vector<16xi32>, vector<16xi32>], vector<16xf32>,
      %slice3A_512 = vector.extract_strided_slice %get3A_172 {offsets = [3], sizes = [1], strides = [1]} : vector<16xf32> to vector<1xf32>
      %squeeze3A_513 = vector.extract %slice3A_512[0] : f32 from vector<1xf32>
      %mul3A_514 = vector.broadcast %squeeze3A_513 : f32 to vector<16xf32>
      %mul3A_515 = arith.mulf %gather3A_511, %mul3A_514 : vector<16xf32>
      %mul3A_516 = arith.mulf %gather3A_509, %gather3A_509 : vector<16xf32>
      %add3A_517 = arith.addf %add3A_500, %mul3A_516 : vector<16xf32>
      %mul3A_518 = arith.mulf %gather3A_509, %mul3A_515 : vector<16xf32>
      %add3A_519 = arith.addf %add3A_502, %mul3A_518 : vector<16xf32>
      %mul3A_520 = arith.mulf %gather3A_510, %gather3A_510 : vector<16xf32>
      %add3A_521 = arith.addf %add3A_504, %mul3A_520 : vector<16xf32>
      %mul3A_522 = arith.mulf %gather3A_510, %mul3A_515 : vector<16xf32>
      %add3A_523 = arith.addf %add3A_506, %mul3A_522 : vector<16xf32>
      %broadcast_in_dim3A_524 = arith.constant 20 : i32
      %broadcast_in_dim3A_525 = vector.broadcast %broadcast_in_dim3A_524 : i32 to vector<16xi32>
      %gather3A_526 = tpu.vector_load_idx %arg10[%add3A_186, %broadcast_in_dim3A_525] : memref<512x64xf32, #tpu.memory_space<vmem>>[vector<16xi32>, vector<16xi32>], vector<16xf32>,
      %gather3A_527 = tpu.vector_load_idx %arg11[%add3A_186, %broadcast_in_dim3A_525] : memref<512x64xf32, #tpu.memory_space<vmem>>[vector<16xi32>, vector<16xi32>], vector<16xf32>,
      %gather3A_528 = tpu.vector_load_idx %arg12[%add3A_186, %broadcast_in_dim3A_525] : memref<512x64xf32, #tpu.memory_space<vmem>>[vector<16xi32>, vector<16xi32>], vector<16xf32>,
      %slice3A_529 = vector.extract_strided_slice %get3A_172 {offsets = [4], sizes = [1], strides = [1]} : vector<16xf32> to vector<1xf32>
      %squeeze3A_530 = vector.extract %slice3A_529[0] : f32 from vector<1xf32>
      %mul3A_531 = vector.broadcast %squeeze3A_530 : f32 to vector<16xf32>
      %mul3A_532 = arith.mulf %gather3A_528, %mul3A_531 : vector<16xf32>
      %mul3A_533 = arith.mulf %gather3A_526, %gather3A_526 : vector<16xf32>
      %add3A_534 = arith.addf %add3A_517, %mul3A_533 : vector<16xf32>
      %mul3A_535 = arith.mulf %gather3A_526, %mul3A_532 : vector<16xf32>
      %add3A_536 = arith.addf %add3A_519, %mul3A_535 : vector<16xf32>
      %mul3A_537 = arith.mulf %gather3A_527, %gather3A_527 : vector<16xf32>
      %add3A_538 = arith.addf %add3A_521, %mul3A_537 : vector<16xf32>
      %mul3A_539 = arith.mulf %gather3A_527, %mul3A_532 : vector<16xf32>
      %add3A_540 = arith.addf %add3A_523, %mul3A_539 : vector<16xf32>
      %broadcast_in_dim3A_541 = arith.constant 21 : i32
      %broadcast_in_dim3A_542 = vector.broadcast %broadcast_in_dim3A_541 : i32 to vector<16xi32>
      %gather3A_543 = tpu.vector_load_idx %arg10[%add3A_186, %broadcast_in_dim3A_542] : memref<512x64xf32, #tpu.memory_space<vmem>>[vector<16xi32>, vector<16xi32>], vector<16xf32>,
      %gather3A_544 = tpu.vector_load_idx %arg11[%add3A_186, %broadcast_in_dim3A_542] : memref<512x64xf32, #tpu.memory_space<vmem>>[vector<16xi32>, vector<16xi32>], vector<16xf32>,
      %gather3A_545 = tpu.vector_load_idx %arg12[%add3A_186, %broadcast_in_dim3A_542] : memref<512x64xf32, #tpu.memory_space<vmem>>[vector<16xi32>, vector<16xi32>], vector<16xf32>,
      %slice3A_546 = vector.extract_strided_slice %get3A_172 {offsets = [5], sizes = [1], strides = [1]} : vector<16xf32> to vector<1xf32>
      %squeeze3A_547 = vector.extract %slice3A_546[0] : f32 from vector<1xf32>
      %mul3A_548 = vector.broadcast %squeeze3A_547 : f32 to vector<16xf32>
      %mul3A_549 = arith.mulf %gather3A_545, %mul3A_548 : vector<16xf32>
      %mul3A_550 = arith.mulf %gather3A_543, %gather3A_543 : vector<16xf32>
      %add3A_551 = arith.addf %add3A_534, %mul3A_550 : vector<16xf32>
      %mul3A_552 = arith.mulf %gather3A_543, %mul3A_549 : vector<16xf32>
      %add3A_553 = arith.addf %add3A_536, %mul3A_552 : vector<16xf32>
      %mul3A_554 = arith.mulf %gather3A_544, %gather3A_544 : vector<16xf32>
      %add3A_555 = arith.addf %add3A_538, %mul3A_554 : vector<16xf32>
      %mul3A_556 = arith.mulf %gather3A_544, %mul3A_549 : vector<16xf32>
      %add3A_557 = arith.addf %add3A_540, %mul3A_556 : vector<16xf32>
      %broadcast_in_dim3A_558 = arith.constant 22 : i32
      %broadcast_in_dim3A_559 = vector.broadcast %broadcast_in_dim3A_558 : i32 to vector<16xi32>
      %gather3A_560 = tpu.vector_load_idx %arg10[%add3A_186, %broadcast_in_dim3A_559] : memref<512x64xf32, #tpu.memory_space<vmem>>[vector<16xi32>, vector<16xi32>], vector<16xf32>,
      %gather3A_561 = tpu.vector_load_idx %arg11[%add3A_186, %broadcast_in_dim3A_559] : memref<512x64xf32, #tpu.memory_space<vmem>>[vector<16xi32>, vector<16xi32>], vector<16xf32>,
      %gather3A_562 = tpu.vector_load_idx %arg12[%add3A_186, %broadcast_in_dim3A_559] : memref<512x64xf32, #tpu.memory_space<vmem>>[vector<16xi32>, vector<16xi32>], vector<16xf32>,
      %slice3A_563 = vector.extract_strided_slice %get3A_172 {offsets = [6], sizes = [1], strides = [1]} : vector<16xf32> to vector<1xf32>
      %squeeze3A_564 = vector.extract %slice3A_563[0] : f32 from vector<1xf32>
      %mul3A_565 = vector.broadcast %squeeze3A_564 : f32 to vector<16xf32>
      %mul3A_566 = arith.mulf %gather3A_562, %mul3A_565 : vector<16xf32>
      %mul3A_567 = arith.mulf %gather3A_560, %gather3A_560 : vector<16xf32>
      %add3A_568 = arith.addf %add3A_551, %mul3A_567 : vector<16xf32>
      %mul3A_569 = arith.mulf %gather3A_560, %mul3A_566 : vector<16xf32>
      %add3A_570 = arith.addf %add3A_553, %mul3A_569 : vector<16xf32>
      %mul3A_571 = arith.mulf %gather3A_561, %gather3A_561 : vector<16xf32>
      %add3A_572 = arith.addf %add3A_555, %mul3A_571 : vector<16xf32>
      %mul3A_573 = arith.mulf %gather3A_561, %mul3A_566 : vector<16xf32>
      %add3A_574 = arith.addf %add3A_557, %mul3A_573 : vector<16xf32>
      %broadcast_in_dim3A_575 = arith.constant 23 : i32
      %broadcast_in_dim3A_576 = vector.broadcast %broadcast_in_dim3A_575 : i32 to vector<16xi32>
      %gather3A_577 = tpu.vector_load_idx %arg10[%add3A_186, %broadcast_in_dim3A_576] : memref<512x64xf32, #tpu.memory_space<vmem>>[vector<16xi32>, vector<16xi32>], vector<16xf32>,
      %gather3A_578 = tpu.vector_load_idx %arg11[%add3A_186, %broadcast_in_dim3A_576] : memref<512x64xf32, #tpu.memory_space<vmem>>[vector<16xi32>, vector<16xi32>], vector<16xf32>,
      %gather3A_579 = tpu.vector_load_idx %arg12[%add3A_186, %broadcast_in_dim3A_576] : memref<512x64xf32, #tpu.memory_space<vmem>>[vector<16xi32>, vector<16xi32>], vector<16xf32>,
      %slice3A_580 = vector.extract_strided_slice %get3A_172 {offsets = [7], sizes = [1], strides = [1]} : vector<16xf32> to vector<1xf32>
      %squeeze3A_581 = vector.extract %slice3A_580[0] : f32 from vector<1xf32>
      %mul3A_582 = vector.broadcast %squeeze3A_581 : f32 to vector<16xf32>
      %mul3A_583 = arith.mulf %gather3A_579, %mul3A_582 : vector<16xf32>
      %mul3A_584 = arith.mulf %gather3A_577, %gather3A_577 : vector<16xf32>
      %add3A_585 = arith.addf %add3A_568, %mul3A_584 : vector<16xf32>
      %mul3A_586 = arith.mulf %gather3A_577, %mul3A_583 : vector<16xf32>
      %add3A_587 = arith.addf %add3A_570, %mul3A_586 : vector<16xf32>
      %mul3A_588 = arith.mulf %gather3A_578, %gather3A_578 : vector<16xf32>
      %add3A_589 = arith.addf %add3A_572, %mul3A_588 : vector<16xf32>
      %mul3A_590 = arith.mulf %gather3A_578, %mul3A_583 : vector<16xf32>
      %add3A_591 = arith.addf %add3A_574, %mul3A_590 : vector<16xf32>
      %broadcast_in_dim3A_592 = arith.constant 24 : i32
      %broadcast_in_dim3A_593 = vector.broadcast %broadcast_in_dim3A_592 : i32 to vector<16xi32>
      %gather3A_594 = tpu.vector_load_idx %arg10[%add3A_186, %broadcast_in_dim3A_593] : memref<512x64xf32, #tpu.memory_space<vmem>>[vector<16xi32>, vector<16xi32>], vector<16xf32>,
      %gather3A_595 = tpu.vector_load_idx %arg11[%add3A_186, %broadcast_in_dim3A_593] : memref<512x64xf32, #tpu.memory_space<vmem>>[vector<16xi32>, vector<16xi32>], vector<16xf32>,
      %gather3A_596 = tpu.vector_load_idx %arg12[%add3A_186, %broadcast_in_dim3A_593] : memref<512x64xf32, #tpu.memory_space<vmem>>[vector<16xi32>, vector<16xi32>], vector<16xf32>,
      %slice3A_597 = vector.extract_strided_slice %get3A_172 {offsets = [8], sizes = [1], strides = [1]} : vector<16xf32> to vector<1xf32>
      %squeeze3A_598 = vector.extract %slice3A_597[0] : f32 from vector<1xf32>
      %mul3A_599 = vector.broadcast %squeeze3A_598 : f32 to vector<16xf32>
      %mul3A_600 = arith.mulf %gather3A_596, %mul3A_599 : vector<16xf32>
      %mul3A_601 = arith.mulf %gather3A_594, %gather3A_594 : vector<16xf32>
      %add3A_602 = arith.addf %add3A_585, %mul3A_601 : vector<16xf32>
      %mul3A_603 = arith.mulf %gather3A_594, %mul3A_600 : vector<16xf32>
      %add3A_604 = arith.addf %add3A_587, %mul3A_603 : vector<16xf32>
      %mul3A_605 = arith.mulf %gather3A_595, %gather3A_595 : vector<16xf32>
      %add3A_606 = arith.addf %add3A_589, %mul3A_605 : vector<16xf32>
      %mul3A_607 = arith.mulf %gather3A_595, %mul3A_600 : vector<16xf32>
      %add3A_608 = arith.addf %add3A_591, %mul3A_607 : vector<16xf32>
      %broadcast_in_dim3A_609 = arith.constant 25 : i32
      %broadcast_in_dim3A_610 = vector.broadcast %broadcast_in_dim3A_609 : i32 to vector<16xi32>
      %gather3A_611 = tpu.vector_load_idx %arg10[%add3A_186, %broadcast_in_dim3A_610] : memref<512x64xf32, #tpu.memory_space<vmem>>[vector<16xi32>, vector<16xi32>], vector<16xf32>,
      %gather3A_612 = tpu.vector_load_idx %arg11[%add3A_186, %broadcast_in_dim3A_610] : memref<512x64xf32, #tpu.memory_space<vmem>>[vector<16xi32>, vector<16xi32>], vector<16xf32>,
      %gather3A_613 = tpu.vector_load_idx %arg12[%add3A_186, %broadcast_in_dim3A_610] : memref<512x64xf32, #tpu.memory_space<vmem>>[vector<16xi32>, vector<16xi32>], vector<16xf32>,
      %slice3A_614 = vector.extract_strided_slice %get3A_172 {offsets = [9], sizes = [1], strides = [1]} : vector<16xf32> to vector<1xf32>
      %squeeze3A_615 = vector.extract %slice3A_614[0] : f32 from vector<1xf32>
      %mul3A_616 = vector.broadcast %squeeze3A_615 : f32 to vector<16xf32>
      %mul3A_617 = arith.mulf %gather3A_613, %mul3A_616 : vector<16xf32>
      %mul3A_618 = arith.mulf %gather3A_611, %gather3A_611 : vector<16xf32>
      %add3A_619 = arith.addf %add3A_602, %mul3A_618 : vector<16xf32>
      %mul3A_620 = arith.mulf %gather3A_611, %mul3A_617 : vector<16xf32>
      %add3A_621 = arith.addf %add3A_604, %mul3A_620 : vector<16xf32>
      %mul3A_622 = arith.mulf %gather3A_612, %gather3A_612 : vector<16xf32>
      %add3A_623 = arith.addf %add3A_606, %mul3A_622 : vector<16xf32>
      %mul3A_624 = arith.mulf %gather3A_612, %mul3A_617 : vector<16xf32>
      %add3A_625 = arith.addf %add3A_608, %mul3A_624 : vector<16xf32>
      %broadcast_in_dim3A_626 = arith.constant 26 : i32
      %broadcast_in_dim3A_627 = vector.broadcast %broadcast_in_dim3A_626 : i32 to vector<16xi32>
      %gather3A_628 = tpu.vector_load_idx %arg10[%add3A_186, %broadcast_in_dim3A_627] : memref<512x64xf32, #tpu.memory_space<vmem>>[vector<16xi32>, vector<16xi32>], vector<16xf32>,
      %gather3A_629 = tpu.vector_load_idx %arg11[%add3A_186, %broadcast_in_dim3A_627] : memref<512x64xf32, #tpu.memory_space<vmem>>[vector<16xi32>, vector<16xi32>], vector<16xf32>,
      %gather3A_630 = tpu.vector_load_idx %arg12[%add3A_186, %broadcast_in_dim3A_627] : memref<512x64xf32, #tpu.memory_space<vmem>>[vector<16xi32>, vector<16xi32>], vector<16xf32>,
      %slice3A_631 = vector.extract_strided_slice %get3A_172 {offsets = [10], sizes = [1], strides = [1]} : vector<16xf32> to vector<1xf32>
      %squeeze3A_632 = vector.extract %slice3A_631[0] : f32 from vector<1xf32>
      %mul3A_633 = vector.broadcast %squeeze3A_632 : f32 to vector<16xf32>
      %mul3A_634 = arith.mulf %gather3A_630, %mul3A_633 : vector<16xf32>
      %mul3A_635 = arith.mulf %gather3A_628, %gather3A_628 : vector<16xf32>
      %add3A_636 = arith.addf %add3A_619, %mul3A_635 : vector<16xf32>
      %mul3A_637 = arith.mulf %gather3A_628, %mul3A_634 : vector<16xf32>
      %add3A_638 = arith.addf %add3A_621, %mul3A_637 : vector<16xf32>
      %mul3A_639 = arith.mulf %gather3A_629, %gather3A_629 : vector<16xf32>
      %add3A_640 = arith.addf %add3A_623, %mul3A_639 : vector<16xf32>
      %mul3A_641 = arith.mulf %gather3A_629, %mul3A_634 : vector<16xf32>
      %add3A_642 = arith.addf %add3A_625, %mul3A_641 : vector<16xf32>
      %broadcast_in_dim3A_643 = arith.constant 27 : i32
      %broadcast_in_dim3A_644 = vector.broadcast %broadcast_in_dim3A_643 : i32 to vector<16xi32>
      %gather3A_645 = tpu.vector_load_idx %arg10[%add3A_186, %broadcast_in_dim3A_644] : memref<512x64xf32, #tpu.memory_space<vmem>>[vector<16xi32>, vector<16xi32>], vector<16xf32>,
      %gather3A_646 = tpu.vector_load_idx %arg11[%add3A_186, %broadcast_in_dim3A_644] : memref<512x64xf32, #tpu.memory_space<vmem>>[vector<16xi32>, vector<16xi32>], vector<16xf32>,
      %gather3A_647 = tpu.vector_load_idx %arg12[%add3A_186, %broadcast_in_dim3A_644] : memref<512x64xf32, #tpu.memory_space<vmem>>[vector<16xi32>, vector<16xi32>], vector<16xf32>,
      %slice3A_648 = vector.extract_strided_slice %get3A_172 {offsets = [11], sizes = [1], strides = [1]} : vector<16xf32> to vector<1xf32>
      %squeeze3A_649 = vector.extract %slice3A_648[0] : f32 from vector<1xf32>
      %mul3A_650 = vector.broadcast %squeeze3A_649 : f32 to vector<16xf32>
      %mul3A_651 = arith.mulf %gather3A_647, %mul3A_650 : vector<16xf32>
      %mul3A_652 = arith.mulf %gather3A_645, %gather3A_645 : vector<16xf32>
      %add3A_653 = arith.addf %add3A_636, %mul3A_652 : vector<16xf32>
      %mul3A_654 = arith.mulf %gather3A_645, %mul3A_651 : vector<16xf32>
      %add3A_655 = arith.addf %add3A_638, %mul3A_654 : vector<16xf32>
      %mul3A_656 = arith.mulf %gather3A_646, %gather3A_646 : vector<16xf32>
      %add3A_657 = arith.addf %add3A_640, %mul3A_656 : vector<16xf32>
      %mul3A_658 = arith.mulf %gather3A_646, %mul3A_651 : vector<16xf32>
      %add3A_659 = arith.addf %add3A_642, %mul3A_658 : vector<16xf32>
      %broadcast_in_dim3A_660 = arith.constant 28 : i32
      %broadcast_in_dim3A_661 = vector.broadcast %broadcast_in_dim3A_660 : i32 to vector<16xi32>
      %gather3A_662 = tpu.vector_load_idx %arg10[%add3A_186, %broadcast_in_dim3A_661] : memref<512x64xf32, #tpu.memory_space<vmem>>[vector<16xi32>, vector<16xi32>], vector<16xf32>,
      %gather3A_663 = tpu.vector_load_idx %arg11[%add3A_186, %broadcast_in_dim3A_661] : memref<512x64xf32, #tpu.memory_space<vmem>>[vector<16xi32>, vector<16xi32>], vector<16xf32>,
      %gather3A_664 = tpu.vector_load_idx %arg12[%add3A_186, %broadcast_in_dim3A_661] : memref<512x64xf32, #tpu.memory_space<vmem>>[vector<16xi32>, vector<16xi32>], vector<16xf32>,
      %slice3A_665 = vector.extract_strided_slice %get3A_172 {offsets = [12], sizes = [1], strides = [1]} : vector<16xf32> to vector<1xf32>
      %squeeze3A_666 = vector.extract %slice3A_665[0] : f32 from vector<1xf32>
      %mul3A_667 = vector.broadcast %squeeze3A_666 : f32 to vector<16xf32>
      %mul3A_668 = arith.mulf %gather3A_664, %mul3A_667 : vector<16xf32>
      %mul3A_669 = arith.mulf %gather3A_662, %gather3A_662 : vector<16xf32>
      %add3A_670 = arith.addf %add3A_653, %mul3A_669 : vector<16xf32>
      %mul3A_671 = arith.mulf %gather3A_662, %mul3A_668 : vector<16xf32>
      %add3A_672 = arith.addf %add3A_655, %mul3A_671 : vector<16xf32>
      %mul3A_673 = arith.mulf %gather3A_663, %gather3A_663 : vector<16xf32>
      %add3A_674 = arith.addf %add3A_657, %mul3A_673 : vector<16xf32>
      %mul3A_675 = arith.mulf %gather3A_663, %mul3A_668 : vector<16xf32>
      %add3A_676 = arith.addf %add3A_659, %mul3A_675 : vector<16xf32>
      %broadcast_in_dim3A_677 = arith.constant 29 : i32
      %broadcast_in_dim3A_678 = vector.broadcast %broadcast_in_dim3A_677 : i32 to vector<16xi32>
      %gather3A_679 = tpu.vector_load_idx %arg10[%add3A_186, %broadcast_in_dim3A_678] : memref<512x64xf32, #tpu.memory_space<vmem>>[vector<16xi32>, vector<16xi32>], vector<16xf32>,
      %gather3A_680 = tpu.vector_load_idx %arg11[%add3A_186, %broadcast_in_dim3A_678] : memref<512x64xf32, #tpu.memory_space<vmem>>[vector<16xi32>, vector<16xi32>], vector<16xf32>,
      %gather3A_681 = tpu.vector_load_idx %arg12[%add3A_186, %broadcast_in_dim3A_678] : memref<512x64xf32, #tpu.memory_space<vmem>>[vector<16xi32>, vector<16xi32>], vector<16xf32>,
      %slice3A_682 = vector.extract_strided_slice %get3A_172 {offsets = [13], sizes = [1], strides = [1]} : vector<16xf32> to vector<1xf32>
      %squeeze3A_683 = vector.extract %slice3A_682[0] : f32 from vector<1xf32>
      %mul3A_684 = vector.broadcast %squeeze3A_683 : f32 to vector<16xf32>
      %mul3A_685 = arith.mulf %gather3A_681, %mul3A_684 : vector<16xf32>
      %mul3A_686 = arith.mulf %gather3A_679, %gather3A_679 : vector<16xf32>
      %add3A_687 = arith.addf %add3A_670, %mul3A_686 : vector<16xf32>
      %mul3A_688 = arith.mulf %gather3A_679, %mul3A_685 : vector<16xf32>
      %add3A_689 = arith.addf %add3A_672, %mul3A_688 : vector<16xf32>
      %mul3A_690 = arith.mulf %gather3A_680, %gather3A_680 : vector<16xf32>
      %add3A_691 = arith.addf %add3A_674, %mul3A_690 : vector<16xf32>
      %mul3A_692 = arith.mulf %gather3A_680, %mul3A_685 : vector<16xf32>
      %add3A_693 = arith.addf %add3A_676, %mul3A_692 : vector<16xf32>
      %broadcast_in_dim3A_694 = arith.constant 30 : i32
      %broadcast_in_dim3A_695 = vector.broadcast %broadcast_in_dim3A_694 : i32 to vector<16xi32>
      %gather3A_696 = tpu.vector_load_idx %arg10[%add3A_186, %broadcast_in_dim3A_695] : memref<512x64xf32, #tpu.memory_space<vmem>>[vector<16xi32>, vector<16xi32>], vector<16xf32>,
      %gather3A_697 = tpu.vector_load_idx %arg11[%add3A_186, %broadcast_in_dim3A_695] : memref<512x64xf32, #tpu.memory_space<vmem>>[vector<16xi32>, vector<16xi32>], vector<16xf32>,
      %gather3A_698 = tpu.vector_load_idx %arg12[%add3A_186, %broadcast_in_dim3A_695] : memref<512x64xf32, #tpu.memory_space<vmem>>[vector<16xi32>, vector<16xi32>], vector<16xf32>,
      %slice3A_699 = vector.extract_strided_slice %get3A_172 {offsets = [14], sizes = [1], strides = [1]} : vector<16xf32> to vector<1xf32>
      %squeeze3A_700 = vector.extract %slice3A_699[0] : f32 from vector<1xf32>
      %mul3A_701 = vector.broadcast %squeeze3A_700 : f32 to vector<16xf32>
      %mul3A_702 = arith.mulf %gather3A_698, %mul3A_701 : vector<16xf32>
      %mul3A_703 = arith.mulf %gather3A_696, %gather3A_696 : vector<16xf32>
      %add3A_704 = arith.addf %add3A_687, %mul3A_703 : vector<16xf32>
      %mul3A_705 = arith.mulf %gather3A_696, %mul3A_702 : vector<16xf32>
      %add3A_706 = arith.addf %add3A_689, %mul3A_705 : vector<16xf32>
      %mul3A_707 = arith.mulf %gather3A_697, %gather3A_697 : vector<16xf32>
      %add3A_708 = arith.addf %add3A_691, %mul3A_707 : vector<16xf32>
      %mul3A_709 = arith.mulf %gather3A_697, %mul3A_702 : vector<16xf32>
      %add3A_710 = arith.addf %add3A_693, %mul3A_709 : vector<16xf32>
      %broadcast_in_dim3A_711 = arith.constant 31 : i32
      %broadcast_in_dim3A_712 = vector.broadcast %broadcast_in_dim3A_711 : i32 to vector<16xi32>
      %gather3A_713 = tpu.vector_load_idx %arg10[%add3A_186, %broadcast_in_dim3A_712] : memref<512x64xf32, #tpu.memory_space<vmem>>[vector<16xi32>, vector<16xi32>], vector<16xf32>,
      %gather3A_714 = tpu.vector_load_idx %arg11[%add3A_186, %broadcast_in_dim3A_712] : memref<512x64xf32, #tpu.memory_space<vmem>>[vector<16xi32>, vector<16xi32>], vector<16xf32>,
      %gather3A_715 = tpu.vector_load_idx %arg12[%add3A_186, %broadcast_in_dim3A_712] : memref<512x64xf32, #tpu.memory_space<vmem>>[vector<16xi32>, vector<16xi32>], vector<16xf32>,
      %slice3A_716 = vector.extract_strided_slice %get3A_172 {offsets = [15], sizes = [1], strides = [1]} : vector<16xf32> to vector<1xf32>
      %squeeze3A_717 = vector.extract %slice3A_716[0] : f32 from vector<1xf32>
      %mul3A_718 = vector.broadcast %squeeze3A_717 : f32 to vector<16xf32>
      %mul3A_719 = arith.mulf %gather3A_715, %mul3A_718 : vector<16xf32>
      %mul3A_720 = arith.mulf %gather3A_713, %gather3A_713 : vector<16xf32>
      %add3A_721 = arith.addf %add3A_704, %mul3A_720 : vector<16xf32>
      %mul3A_722 = arith.mulf %gather3A_713, %mul3A_719 : vector<16xf32>
      %add3A_723 = arith.addf %add3A_706, %mul3A_722 : vector<16xf32>
      %mul3A_724 = arith.mulf %gather3A_714, %gather3A_714 : vector<16xf32>
      %add3A_725 = arith.addf %add3A_708, %mul3A_724 : vector<16xf32>
      %mul3A_726 = arith.mulf %gather3A_714, %mul3A_719 : vector<16xf32>
      %add3A_727 = arith.addf %add3A_710, %mul3A_726 : vector<16xf32>
      %broadcast_in_dim3A_728 = arith.constant 32 : i32
      %broadcast_in_dim3A_729 = vector.broadcast %broadcast_in_dim3A_728 : i32 to vector<16xi32>
      %gather3A_730 = tpu.vector_load_idx %arg10[%add3A_186, %broadcast_in_dim3A_729] : memref<512x64xf32, #tpu.memory_space<vmem>>[vector<16xi32>, vector<16xi32>], vector<16xf32>,
      %gather3A_731 = tpu.vector_load_idx %arg11[%add3A_186, %broadcast_in_dim3A_729] : memref<512x64xf32, #tpu.memory_space<vmem>>[vector<16xi32>, vector<16xi32>], vector<16xf32>,
      %gather3A_732 = tpu.vector_load_idx %arg12[%add3A_186, %broadcast_in_dim3A_729] : memref<512x64xf32, #tpu.memory_space<vmem>>[vector<16xi32>, vector<16xi32>], vector<16xf32>,
      %slice3A_733 = vector.extract_strided_slice %get3A_174 {offsets = [0], sizes = [1], strides = [1]} : vector<16xf32> to vector<1xf32>
      %squeeze3A_734 = vector.extract %slice3A_733[0] : f32 from vector<1xf32>
      %mul3A_735 = vector.broadcast %squeeze3A_734 : f32 to vector<16xf32>
      %mul3A_736 = arith.mulf %gather3A_732, %mul3A_735 : vector<16xf32>
      %mul3A_737 = arith.mulf %gather3A_730, %gather3A_730 : vector<16xf32>
      %add3A_738 = arith.addf %add3A_721, %mul3A_737 : vector<16xf32>
      %mul3A_739 = arith.mulf %gather3A_730, %mul3A_736 : vector<16xf32>
      %add3A_740 = arith.addf %add3A_723, %mul3A_739 : vector<16xf32>
      %mul3A_741 = arith.mulf %gather3A_731, %gather3A_731 : vector<16xf32>
      %add3A_742 = arith.addf %add3A_725, %mul3A_741 : vector<16xf32>
      %mul3A_743 = arith.mulf %gather3A_731, %mul3A_736 : vector<16xf32>
      %add3A_744 = arith.addf %add3A_727, %mul3A_743 : vector<16xf32>
      %broadcast_in_dim3A_745 = arith.constant 33 : i32
      %broadcast_in_dim3A_746 = vector.broadcast %broadcast_in_dim3A_745 : i32 to vector<16xi32>
      %gather3A_747 = tpu.vector_load_idx %arg10[%add3A_186, %broadcast_in_dim3A_746] : memref<512x64xf32, #tpu.memory_space<vmem>>[vector<16xi32>, vector<16xi32>], vector<16xf32>,
      %gather3A_748 = tpu.vector_load_idx %arg11[%add3A_186, %broadcast_in_dim3A_746] : memref<512x64xf32, #tpu.memory_space<vmem>>[vector<16xi32>, vector<16xi32>], vector<16xf32>,
      %gather3A_749 = tpu.vector_load_idx %arg12[%add3A_186, %broadcast_in_dim3A_746] : memref<512x64xf32, #tpu.memory_space<vmem>>[vector<16xi32>, vector<16xi32>], vector<16xf32>,
      %slice3A_750 = vector.extract_strided_slice %get3A_174 {offsets = [1], sizes = [1], strides = [1]} : vector<16xf32> to vector<1xf32>
      %squeeze3A_751 = vector.extract %slice3A_750[0] : f32 from vector<1xf32>
      %mul3A_752 = vector.broadcast %squeeze3A_751 : f32 to vector<16xf32>
      %mul3A_753 = arith.mulf %gather3A_749, %mul3A_752 : vector<16xf32>
      %mul3A_754 = arith.mulf %gather3A_747, %gather3A_747 : vector<16xf32>
      %add3A_755 = arith.addf %add3A_738, %mul3A_754 : vector<16xf32>
      %mul3A_756 = arith.mulf %gather3A_747, %mul3A_753 : vector<16xf32>
      %add3A_757 = arith.addf %add3A_740, %mul3A_756 : vector<16xf32>
      %mul3A_758 = arith.mulf %gather3A_748, %gather3A_748 : vector<16xf32>
      %add3A_759 = arith.addf %add3A_742, %mul3A_758 : vector<16xf32>
      %mul3A_760 = arith.mulf %gather3A_748, %mul3A_753 : vector<16xf32>
      %add3A_761 = arith.addf %add3A_744, %mul3A_760 : vector<16xf32>
      %broadcast_in_dim3A_762 = arith.constant 34 : i32
      %broadcast_in_dim3A_763 = vector.broadcast %broadcast_in_dim3A_762 : i32 to vector<16xi32>
      %gather3A_764 = tpu.vector_load_idx %arg10[%add3A_186, %broadcast_in_dim3A_763] : memref<512x64xf32, #tpu.memory_space<vmem>>[vector<16xi32>, vector<16xi32>], vector<16xf32>,
      %gather3A_765 = tpu.vector_load_idx %arg11[%add3A_186, %broadcast_in_dim3A_763] : memref<512x64xf32, #tpu.memory_space<vmem>>[vector<16xi32>, vector<16xi32>], vector<16xf32>,
      %gather3A_766 = tpu.vector_load_idx %arg12[%add3A_186, %broadcast_in_dim3A_763] : memref<512x64xf32, #tpu.memory_space<vmem>>[vector<16xi32>, vector<16xi32>], vector<16xf32>,
      %slice3A_767 = vector.extract_strided_slice %get3A_174 {offsets = [2], sizes = [1], strides = [1]} : vector<16xf32> to vector<1xf32>
      %squeeze3A_768 = vector.extract %slice3A_767[0] : f32 from vector<1xf32>
      %mul3A_769 = vector.broadcast %squeeze3A_768 : f32 to vector<16xf32>
      %mul3A_770 = arith.mulf %gather3A_766, %mul3A_769 : vector<16xf32>
      %mul3A_771 = arith.mulf %gather3A_764, %gather3A_764 : vector<16xf32>
      %add3A_772 = arith.addf %add3A_755, %mul3A_771 : vector<16xf32>
      %mul3A_773 = arith.mulf %gather3A_764, %mul3A_770 : vector<16xf32>
      %add3A_774 = arith.addf %add3A_757, %mul3A_773 : vector<16xf32>
      %mul3A_775 = arith.mulf %gather3A_765, %gather3A_765 : vector<16xf32>
      %add3A_776 = arith.addf %add3A_759, %mul3A_775 : vector<16xf32>
      %mul3A_777 = arith.mulf %gather3A_765, %mul3A_770 : vector<16xf32>
      %add3A_778 = arith.addf %add3A_761, %mul3A_777 : vector<16xf32>
      %broadcast_in_dim3A_779 = arith.constant 35 : i32
      %broadcast_in_dim3A_780 = vector.broadcast %broadcast_in_dim3A_779 : i32 to vector<16xi32>
      %gather3A_781 = tpu.vector_load_idx %arg10[%add3A_186, %broadcast_in_dim3A_780] : memref<512x64xf32, #tpu.memory_space<vmem>>[vector<16xi32>, vector<16xi32>], vector<16xf32>,
      %gather3A_782 = tpu.vector_load_idx %arg11[%add3A_186, %broadcast_in_dim3A_780] : memref<512x64xf32, #tpu.memory_space<vmem>>[vector<16xi32>, vector<16xi32>], vector<16xf32>,
      %gather3A_783 = tpu.vector_load_idx %arg12[%add3A_186, %broadcast_in_dim3A_780] : memref<512x64xf32, #tpu.memory_space<vmem>>[vector<16xi32>, vector<16xi32>], vector<16xf32>,
      %slice3A_784 = vector.extract_strided_slice %get3A_174 {offsets = [3], sizes = [1], strides = [1]} : vector<16xf32> to vector<1xf32>
      %squeeze3A_785 = vector.extract %slice3A_784[0] : f32 from vector<1xf32>
      %mul3A_786 = vector.broadcast %squeeze3A_785 : f32 to vector<16xf32>
      %mul3A_787 = arith.mulf %gather3A_783, %mul3A_786 : vector<16xf32>
      %mul3A_788 = arith.mulf %gather3A_781, %gather3A_781 : vector<16xf32>
      %add3A_789 = arith.addf %add3A_772, %mul3A_788 : vector<16xf32>
      %mul3A_790 = arith.mulf %gather3A_781, %mul3A_787 : vector<16xf32>
      %add3A_791 = arith.addf %add3A_774, %mul3A_790 : vector<16xf32>
      %mul3A_792 = arith.mulf %gather3A_782, %gather3A_782 : vector<16xf32>
      %add3A_793 = arith.addf %add3A_776, %mul3A_792 : vector<16xf32>
      %mul3A_794 = arith.mulf %gather3A_782, %mul3A_787 : vector<16xf32>
      %add3A_795 = arith.addf %add3A_778, %mul3A_794 : vector<16xf32>
      %broadcast_in_dim3A_796 = arith.constant 36 : i32
      %broadcast_in_dim3A_797 = vector.broadcast %broadcast_in_dim3A_796 : i32 to vector<16xi32>
      %gather3A_798 = tpu.vector_load_idx %arg10[%add3A_186, %broadcast_in_dim3A_797] : memref<512x64xf32, #tpu.memory_space<vmem>>[vector<16xi32>, vector<16xi32>], vector<16xf32>,
      %gather3A_799 = tpu.vector_load_idx %arg11[%add3A_186, %broadcast_in_dim3A_797] : memref<512x64xf32, #tpu.memory_space<vmem>>[vector<16xi32>, vector<16xi32>], vector<16xf32>,
      %gather3A_800 = tpu.vector_load_idx %arg12[%add3A_186, %broadcast_in_dim3A_797] : memref<512x64xf32, #tpu.memory_space<vmem>>[vector<16xi32>, vector<16xi32>], vector<16xf32>,
      %slice3A_801 = vector.extract_strided_slice %get3A_174 {offsets = [4], sizes = [1], strides = [1]} : vector<16xf32> to vector<1xf32>
      %squeeze3A_802 = vector.extract %slice3A_801[0] : f32 from vector<1xf32>
      %mul3A_803 = vector.broadcast %squeeze3A_802 : f32 to vector<16xf32>
      %mul3A_804 = arith.mulf %gather3A_800, %mul3A_803 : vector<16xf32>
      %mul3A_805 = arith.mulf %gather3A_798, %gather3A_798 : vector<16xf32>
      %add3A_806 = arith.addf %add3A_789, %mul3A_805 : vector<16xf32>
      %mul3A_807 = arith.mulf %gather3A_798, %mul3A_804 : vector<16xf32>
      %add3A_808 = arith.addf %add3A_791, %mul3A_807 : vector<16xf32>
      %mul3A_809 = arith.mulf %gather3A_799, %gather3A_799 : vector<16xf32>
      %add3A_810 = arith.addf %add3A_793, %mul3A_809 : vector<16xf32>
      %mul3A_811 = arith.mulf %gather3A_799, %mul3A_804 : vector<16xf32>
      %add3A_812 = arith.addf %add3A_795, %mul3A_811 : vector<16xf32>
      %broadcast_in_dim3A_813 = arith.constant 37 : i32
      %broadcast_in_dim3A_814 = vector.broadcast %broadcast_in_dim3A_813 : i32 to vector<16xi32>
      %gather3A_815 = tpu.vector_load_idx %arg10[%add3A_186, %broadcast_in_dim3A_814] : memref<512x64xf32, #tpu.memory_space<vmem>>[vector<16xi32>, vector<16xi32>], vector<16xf32>,
      %gather3A_816 = tpu.vector_load_idx %arg11[%add3A_186, %broadcast_in_dim3A_814] : memref<512x64xf32, #tpu.memory_space<vmem>>[vector<16xi32>, vector<16xi32>], vector<16xf32>,
      %gather3A_817 = tpu.vector_load_idx %arg12[%add3A_186, %broadcast_in_dim3A_814] : memref<512x64xf32, #tpu.memory_space<vmem>>[vector<16xi32>, vector<16xi32>], vector<16xf32>,
      %slice3A_818 = vector.extract_strided_slice %get3A_174 {offsets = [5], sizes = [1], strides = [1]} : vector<16xf32> to vector<1xf32>
      %squeeze3A_819 = vector.extract %slice3A_818[0] : f32 from vector<1xf32>
      %mul3A_820 = vector.broadcast %squeeze3A_819 : f32 to vector<16xf32>
      %mul3A_821 = arith.mulf %gather3A_817, %mul3A_820 : vector<16xf32>
      %mul3A_822 = arith.mulf %gather3A_815, %gather3A_815 : vector<16xf32>
      %add3A_823 = arith.addf %add3A_806, %mul3A_822 : vector<16xf32>
      %mul3A_824 = arith.mulf %gather3A_815, %mul3A_821 : vector<16xf32>
      %add3A_825 = arith.addf %add3A_808, %mul3A_824 : vector<16xf32>
      %mul3A_826 = arith.mulf %gather3A_816, %gather3A_816 : vector<16xf32>
      %add3A_827 = arith.addf %add3A_810, %mul3A_826 : vector<16xf32>
      %mul3A_828 = arith.mulf %gather3A_816, %mul3A_821 : vector<16xf32>
      %add3A_829 = arith.addf %add3A_812, %mul3A_828 : vector<16xf32>
      %broadcast_in_dim3A_830 = arith.constant 38 : i32
      %broadcast_in_dim3A_831 = vector.broadcast %broadcast_in_dim3A_830 : i32 to vector<16xi32>
      %gather3A_832 = tpu.vector_load_idx %arg10[%add3A_186, %broadcast_in_dim3A_831] : memref<512x64xf32, #tpu.memory_space<vmem>>[vector<16xi32>, vector<16xi32>], vector<16xf32>,
      %gather3A_833 = tpu.vector_load_idx %arg11[%add3A_186, %broadcast_in_dim3A_831] : memref<512x64xf32, #tpu.memory_space<vmem>>[vector<16xi32>, vector<16xi32>], vector<16xf32>,
      %gather3A_834 = tpu.vector_load_idx %arg12[%add3A_186, %broadcast_in_dim3A_831] : memref<512x64xf32, #tpu.memory_space<vmem>>[vector<16xi32>, vector<16xi32>], vector<16xf32>,
      %slice3A_835 = vector.extract_strided_slice %get3A_174 {offsets = [6], sizes = [1], strides = [1]} : vector<16xf32> to vector<1xf32>
      %squeeze3A_836 = vector.extract %slice3A_835[0] : f32 from vector<1xf32>
      %mul3A_837 = vector.broadcast %squeeze3A_836 : f32 to vector<16xf32>
      %mul3A_838 = arith.mulf %gather3A_834, %mul3A_837 : vector<16xf32>
      %mul3A_839 = arith.mulf %gather3A_832, %gather3A_832 : vector<16xf32>
      %add3A_840 = arith.addf %add3A_823, %mul3A_839 : vector<16xf32>
      %mul3A_841 = arith.mulf %gather3A_832, %mul3A_838 : vector<16xf32>
      %add3A_842 = arith.addf %add3A_825, %mul3A_841 : vector<16xf32>
      %mul3A_843 = arith.mulf %gather3A_833, %gather3A_833 : vector<16xf32>
      %add3A_844 = arith.addf %add3A_827, %mul3A_843 : vector<16xf32>
      %mul3A_845 = arith.mulf %gather3A_833, %mul3A_838 : vector<16xf32>
      %add3A_846 = arith.addf %add3A_829, %mul3A_845 : vector<16xf32>
      %broadcast_in_dim3A_847 = arith.constant 39 : i32
      %broadcast_in_dim3A_848 = vector.broadcast %broadcast_in_dim3A_847 : i32 to vector<16xi32>
      %gather3A_849 = tpu.vector_load_idx %arg10[%add3A_186, %broadcast_in_dim3A_848] : memref<512x64xf32, #tpu.memory_space<vmem>>[vector<16xi32>, vector<16xi32>], vector<16xf32>,
      %gather3A_850 = tpu.vector_load_idx %arg11[%add3A_186, %broadcast_in_dim3A_848] : memref<512x64xf32, #tpu.memory_space<vmem>>[vector<16xi32>, vector<16xi32>], vector<16xf32>,
      %gather3A_851 = tpu.vector_load_idx %arg12[%add3A_186, %broadcast_in_dim3A_848] : memref<512x64xf32, #tpu.memory_space<vmem>>[vector<16xi32>, vector<16xi32>], vector<16xf32>,
      %slice3A_852 = vector.extract_strided_slice %get3A_174 {offsets = [7], sizes = [1], strides = [1]} : vector<16xf32> to vector<1xf32>
      %squeeze3A_853 = vector.extract %slice3A_852[0] : f32 from vector<1xf32>
      %mul3A_854 = vector.broadcast %squeeze3A_853 : f32 to vector<16xf32>
      %mul3A_855 = arith.mulf %gather3A_851, %mul3A_854 : vector<16xf32>
      %mul3A_856 = arith.mulf %gather3A_849, %gather3A_849 : vector<16xf32>
      %add3A_857 = arith.addf %add3A_840, %mul3A_856 : vector<16xf32>
      %mul3A_858 = arith.mulf %gather3A_849, %mul3A_855 : vector<16xf32>
      %add3A_859 = arith.addf %add3A_842, %mul3A_858 : vector<16xf32>
      %mul3A_860 = arith.mulf %gather3A_850, %gather3A_850 : vector<16xf32>
      %add3A_861 = arith.addf %add3A_844, %mul3A_860 : vector<16xf32>
      %mul3A_862 = arith.mulf %gather3A_850, %mul3A_855 : vector<16xf32>
      %add3A_863 = arith.addf %add3A_846, %mul3A_862 : vector<16xf32>
      %broadcast_in_dim3A_864 = arith.constant 40 : i32
      %broadcast_in_dim3A_865 = vector.broadcast %broadcast_in_dim3A_864 : i32 to vector<16xi32>
      %gather3A_866 = tpu.vector_load_idx %arg10[%add3A_186, %broadcast_in_dim3A_865] : memref<512x64xf32, #tpu.memory_space<vmem>>[vector<16xi32>, vector<16xi32>], vector<16xf32>,
      %gather3A_867 = tpu.vector_load_idx %arg11[%add3A_186, %broadcast_in_dim3A_865] : memref<512x64xf32, #tpu.memory_space<vmem>>[vector<16xi32>, vector<16xi32>], vector<16xf32>,
      %gather3A_868 = tpu.vector_load_idx %arg12[%add3A_186, %broadcast_in_dim3A_865] : memref<512x64xf32, #tpu.memory_space<vmem>>[vector<16xi32>, vector<16xi32>], vector<16xf32>,
      %slice3A_869 = vector.extract_strided_slice %get3A_174 {offsets = [8], sizes = [1], strides = [1]} : vector<16xf32> to vector<1xf32>
      %squeeze3A_870 = vector.extract %slice3A_869[0] : f32 from vector<1xf32>
      %mul3A_871 = vector.broadcast %squeeze3A_870 : f32 to vector<16xf32>
      %mul3A_872 = arith.mulf %gather3A_868, %mul3A_871 : vector<16xf32>
      %mul3A_873 = arith.mulf %gather3A_866, %gather3A_866 : vector<16xf32>
      %add3A_874 = arith.addf %add3A_857, %mul3A_873 : vector<16xf32>
      %mul3A_875 = arith.mulf %gather3A_866, %mul3A_872 : vector<16xf32>
      %add3A_876 = arith.addf %add3A_859, %mul3A_875 : vector<16xf32>
      %mul3A_877 = arith.mulf %gather3A_867, %gather3A_867 : vector<16xf32>
      %add3A_878 = arith.addf %add3A_861, %mul3A_877 : vector<16xf32>
      %mul3A_879 = arith.mulf %gather3A_867, %mul3A_872 : vector<16xf32>
      %add3A_880 = arith.addf %add3A_863, %mul3A_879 : vector<16xf32>
      %broadcast_in_dim3A_881 = arith.constant 41 : i32
      %broadcast_in_dim3A_882 = vector.broadcast %broadcast_in_dim3A_881 : i32 to vector<16xi32>
      %gather3A_883 = tpu.vector_load_idx %arg10[%add3A_186, %broadcast_in_dim3A_882] : memref<512x64xf32, #tpu.memory_space<vmem>>[vector<16xi32>, vector<16xi32>], vector<16xf32>,
      %gather3A_884 = tpu.vector_load_idx %arg11[%add3A_186, %broadcast_in_dim3A_882] : memref<512x64xf32, #tpu.memory_space<vmem>>[vector<16xi32>, vector<16xi32>], vector<16xf32>,
      %gather3A_885 = tpu.vector_load_idx %arg12[%add3A_186, %broadcast_in_dim3A_882] : memref<512x64xf32, #tpu.memory_space<vmem>>[vector<16xi32>, vector<16xi32>], vector<16xf32>,
      %slice3A_886 = vector.extract_strided_slice %get3A_174 {offsets = [9], sizes = [1], strides = [1]} : vector<16xf32> to vector<1xf32>
      %squeeze3A_887 = vector.extract %slice3A_886[0] : f32 from vector<1xf32>
      %mul3A_888 = vector.broadcast %squeeze3A_887 : f32 to vector<16xf32>
      %mul3A_889 = arith.mulf %gather3A_885, %mul3A_888 : vector<16xf32>
      %mul3A_890 = arith.mulf %gather3A_883, %gather3A_883 : vector<16xf32>
      %add3A_891 = arith.addf %add3A_874, %mul3A_890 : vector<16xf32>
      %mul3A_892 = arith.mulf %gather3A_883, %mul3A_889 : vector<16xf32>
      %add3A_893 = arith.addf %add3A_876, %mul3A_892 : vector<16xf32>
      %mul3A_894 = arith.mulf %gather3A_884, %gather3A_884 : vector<16xf32>
      %add3A_895 = arith.addf %add3A_878, %mul3A_894 : vector<16xf32>
      %mul3A_896 = arith.mulf %gather3A_884, %mul3A_889 : vector<16xf32>
      %add3A_897 = arith.addf %add3A_880, %mul3A_896 : vector<16xf32>
      %broadcast_in_dim3A_898 = arith.constant 42 : i32
      %broadcast_in_dim3A_899 = vector.broadcast %broadcast_in_dim3A_898 : i32 to vector<16xi32>
      %gather3A_900 = tpu.vector_load_idx %arg10[%add3A_186, %broadcast_in_dim3A_899] : memref<512x64xf32, #tpu.memory_space<vmem>>[vector<16xi32>, vector<16xi32>], vector<16xf32>,
      %gather3A_901 = tpu.vector_load_idx %arg11[%add3A_186, %broadcast_in_dim3A_899] : memref<512x64xf32, #tpu.memory_space<vmem>>[vector<16xi32>, vector<16xi32>], vector<16xf32>,
      %gather3A_902 = tpu.vector_load_idx %arg12[%add3A_186, %broadcast_in_dim3A_899] : memref<512x64xf32, #tpu.memory_space<vmem>>[vector<16xi32>, vector<16xi32>], vector<16xf32>,
      %slice3A_903 = vector.extract_strided_slice %get3A_174 {offsets = [10], sizes = [1], strides = [1]} : vector<16xf32> to vector<1xf32>
      %squeeze3A_904 = vector.extract %slice3A_903[0] : f32 from vector<1xf32>
      %mul3A_905 = vector.broadcast %squeeze3A_904 : f32 to vector<16xf32>
      %mul3A_906 = arith.mulf %gather3A_902, %mul3A_905 : vector<16xf32>
      %mul3A_907 = arith.mulf %gather3A_900, %gather3A_900 : vector<16xf32>
      %add3A_908 = arith.addf %add3A_891, %mul3A_907 : vector<16xf32>
      %mul3A_909 = arith.mulf %gather3A_900, %mul3A_906 : vector<16xf32>
      %add3A_910 = arith.addf %add3A_893, %mul3A_909 : vector<16xf32>
      %mul3A_911 = arith.mulf %gather3A_901, %gather3A_901 : vector<16xf32>
      %add3A_912 = arith.addf %add3A_895, %mul3A_911 : vector<16xf32>
      %mul3A_913 = arith.mulf %gather3A_901, %mul3A_906 : vector<16xf32>
      %add3A_914 = arith.addf %add3A_897, %mul3A_913 : vector<16xf32>
      %broadcast_in_dim3A_915 = arith.constant 43 : i32
      %broadcast_in_dim3A_916 = vector.broadcast %broadcast_in_dim3A_915 : i32 to vector<16xi32>
      %gather3A_917 = tpu.vector_load_idx %arg10[%add3A_186, %broadcast_in_dim3A_916] : memref<512x64xf32, #tpu.memory_space<vmem>>[vector<16xi32>, vector<16xi32>], vector<16xf32>,
      %gather3A_918 = tpu.vector_load_idx %arg11[%add3A_186, %broadcast_in_dim3A_916] : memref<512x64xf32, #tpu.memory_space<vmem>>[vector<16xi32>, vector<16xi32>], vector<16xf32>,
      %gather3A_919 = tpu.vector_load_idx %arg12[%add3A_186, %broadcast_in_dim3A_916] : memref<512x64xf32, #tpu.memory_space<vmem>>[vector<16xi32>, vector<16xi32>], vector<16xf32>,
      %slice3A_920 = vector.extract_strided_slice %get3A_174 {offsets = [11], sizes = [1], strides = [1]} : vector<16xf32> to vector<1xf32>
      %squeeze3A_921 = vector.extract %slice3A_920[0] : f32 from vector<1xf32>
      %mul3A_922 = vector.broadcast %squeeze3A_921 : f32 to vector<16xf32>
      %mul3A_923 = arith.mulf %gather3A_919, %mul3A_922 : vector<16xf32>
      %mul3A_924 = arith.mulf %gather3A_917, %gather3A_917 : vector<16xf32>
      %add3A_925 = arith.addf %add3A_908, %mul3A_924 : vector<16xf32>
      %mul3A_926 = arith.mulf %gather3A_917, %mul3A_923 : vector<16xf32>
      %add3A_927 = arith.addf %add3A_910, %mul3A_926 : vector<16xf32>
      %mul3A_928 = arith.mulf %gather3A_918, %gather3A_918 : vector<16xf32>
      %add3A_929 = arith.addf %add3A_912, %mul3A_928 : vector<16xf32>
      %mul3A_930 = arith.mulf %gather3A_918, %mul3A_923 : vector<16xf32>
      %add3A_931 = arith.addf %add3A_914, %mul3A_930 : vector<16xf32>
      %broadcast_in_dim3A_932 = arith.constant 44 : i32
      %broadcast_in_dim3A_933 = vector.broadcast %broadcast_in_dim3A_932 : i32 to vector<16xi32>
      %gather3A_934 = tpu.vector_load_idx %arg10[%add3A_186, %broadcast_in_dim3A_933] : memref<512x64xf32, #tpu.memory_space<vmem>>[vector<16xi32>, vector<16xi32>], vector<16xf32>,
      %gather3A_935 = tpu.vector_load_idx %arg11[%add3A_186, %broadcast_in_dim3A_933] : memref<512x64xf32, #tpu.memory_space<vmem>>[vector<16xi32>, vector<16xi32>], vector<16xf32>,
      %gather3A_936 = tpu.vector_load_idx %arg12[%add3A_186, %broadcast_in_dim3A_933] : memref<512x64xf32, #tpu.memory_space<vmem>>[vector<16xi32>, vector<16xi32>], vector<16xf32>,
      %slice3A_937 = vector.extract_strided_slice %get3A_174 {offsets = [12], sizes = [1], strides = [1]} : vector<16xf32> to vector<1xf32>
      %squeeze3A_938 = vector.extract %slice3A_937[0] : f32 from vector<1xf32>
      %mul3A_939 = vector.broadcast %squeeze3A_938 : f32 to vector<16xf32>
      %mul3A_940 = arith.mulf %gather3A_936, %mul3A_939 : vector<16xf32>
      %mul3A_941 = arith.mulf %gather3A_934, %gather3A_934 : vector<16xf32>
      %add3A_942 = arith.addf %add3A_925, %mul3A_941 : vector<16xf32>
      %mul3A_943 = arith.mulf %gather3A_934, %mul3A_940 : vector<16xf32>
      %add3A_944 = arith.addf %add3A_927, %mul3A_943 : vector<16xf32>
      %mul3A_945 = arith.mulf %gather3A_935, %gather3A_935 : vector<16xf32>
      %add3A_946 = arith.addf %add3A_929, %mul3A_945 : vector<16xf32>
      %mul3A_947 = arith.mulf %gather3A_935, %mul3A_940 : vector<16xf32>
      %add3A_948 = arith.addf %add3A_931, %mul3A_947 : vector<16xf32>
      %broadcast_in_dim3A_949 = arith.constant 45 : i32
      %broadcast_in_dim3A_950 = vector.broadcast %broadcast_in_dim3A_949 : i32 to vector<16xi32>
      %gather3A_951 = tpu.vector_load_idx %arg10[%add3A_186, %broadcast_in_dim3A_950] : memref<512x64xf32, #tpu.memory_space<vmem>>[vector<16xi32>, vector<16xi32>], vector<16xf32>,
      %gather3A_952 = tpu.vector_load_idx %arg11[%add3A_186, %broadcast_in_dim3A_950] : memref<512x64xf32, #tpu.memory_space<vmem>>[vector<16xi32>, vector<16xi32>], vector<16xf32>,
      %gather3A_953 = tpu.vector_load_idx %arg12[%add3A_186, %broadcast_in_dim3A_950] : memref<512x64xf32, #tpu.memory_space<vmem>>[vector<16xi32>, vector<16xi32>], vector<16xf32>,
      %slice3A_954 = vector.extract_strided_slice %get3A_174 {offsets = [13], sizes = [1], strides = [1]} : vector<16xf32> to vector<1xf32>
      %squeeze3A_955 = vector.extract %slice3A_954[0] : f32 from vector<1xf32>
      %mul3A_956 = vector.broadcast %squeeze3A_955 : f32 to vector<16xf32>
      %mul3A_957 = arith.mulf %gather3A_953, %mul3A_956 : vector<16xf32>
      %mul3A_958 = arith.mulf %gather3A_951, %gather3A_951 : vector<16xf32>
      %add3A_959 = arith.addf %add3A_942, %mul3A_958 : vector<16xf32>
      %mul3A_960 = arith.mulf %gather3A_951, %mul3A_957 : vector<16xf32>
      %add3A_961 = arith.addf %add3A_944, %mul3A_960 : vector<16xf32>
      %mul3A_962 = arith.mulf %gather3A_952, %gather3A_952 : vector<16xf32>
      %add3A_963 = arith.addf %add3A_946, %mul3A_962 : vector<16xf32>
      %mul3A_964 = arith.mulf %gather3A_952, %mul3A_957 : vector<16xf32>
      %add3A_965 = arith.addf %add3A_948, %mul3A_964 : vector<16xf32>
      %broadcast_in_dim3A_966 = arith.constant 46 : i32
      %broadcast_in_dim3A_967 = vector.broadcast %broadcast_in_dim3A_966 : i32 to vector<16xi32>
      %gather3A_968 = tpu.vector_load_idx %arg10[%add3A_186, %broadcast_in_dim3A_967] : memref<512x64xf32, #tpu.memory_space<vmem>>[vector<16xi32>, vector<16xi32>], vector<16xf32>,
      %gather3A_969 = tpu.vector_load_idx %arg11[%add3A_186, %broadcast_in_dim3A_967] : memref<512x64xf32, #tpu.memory_space<vmem>>[vector<16xi32>, vector<16xi32>], vector<16xf32>,
      %gather3A_970 = tpu.vector_load_idx %arg12[%add3A_186, %broadcast_in_dim3A_967] : memref<512x64xf32, #tpu.memory_space<vmem>>[vector<16xi32>, vector<16xi32>], vector<16xf32>,
      %slice3A_971 = vector.extract_strided_slice %get3A_174 {offsets = [14], sizes = [1], strides = [1]} : vector<16xf32> to vector<1xf32>
      %squeeze3A_972 = vector.extract %slice3A_971[0] : f32 from vector<1xf32>
      %mul3A_973 = vector.broadcast %squeeze3A_972 : f32 to vector<16xf32>
      %mul3A_974 = arith.mulf %gather3A_970, %mul3A_973 : vector<16xf32>
      %mul3A_975 = arith.mulf %gather3A_968, %gather3A_968 : vector<16xf32>
      %add3A_976 = arith.addf %add3A_959, %mul3A_975 : vector<16xf32>
      %mul3A_977 = arith.mulf %gather3A_968, %mul3A_974 : vector<16xf32>
      %add3A_978 = arith.addf %add3A_961, %mul3A_977 : vector<16xf32>
      %mul3A_979 = arith.mulf %gather3A_969, %gather3A_969 : vector<16xf32>
      %add3A_980 = arith.addf %add3A_963, %mul3A_979 : vector<16xf32>
      %mul3A_981 = arith.mulf %gather3A_969, %mul3A_974 : vector<16xf32>
      %add3A_982 = arith.addf %add3A_965, %mul3A_981 : vector<16xf32>
      %broadcast_in_dim3A_983 = arith.constant 47 : i32
      %broadcast_in_dim3A_984 = vector.broadcast %broadcast_in_dim3A_983 : i32 to vector<16xi32>
      %gather3A_985 = tpu.vector_load_idx %arg10[%add3A_186, %broadcast_in_dim3A_984] : memref<512x64xf32, #tpu.memory_space<vmem>>[vector<16xi32>, vector<16xi32>], vector<16xf32>,
      %gather3A_986 = tpu.vector_load_idx %arg11[%add3A_186, %broadcast_in_dim3A_984] : memref<512x64xf32, #tpu.memory_space<vmem>>[vector<16xi32>, vector<16xi32>], vector<16xf32>,
      %gather3A_987 = tpu.vector_load_idx %arg12[%add3A_186, %broadcast_in_dim3A_984] : memref<512x64xf32, #tpu.memory_space<vmem>>[vector<16xi32>, vector<16xi32>], vector<16xf32>,
      %slice3A_988 = vector.extract_strided_slice %get3A_174 {offsets = [15], sizes = [1], strides = [1]} : vector<16xf32> to vector<1xf32>
      %squeeze3A_989 = vector.extract %slice3A_988[0] : f32 from vector<1xf32>
      %mul3A_990 = vector.broadcast %squeeze3A_989 : f32 to vector<16xf32>
      %mul3A_991 = arith.mulf %gather3A_987, %mul3A_990 : vector<16xf32>
      %mul3A_992 = arith.mulf %gather3A_985, %gather3A_985 : vector<16xf32>
      %add3A_993 = arith.addf %add3A_976, %mul3A_992 : vector<16xf32>
      %mul3A_994 = arith.mulf %gather3A_985, %mul3A_991 : vector<16xf32>
      %add3A_995 = arith.addf %add3A_978, %mul3A_994 : vector<16xf32>
      %mul3A_996 = arith.mulf %gather3A_986, %gather3A_986 : vector<16xf32>
      %add3A_997 = arith.addf %add3A_980, %mul3A_996 : vector<16xf32>
      %mul3A_998 = arith.mulf %gather3A_986, %mul3A_991 : vector<16xf32>
      %add3A_999 = arith.addf %add3A_982, %mul3A_998 : vector<16xf32>
      %broadcast_in_dim3A_1000 = arith.constant 48 : i32
      %broadcast_in_dim3A_1001 = vector.broadcast %broadcast_in_dim3A_1000 : i32 to vector<16xi32>
      %gather3A_1002 = tpu.vector_load_idx %arg10[%add3A_186, %broadcast_in_dim3A_1001] : memref<512x64xf32, #tpu.memory_space<vmem>>[vector<16xi32>, vector<16xi32>], vector<16xf32>,
      %gather3A_1003 = tpu.vector_load_idx %arg11[%add3A_186, %broadcast_in_dim3A_1001] : memref<512x64xf32, #tpu.memory_space<vmem>>[vector<16xi32>, vector<16xi32>], vector<16xf32>,
      %gather3A_1004 = tpu.vector_load_idx %arg12[%add3A_186, %broadcast_in_dim3A_1001] : memref<512x64xf32, #tpu.memory_space<vmem>>[vector<16xi32>, vector<16xi32>], vector<16xf32>,
      %slice3A_1005 = vector.extract_strided_slice %get3A_176 {offsets = [0], sizes = [1], strides = [1]} : vector<16xf32> to vector<1xf32>
      %squeeze3A_1006 = vector.extract %slice3A_1005[0] : f32 from vector<1xf32>
      %mul3A_1007 = vector.broadcast %squeeze3A_1006 : f32 to vector<16xf32>
      %mul3A_1008 = arith.mulf %gather3A_1004, %mul3A_1007 : vector<16xf32>
      %mul3A_1009 = arith.mulf %gather3A_1002, %gather3A_1002 : vector<16xf32>
      %add3A_1010 = arith.addf %add3A_993, %mul3A_1009 : vector<16xf32>
      %mul3A_1011 = arith.mulf %gather3A_1002, %mul3A_1008 : vector<16xf32>
      %add3A_1012 = arith.addf %add3A_995, %mul3A_1011 : vector<16xf32>
      %mul3A_1013 = arith.mulf %gather3A_1003, %gather3A_1003 : vector<16xf32>
      %add3A_1014 = arith.addf %add3A_997, %mul3A_1013 : vector<16xf32>
      %mul3A_1015 = arith.mulf %gather3A_1003, %mul3A_1008 : vector<16xf32>
      %add3A_1016 = arith.addf %add3A_999, %mul3A_1015 : vector<16xf32>
      %broadcast_in_dim3A_1017 = arith.constant 49 : i32
      %broadcast_in_dim3A_1018 = vector.broadcast %broadcast_in_dim3A_1017 : i32 to vector<16xi32>
      %gather3A_1019 = tpu.vector_load_idx %arg10[%add3A_186, %broadcast_in_dim3A_1018] : memref<512x64xf32, #tpu.memory_space<vmem>>[vector<16xi32>, vector<16xi32>], vector<16xf32>,
      %gather3A_1020 = tpu.vector_load_idx %arg11[%add3A_186, %broadcast_in_dim3A_1018] : memref<512x64xf32, #tpu.memory_space<vmem>>[vector<16xi32>, vector<16xi32>], vector<16xf32>,
      %gather3A_1021 = tpu.vector_load_idx %arg12[%add3A_186, %broadcast_in_dim3A_1018] : memref<512x64xf32, #tpu.memory_space<vmem>>[vector<16xi32>, vector<16xi32>], vector<16xf32>,
      %slice3A_1022 = vector.extract_strided_slice %get3A_176 {offsets = [1], sizes = [1], strides = [1]} : vector<16xf32> to vector<1xf32>
      %squeeze3A_1023 = vector.extract %slice3A_1022[0] : f32 from vector<1xf32>
      %mul3A_1024 = vector.broadcast %squeeze3A_1023 : f32 to vector<16xf32>
      %mul3A_1025 = arith.mulf %gather3A_1021, %mul3A_1024 : vector<16xf32>
      %mul3A_1026 = arith.mulf %gather3A_1019, %gather3A_1019 : vector<16xf32>
      %add3A_1027 = arith.addf %add3A_1010, %mul3A_1026 : vector<16xf32>
      %mul3A_1028 = arith.mulf %gather3A_1019, %mul3A_1025 : vector<16xf32>
      %add3A_1029 = arith.addf %add3A_1012, %mul3A_1028 : vector<16xf32>
      %mul3A_1030 = arith.mulf %gather3A_1020, %gather3A_1020 : vector<16xf32>
      %add3A_1031 = arith.addf %add3A_1014, %mul3A_1030 : vector<16xf32>
      %mul3A_1032 = arith.mulf %gather3A_1020, %mul3A_1025 : vector<16xf32>
      %add3A_1033 = arith.addf %add3A_1016, %mul3A_1032 : vector<16xf32>
      %broadcast_in_dim3A_1034 = arith.constant 50 : i32
      %broadcast_in_dim3A_1035 = vector.broadcast %broadcast_in_dim3A_1034 : i32 to vector<16xi32>
      %gather3A_1036 = tpu.vector_load_idx %arg10[%add3A_186, %broadcast_in_dim3A_1035] : memref<512x64xf32, #tpu.memory_space<vmem>>[vector<16xi32>, vector<16xi32>], vector<16xf32>,
      %gather3A_1037 = tpu.vector_load_idx %arg11[%add3A_186, %broadcast_in_dim3A_1035] : memref<512x64xf32, #tpu.memory_space<vmem>>[vector<16xi32>, vector<16xi32>], vector<16xf32>,
      %gather3A_1038 = tpu.vector_load_idx %arg12[%add3A_186, %broadcast_in_dim3A_1035] : memref<512x64xf32, #tpu.memory_space<vmem>>[vector<16xi32>, vector<16xi32>], vector<16xf32>,
      %slice3A_1039 = vector.extract_strided_slice %get3A_176 {offsets = [2], sizes = [1], strides = [1]} : vector<16xf32> to vector<1xf32>
      %squeeze3A_1040 = vector.extract %slice3A_1039[0] : f32 from vector<1xf32>
      %mul3A_1041 = vector.broadcast %squeeze3A_1040 : f32 to vector<16xf32>
      %mul3A_1042 = arith.mulf %gather3A_1038, %mul3A_1041 : vector<16xf32>
      %mul3A_1043 = arith.mulf %gather3A_1036, %gather3A_1036 : vector<16xf32>
      %add3A_1044 = arith.addf %add3A_1027, %mul3A_1043 : vector<16xf32>
      %mul3A_1045 = arith.mulf %gather3A_1036, %mul3A_1042 : vector<16xf32>
      %add3A_1046 = arith.addf %add3A_1029, %mul3A_1045 : vector<16xf32>
      %mul3A_1047 = arith.mulf %gather3A_1037, %gather3A_1037 : vector<16xf32>
      %add3A_1048 = arith.addf %add3A_1031, %mul3A_1047 : vector<16xf32>
      %mul3A_1049 = arith.mulf %gather3A_1037, %mul3A_1042 : vector<16xf32>
      %add3A_1050 = arith.addf %add3A_1033, %mul3A_1049 : vector<16xf32>
      %broadcast_in_dim3A_1051 = arith.constant 51 : i32
      %broadcast_in_dim3A_1052 = vector.broadcast %broadcast_in_dim3A_1051 : i32 to vector<16xi32>
      %gather3A_1053 = tpu.vector_load_idx %arg10[%add3A_186, %broadcast_in_dim3A_1052] : memref<512x64xf32, #tpu.memory_space<vmem>>[vector<16xi32>, vector<16xi32>], vector<16xf32>,
      %gather3A_1054 = tpu.vector_load_idx %arg11[%add3A_186, %broadcast_in_dim3A_1052] : memref<512x64xf32, #tpu.memory_space<vmem>>[vector<16xi32>, vector<16xi32>], vector<16xf32>,
      %gather3A_1055 = tpu.vector_load_idx %arg12[%add3A_186, %broadcast_in_dim3A_1052] : memref<512x64xf32, #tpu.memory_space<vmem>>[vector<16xi32>, vector<16xi32>], vector<16xf32>,
      %slice3A_1056 = vector.extract_strided_slice %get3A_176 {offsets = [3], sizes = [1], strides = [1]} : vector<16xf32> to vector<1xf32>
      %squeeze3A_1057 = vector.extract %slice3A_1056[0] : f32 from vector<1xf32>
      %mul3A_1058 = vector.broadcast %squeeze3A_1057 : f32 to vector<16xf32>
      %mul3A_1059 = arith.mulf %gather3A_1055, %mul3A_1058 : vector<16xf32>
      %mul3A_1060 = arith.mulf %gather3A_1053, %gather3A_1053 : vector<16xf32>
      %add3A_1061 = arith.addf %add3A_1044, %mul3A_1060 : vector<16xf32>
      %mul3A_1062 = arith.mulf %gather3A_1053, %mul3A_1059 : vector<16xf32>
      %add3A_1063 = arith.addf %add3A_1046, %mul3A_1062 : vector<16xf32>
      %mul3A_1064 = arith.mulf %gather3A_1054, %gather3A_1054 : vector<16xf32>
      %add3A_1065 = arith.addf %add3A_1048, %mul3A_1064 : vector<16xf32>
      %mul3A_1066 = arith.mulf %gather3A_1054, %mul3A_1059 : vector<16xf32>
      %add3A_1067 = arith.addf %add3A_1050, %mul3A_1066 : vector<16xf32>
      %broadcast_in_dim3A_1068 = arith.constant 52 : i32
      %broadcast_in_dim3A_1069 = vector.broadcast %broadcast_in_dim3A_1068 : i32 to vector<16xi32>
      %gather3A_1070 = tpu.vector_load_idx %arg10[%add3A_186, %broadcast_in_dim3A_1069] : memref<512x64xf32, #tpu.memory_space<vmem>>[vector<16xi32>, vector<16xi32>], vector<16xf32>,
      %gather3A_1071 = tpu.vector_load_idx %arg11[%add3A_186, %broadcast_in_dim3A_1069] : memref<512x64xf32, #tpu.memory_space<vmem>>[vector<16xi32>, vector<16xi32>], vector<16xf32>,
      %gather3A_1072 = tpu.vector_load_idx %arg12[%add3A_186, %broadcast_in_dim3A_1069] : memref<512x64xf32, #tpu.memory_space<vmem>>[vector<16xi32>, vector<16xi32>], vector<16xf32>,
      %slice3A_1073 = vector.extract_strided_slice %get3A_176 {offsets = [4], sizes = [1], strides = [1]} : vector<16xf32> to vector<1xf32>
      %squeeze3A_1074 = vector.extract %slice3A_1073[0] : f32 from vector<1xf32>
      %mul3A_1075 = vector.broadcast %squeeze3A_1074 : f32 to vector<16xf32>
      %mul3A_1076 = arith.mulf %gather3A_1072, %mul3A_1075 : vector<16xf32>
      %mul3A_1077 = arith.mulf %gather3A_1070, %gather3A_1070 : vector<16xf32>
      %add3A_1078 = arith.addf %add3A_1061, %mul3A_1077 : vector<16xf32>
      %mul3A_1079 = arith.mulf %gather3A_1070, %mul3A_1076 : vector<16xf32>
      %add3A_1080 = arith.addf %add3A_1063, %mul3A_1079 : vector<16xf32>
      %mul3A_1081 = arith.mulf %gather3A_1071, %gather3A_1071 : vector<16xf32>
      %add3A_1082 = arith.addf %add3A_1065, %mul3A_1081 : vector<16xf32>
      %mul3A_1083 = arith.mulf %gather3A_1071, %mul3A_1076 : vector<16xf32>
      %add3A_1084 = arith.addf %add3A_1067, %mul3A_1083 : vector<16xf32>
      %broadcast_in_dim3A_1085 = arith.constant 53 : i32
      %broadcast_in_dim3A_1086 = vector.broadcast %broadcast_in_dim3A_1085 : i32 to vector<16xi32>
      %gather3A_1087 = tpu.vector_load_idx %arg10[%add3A_186, %broadcast_in_dim3A_1086] : memref<512x64xf32, #tpu.memory_space<vmem>>[vector<16xi32>, vector<16xi32>], vector<16xf32>,
      %gather3A_1088 = tpu.vector_load_idx %arg11[%add3A_186, %broadcast_in_dim3A_1086] : memref<512x64xf32, #tpu.memory_space<vmem>>[vector<16xi32>, vector<16xi32>], vector<16xf32>,
      %gather3A_1089 = tpu.vector_load_idx %arg12[%add3A_186, %broadcast_in_dim3A_1086] : memref<512x64xf32, #tpu.memory_space<vmem>>[vector<16xi32>, vector<16xi32>], vector<16xf32>,
      %slice3A_1090 = vector.extract_strided_slice %get3A_176 {offsets = [5], sizes = [1], strides = [1]} : vector<16xf32> to vector<1xf32>
      %squeeze3A_1091 = vector.extract %slice3A_1090[0] : f32 from vector<1xf32>
      %mul3A_1092 = vector.broadcast %squeeze3A_1091 : f32 to vector<16xf32>
      %mul3A_1093 = arith.mulf %gather3A_1089, %mul3A_1092 : vector<16xf32>
      %mul3A_1094 = arith.mulf %gather3A_1087, %gather3A_1087 : vector<16xf32>
      %add3A_1095 = arith.addf %add3A_1078, %mul3A_1094 : vector<16xf32>
      %mul3A_1096 = arith.mulf %gather3A_1087, %mul3A_1093 : vector<16xf32>
      %add3A_1097 = arith.addf %add3A_1080, %mul3A_1096 : vector<16xf32>
      %mul3A_1098 = arith.mulf %gather3A_1088, %gather3A_1088 : vector<16xf32>
      %add3A_1099 = arith.addf %add3A_1082, %mul3A_1098 : vector<16xf32>
      %mul3A_1100 = arith.mulf %gather3A_1088, %mul3A_1093 : vector<16xf32>
      %add3A_1101 = arith.addf %add3A_1084, %mul3A_1100 : vector<16xf32>
      %broadcast_in_dim3A_1102 = arith.constant 54 : i32
      %broadcast_in_dim3A_1103 = vector.broadcast %broadcast_in_dim3A_1102 : i32 to vector<16xi32>
      %gather3A_1104 = tpu.vector_load_idx %arg10[%add3A_186, %broadcast_in_dim3A_1103] : memref<512x64xf32, #tpu.memory_space<vmem>>[vector<16xi32>, vector<16xi32>], vector<16xf32>,
      %gather3A_1105 = tpu.vector_load_idx %arg11[%add3A_186, %broadcast_in_dim3A_1103] : memref<512x64xf32, #tpu.memory_space<vmem>>[vector<16xi32>, vector<16xi32>], vector<16xf32>,
      %gather3A_1106 = tpu.vector_load_idx %arg12[%add3A_186, %broadcast_in_dim3A_1103] : memref<512x64xf32, #tpu.memory_space<vmem>>[vector<16xi32>, vector<16xi32>], vector<16xf32>,
      %slice3A_1107 = vector.extract_strided_slice %get3A_176 {offsets = [6], sizes = [1], strides = [1]} : vector<16xf32> to vector<1xf32>
      %squeeze3A_1108 = vector.extract %slice3A_1107[0] : f32 from vector<1xf32>
      %mul3A_1109 = vector.broadcast %squeeze3A_1108 : f32 to vector<16xf32>
      %mul3A_1110 = arith.mulf %gather3A_1106, %mul3A_1109 : vector<16xf32>
      %mul3A_1111 = arith.mulf %gather3A_1104, %gather3A_1104 : vector<16xf32>
      %add3A_1112 = arith.addf %add3A_1095, %mul3A_1111 : vector<16xf32>
      %mul3A_1113 = arith.mulf %gather3A_1104, %mul3A_1110 : vector<16xf32>
      %add3A_1114 = arith.addf %add3A_1097, %mul3A_1113 : vector<16xf32>
      %mul3A_1115 = arith.mulf %gather3A_1105, %gather3A_1105 : vector<16xf32>
      %add3A_1116 = arith.addf %add3A_1099, %mul3A_1115 : vector<16xf32>
      %mul3A_1117 = arith.mulf %gather3A_1105, %mul3A_1110 : vector<16xf32>
      %add3A_1118 = arith.addf %add3A_1101, %mul3A_1117 : vector<16xf32>
      %broadcast_in_dim3A_1119 = arith.constant 55 : i32
      %broadcast_in_dim3A_1120 = vector.broadcast %broadcast_in_dim3A_1119 : i32 to vector<16xi32>
      %gather3A_1121 = tpu.vector_load_idx %arg10[%add3A_186, %broadcast_in_dim3A_1120] : memref<512x64xf32, #tpu.memory_space<vmem>>[vector<16xi32>, vector<16xi32>], vector<16xf32>,
      %gather3A_1122 = tpu.vector_load_idx %arg11[%add3A_186, %broadcast_in_dim3A_1120] : memref<512x64xf32, #tpu.memory_space<vmem>>[vector<16xi32>, vector<16xi32>], vector<16xf32>,
      %gather3A_1123 = tpu.vector_load_idx %arg12[%add3A_186, %broadcast_in_dim3A_1120] : memref<512x64xf32, #tpu.memory_space<vmem>>[vector<16xi32>, vector<16xi32>], vector<16xf32>,
      %slice3A_1124 = vector.extract_strided_slice %get3A_176 {offsets = [7], sizes = [1], strides = [1]} : vector<16xf32> to vector<1xf32>
      %squeeze3A_1125 = vector.extract %slice3A_1124[0] : f32 from vector<1xf32>
      %mul3A_1126 = vector.broadcast %squeeze3A_1125 : f32 to vector<16xf32>
      %mul3A_1127 = arith.mulf %gather3A_1123, %mul3A_1126 : vector<16xf32>
      %mul3A_1128 = arith.mulf %gather3A_1121, %gather3A_1121 : vector<16xf32>
      %add3A_1129 = arith.addf %add3A_1112, %mul3A_1128 : vector<16xf32>
      %mul3A_1130 = arith.mulf %gather3A_1121, %mul3A_1127 : vector<16xf32>
      %add3A_1131 = arith.addf %add3A_1114, %mul3A_1130 : vector<16xf32>
      %mul3A_1132 = arith.mulf %gather3A_1122, %gather3A_1122 : vector<16xf32>
      %add3A_1133 = arith.addf %add3A_1116, %mul3A_1132 : vector<16xf32>
      %mul3A_1134 = arith.mulf %gather3A_1122, %mul3A_1127 : vector<16xf32>
      %add3A_1135 = arith.addf %add3A_1118, %mul3A_1134 : vector<16xf32>
      %broadcast_in_dim3A_1136 = arith.constant 56 : i32
      %broadcast_in_dim3A_1137 = vector.broadcast %broadcast_in_dim3A_1136 : i32 to vector<16xi32>
      %gather3A_1138 = tpu.vector_load_idx %arg10[%add3A_186, %broadcast_in_dim3A_1137] : memref<512x64xf32, #tpu.memory_space<vmem>>[vector<16xi32>, vector<16xi32>], vector<16xf32>,
      %gather3A_1139 = tpu.vector_load_idx %arg11[%add3A_186, %broadcast_in_dim3A_1137] : memref<512x64xf32, #tpu.memory_space<vmem>>[vector<16xi32>, vector<16xi32>], vector<16xf32>,
      %gather3A_1140 = tpu.vector_load_idx %arg12[%add3A_186, %broadcast_in_dim3A_1137] : memref<512x64xf32, #tpu.memory_space<vmem>>[vector<16xi32>, vector<16xi32>], vector<16xf32>,
      %slice3A_1141 = vector.extract_strided_slice %get3A_176 {offsets = [8], sizes = [1], strides = [1]} : vector<16xf32> to vector<1xf32>
      %squeeze3A_1142 = vector.extract %slice3A_1141[0] : f32 from vector<1xf32>
      %mul3A_1143 = vector.broadcast %squeeze3A_1142 : f32 to vector<16xf32>
      %mul3A_1144 = arith.mulf %gather3A_1140, %mul3A_1143 : vector<16xf32>
      %mul3A_1145 = arith.mulf %gather3A_1138, %gather3A_1138 : vector<16xf32>
      %add3A_1146 = arith.addf %add3A_1129, %mul3A_1145 : vector<16xf32>
      %mul3A_1147 = arith.mulf %gather3A_1138, %mul3A_1144 : vector<16xf32>
      %add3A_1148 = arith.addf %add3A_1131, %mul3A_1147 : vector<16xf32>
      %mul3A_1149 = arith.mulf %gather3A_1139, %gather3A_1139 : vector<16xf32>
      %add3A_1150 = arith.addf %add3A_1133, %mul3A_1149 : vector<16xf32>
      %mul3A_1151 = arith.mulf %gather3A_1139, %mul3A_1144 : vector<16xf32>
      %add3A_1152 = arith.addf %add3A_1135, %mul3A_1151 : vector<16xf32>
      %broadcast_in_dim3A_1153 = arith.constant 57 : i32
      %broadcast_in_dim3A_1154 = vector.broadcast %broadcast_in_dim3A_1153 : i32 to vector<16xi32>
      %gather3A_1155 = tpu.vector_load_idx %arg10[%add3A_186, %broadcast_in_dim3A_1154] : memref<512x64xf32, #tpu.memory_space<vmem>>[vector<16xi32>, vector<16xi32>], vector<16xf32>,
      %gather3A_1156 = tpu.vector_load_idx %arg11[%add3A_186, %broadcast_in_dim3A_1154] : memref<512x64xf32, #tpu.memory_space<vmem>>[vector<16xi32>, vector<16xi32>], vector<16xf32>,
      %gather3A_1157 = tpu.vector_load_idx %arg12[%add3A_186, %broadcast_in_dim3A_1154] : memref<512x64xf32, #tpu.memory_space<vmem>>[vector<16xi32>, vector<16xi32>], vector<16xf32>,
      %slice3A_1158 = vector.extract_strided_slice %get3A_176 {offsets = [9], sizes = [1], strides = [1]} : vector<16xf32> to vector<1xf32>
      %squeeze3A_1159 = vector.extract %slice3A_1158[0] : f32 from vector<1xf32>
      %mul3A_1160 = vector.broadcast %squeeze3A_1159 : f32 to vector<16xf32>
      %mul3A_1161 = arith.mulf %gather3A_1157, %mul3A_1160 : vector<16xf32>
      %mul3A_1162 = arith.mulf %gather3A_1155, %gather3A_1155 : vector<16xf32>
      %add3A_1163 = arith.addf %add3A_1146, %mul3A_1162 : vector<16xf32>
      %mul3A_1164 = arith.mulf %gather3A_1155, %mul3A_1161 : vector<16xf32>
      %add3A_1165 = arith.addf %add3A_1148, %mul3A_1164 : vector<16xf32>
      %mul3A_1166 = arith.mulf %gather3A_1156, %gather3A_1156 : vector<16xf32>
      %add3A_1167 = arith.addf %add3A_1150, %mul3A_1166 : vector<16xf32>
      %mul3A_1168 = arith.mulf %gather3A_1156, %mul3A_1161 : vector<16xf32>
      %add3A_1169 = arith.addf %add3A_1152, %mul3A_1168 : vector<16xf32>
      %broadcast_in_dim3A_1170 = arith.constant 58 : i32
      %broadcast_in_dim3A_1171 = vector.broadcast %broadcast_in_dim3A_1170 : i32 to vector<16xi32>
      %gather3A_1172 = tpu.vector_load_idx %arg10[%add3A_186, %broadcast_in_dim3A_1171] : memref<512x64xf32, #tpu.memory_space<vmem>>[vector<16xi32>, vector<16xi32>], vector<16xf32>,
      %gather3A_1173 = tpu.vector_load_idx %arg11[%add3A_186, %broadcast_in_dim3A_1171] : memref<512x64xf32, #tpu.memory_space<vmem>>[vector<16xi32>, vector<16xi32>], vector<16xf32>,
      %gather3A_1174 = tpu.vector_load_idx %arg12[%add3A_186, %broadcast_in_dim3A_1171] : memref<512x64xf32, #tpu.memory_space<vmem>>[vector<16xi32>, vector<16xi32>], vector<16xf32>,
      %slice3A_1175 = vector.extract_strided_slice %get3A_176 {offsets = [10], sizes = [1], strides = [1]} : vector<16xf32> to vector<1xf32>
      %squeeze3A_1176 = vector.extract %slice3A_1175[0] : f32 from vector<1xf32>
      %mul3A_1177 = vector.broadcast %squeeze3A_1176 : f32 to vector<16xf32>
      %mul3A_1178 = arith.mulf %gather3A_1174, %mul3A_1177 : vector<16xf32>
      %mul3A_1179 = arith.mulf %gather3A_1172, %gather3A_1172 : vector<16xf32>
      %add3A_1180 = arith.addf %add3A_1163, %mul3A_1179 : vector<16xf32>
      %mul3A_1181 = arith.mulf %gather3A_1172, %mul3A_1178 : vector<16xf32>
      %add3A_1182 = arith.addf %add3A_1165, %mul3A_1181 : vector<16xf32>
      %mul3A_1183 = arith.mulf %gather3A_1173, %gather3A_1173 : vector<16xf32>
      %add3A_1184 = arith.addf %add3A_1167, %mul3A_1183 : vector<16xf32>
      %mul3A_1185 = arith.mulf %gather3A_1173, %mul3A_1178 : vector<16xf32>
      %add3A_1186 = arith.addf %add3A_1169, %mul3A_1185 : vector<16xf32>
      %broadcast_in_dim3A_1187 = arith.constant 59 : i32
      %broadcast_in_dim3A_1188 = vector.broadcast %broadcast_in_dim3A_1187 : i32 to vector<16xi32>
      %gather3A_1189 = tpu.vector_load_idx %arg10[%add3A_186, %broadcast_in_dim3A_1188] : memref<512x64xf32, #tpu.memory_space<vmem>>[vector<16xi32>, vector<16xi32>], vector<16xf32>,
      %gather3A_1190 = tpu.vector_load_idx %arg11[%add3A_186, %broadcast_in_dim3A_1188] : memref<512x64xf32, #tpu.memory_space<vmem>>[vector<16xi32>, vector<16xi32>], vector<16xf32>,
      %gather3A_1191 = tpu.vector_load_idx %arg12[%add3A_186, %broadcast_in_dim3A_1188] : memref<512x64xf32, #tpu.memory_space<vmem>>[vector<16xi32>, vector<16xi32>], vector<16xf32>,
      %slice3A_1192 = vector.extract_strided_slice %get3A_176 {offsets = [11], sizes = [1], strides = [1]} : vector<16xf32> to vector<1xf32>
      %squeeze3A_1193 = vector.extract %slice3A_1192[0] : f32 from vector<1xf32>
      %mul3A_1194 = vector.broadcast %squeeze3A_1193 : f32 to vector<16xf32>
      %mul3A_1195 = arith.mulf %gather3A_1191, %mul3A_1194 : vector<16xf32>
      %mul3A_1196 = arith.mulf %gather3A_1189, %gather3A_1189 : vector<16xf32>
      %add3A_1197 = arith.addf %add3A_1180, %mul3A_1196 : vector<16xf32>
      %mul3A_1198 = arith.mulf %gather3A_1189, %mul3A_1195 : vector<16xf32>
      %add3A_1199 = arith.addf %add3A_1182, %mul3A_1198 : vector<16xf32>
      %mul3A_1200 = arith.mulf %gather3A_1190, %gather3A_1190 : vector<16xf32>
      %add3A_1201 = arith.addf %add3A_1184, %mul3A_1200 : vector<16xf32>
      %mul3A_1202 = arith.mulf %gather3A_1190, %mul3A_1195 : vector<16xf32>
      %add3A_1203 = arith.addf %add3A_1186, %mul3A_1202 : vector<16xf32>
      %broadcast_in_dim3A_1204 = arith.constant 60 : i32
      %broadcast_in_dim3A_1205 = vector.broadcast %broadcast_in_dim3A_1204 : i32 to vector<16xi32>
      %gather3A_1206 = tpu.vector_load_idx %arg10[%add3A_186, %broadcast_in_dim3A_1205] : memref<512x64xf32, #tpu.memory_space<vmem>>[vector<16xi32>, vector<16xi32>], vector<16xf32>,
      %gather3A_1207 = tpu.vector_load_idx %arg11[%add3A_186, %broadcast_in_dim3A_1205] : memref<512x64xf32, #tpu.memory_space<vmem>>[vector<16xi32>, vector<16xi32>], vector<16xf32>,
      %gather3A_1208 = tpu.vector_load_idx %arg12[%add3A_186, %broadcast_in_dim3A_1205] : memref<512x64xf32, #tpu.memory_space<vmem>>[vector<16xi32>, vector<16xi32>], vector<16xf32>,
      %slice3A_1209 = vector.extract_strided_slice %get3A_176 {offsets = [12], sizes = [1], strides = [1]} : vector<16xf32> to vector<1xf32>
      %squeeze3A_1210 = vector.extract %slice3A_1209[0] : f32 from vector<1xf32>
      %mul3A_1211 = vector.broadcast %squeeze3A_1210 : f32 to vector<16xf32>
      %mul3A_1212 = arith.mulf %gather3A_1208, %mul3A_1211 : vector<16xf32>
      %mul3A_1213 = arith.mulf %gather3A_1206, %gather3A_1206 : vector<16xf32>
      %add3A_1214 = arith.addf %add3A_1197, %mul3A_1213 : vector<16xf32>
      %mul3A_1215 = arith.mulf %gather3A_1206, %mul3A_1212 : vector<16xf32>
      %add3A_1216 = arith.addf %add3A_1199, %mul3A_1215 : vector<16xf32>
      %mul3A_1217 = arith.mulf %gather3A_1207, %gather3A_1207 : vector<16xf32>
      %add3A_1218 = arith.addf %add3A_1201, %mul3A_1217 : vector<16xf32>
      %mul3A_1219 = arith.mulf %gather3A_1207, %mul3A_1212 : vector<16xf32>
      %add3A_1220 = arith.addf %add3A_1203, %mul3A_1219 : vector<16xf32>
      %broadcast_in_dim3A_1221 = arith.constant 61 : i32
      %broadcast_in_dim3A_1222 = vector.broadcast %broadcast_in_dim3A_1221 : i32 to vector<16xi32>
      %gather3A_1223 = tpu.vector_load_idx %arg10[%add3A_186, %broadcast_in_dim3A_1222] : memref<512x64xf32, #tpu.memory_space<vmem>>[vector<16xi32>, vector<16xi32>], vector<16xf32>,
      %gather3A_1224 = tpu.vector_load_idx %arg11[%add3A_186, %broadcast_in_dim3A_1222] : memref<512x64xf32, #tpu.memory_space<vmem>>[vector<16xi32>, vector<16xi32>], vector<16xf32>,
      %gather3A_1225 = tpu.vector_load_idx %arg12[%add3A_186, %broadcast_in_dim3A_1222] : memref<512x64xf32, #tpu.memory_space<vmem>>[vector<16xi32>, vector<16xi32>], vector<16xf32>,
      %slice3A_1226 = vector.extract_strided_slice %get3A_176 {offsets = [13], sizes = [1], strides = [1]} : vector<16xf32> to vector<1xf32>
      %squeeze3A_1227 = vector.extract %slice3A_1226[0] : f32 from vector<1xf32>
      %mul3A_1228 = vector.broadcast %squeeze3A_1227 : f32 to vector<16xf32>
      %mul3A_1229 = arith.mulf %gather3A_1225, %mul3A_1228 : vector<16xf32>
      %mul3A_1230 = arith.mulf %gather3A_1223, %gather3A_1223 : vector<16xf32>
      %add3A_1231 = arith.addf %add3A_1214, %mul3A_1230 : vector<16xf32>
      %mul3A_1232 = arith.mulf %gather3A_1223, %mul3A_1229 : vector<16xf32>
      %add3A_1233 = arith.addf %add3A_1216, %mul3A_1232 : vector<16xf32>
      %mul3A_1234 = arith.mulf %gather3A_1224, %gather3A_1224 : vector<16xf32>
      %add3A_1235 = arith.addf %add3A_1218, %mul3A_1234 : vector<16xf32>
      %mul3A_1236 = arith.mulf %gather3A_1224, %mul3A_1229 : vector<16xf32>
      %add3A_1237 = arith.addf %add3A_1220, %mul3A_1236 : vector<16xf32>
      %broadcast_in_dim3A_1238 = arith.constant 62 : i32
      %broadcast_in_dim3A_1239 = vector.broadcast %broadcast_in_dim3A_1238 : i32 to vector<16xi32>
      %gather3A_1240 = tpu.vector_load_idx %arg10[%add3A_186, %broadcast_in_dim3A_1239] : memref<512x64xf32, #tpu.memory_space<vmem>>[vector<16xi32>, vector<16xi32>], vector<16xf32>,
      %gather3A_1241 = tpu.vector_load_idx %arg11[%add3A_186, %broadcast_in_dim3A_1239] : memref<512x64xf32, #tpu.memory_space<vmem>>[vector<16xi32>, vector<16xi32>], vector<16xf32>,
      %gather3A_1242 = tpu.vector_load_idx %arg12[%add3A_186, %broadcast_in_dim3A_1239] : memref<512x64xf32, #tpu.memory_space<vmem>>[vector<16xi32>, vector<16xi32>], vector<16xf32>,
      %slice3A_1243 = vector.extract_strided_slice %get3A_176 {offsets = [14], sizes = [1], strides = [1]} : vector<16xf32> to vector<1xf32>
      %squeeze3A_1244 = vector.extract %slice3A_1243[0] : f32 from vector<1xf32>
      %mul3A_1245 = vector.broadcast %squeeze3A_1244 : f32 to vector<16xf32>
      %mul3A_1246 = arith.mulf %gather3A_1242, %mul3A_1245 : vector<16xf32>
      %mul3A_1247 = arith.mulf %gather3A_1240, %gather3A_1240 : vector<16xf32>
      %add3A_1248 = arith.addf %add3A_1231, %mul3A_1247 : vector<16xf32>
      %mul3A_1249 = arith.mulf %gather3A_1240, %mul3A_1246 : vector<16xf32>
      %add3A_1250 = arith.addf %add3A_1233, %mul3A_1249 : vector<16xf32>
      %mul3A_1251 = arith.mulf %gather3A_1241, %gather3A_1241 : vector<16xf32>
      %add3A_1252 = arith.addf %add3A_1235, %mul3A_1251 : vector<16xf32>
      %mul3A_1253 = arith.mulf %gather3A_1241, %mul3A_1246 : vector<16xf32>
      %add3A_1254 = arith.addf %add3A_1237, %mul3A_1253 : vector<16xf32>
      %broadcast_in_dim3A_1255 = arith.constant 63 : i32
      %broadcast_in_dim3A_1256 = vector.broadcast %broadcast_in_dim3A_1255 : i32 to vector<16xi32>
      %gather3A_1257 = tpu.vector_load_idx %arg10[%add3A_186, %broadcast_in_dim3A_1256] : memref<512x64xf32, #tpu.memory_space<vmem>>[vector<16xi32>, vector<16xi32>], vector<16xf32>,
      %gather3A_1258 = tpu.vector_load_idx %arg11[%add3A_186, %broadcast_in_dim3A_1256] : memref<512x64xf32, #tpu.memory_space<vmem>>[vector<16xi32>, vector<16xi32>], vector<16xf32>,
      %gather3A_1259 = tpu.vector_load_idx %arg12[%add3A_186, %broadcast_in_dim3A_1256] : memref<512x64xf32, #tpu.memory_space<vmem>>[vector<16xi32>, vector<16xi32>], vector<16xf32>,
      %slice3A_1260 = vector.extract_strided_slice %get3A_176 {offsets = [15], sizes = [1], strides = [1]} : vector<16xf32> to vector<1xf32>
      %squeeze3A_1261 = vector.extract %slice3A_1260[0] : f32 from vector<1xf32>
      %mul3A_1262 = vector.broadcast %squeeze3A_1261 : f32 to vector<16xf32>
      %mul3A_1263 = arith.mulf %gather3A_1259, %mul3A_1262 : vector<16xf32>
      %mul3A_1264 = arith.mulf %gather3A_1257, %gather3A_1257 : vector<16xf32>
      %add3A_1265 = arith.addf %add3A_1248, %mul3A_1264 : vector<16xf32>
      %mul3A_1266 = arith.mulf %gather3A_1257, %mul3A_1263 : vector<16xf32>
      %add3A_1267 = arith.addf %add3A_1250, %mul3A_1266 : vector<16xf32>
      %mul3A_1268 = arith.mulf %gather3A_1258, %gather3A_1258 : vector<16xf32>
      %add3A_1269 = arith.addf %add3A_1252, %mul3A_1268 : vector<16xf32>
      %mul3A_1270 = arith.mulf %gather3A_1258, %mul3A_1263 : vector<16xf32>
      %add3A_1271 = arith.addf %add3A_1254, %mul3A_1270 : vector<16xf32>
      %eq3A = arith.constant 0.000000e+00 : f32
      %eq3A_1272 = vector.broadcast %eq3A : f32 to vector<16xf32>
      %eq3A_1273 = arith.cmpf oeq, %add3A_1265, %eq3A_1272 : vector<16xf32>
      %bitcast3A = vector.bitcast %add3A_1265 : vector<16xf32> to vector<16xi32>
      %shift_right_logical3A = arith.constant 1 : i32
      %shift_right_logical3A_1274 = vector.broadcast %shift_right_logical3A : i32 to vector<16xi32>
      %shift_right_logical3A_1275 = arith.shrui %bitcast3A, %shift_right_logical3A_1274 : vector<16xi32>
      %sub3A = arith.constant 1597463007 : i32
      %sub3A_1276 = vector.broadcast %sub3A : i32 to vector<16xi32>
      %sub3A_1277 = arith.subi %sub3A_1276, %shift_right_logical3A_1275 : vector<16xi32>
      %bitcast3A_1278 = vector.bitcast %sub3A_1277 : vector<16xi32> to vector<16xf32>
      %mul3A_1279 = arith.constant 5.000000e-01 : f32
      %mul3A_1280 = vector.broadcast %mul3A_1279 : f32 to vector<16xf32>
      %mul3A_1281 = arith.mulf %mul3A_1280, %add3A_1265 : vector<16xf32>
      %mul3A_1282 = arith.mulf %mul3A_1281, %bitcast3A_1278 : vector<16xf32>
      %mul3A_1283 = arith.mulf %mul3A_1282, %bitcast3A_1278 : vector<16xf32>
      %sub3A_1284 = arith.constant 1.500000e+00 : f32
      %sub3A_1285 = vector.broadcast %sub3A_1284 : f32 to vector<16xf32>
      %sub3A_1286 = arith.subf %sub3A_1285, %mul3A_1283 : vector<16xf32>
      %mul3A_1287 = arith.mulf %bitcast3A_1278, %sub3A_1286 : vector<16xf32>
      %mul3A_1288 = arith.constant 5.000000e-01 : f32
      %mul3A_1289 = vector.broadcast %mul3A_1288 : f32 to vector<16xf32>
      %mul3A_1290 = arith.mulf %mul3A_1289, %add3A_1265 : vector<16xf32>
      %mul3A_1291 = arith.mulf %mul3A_1290, %mul3A_1287 : vector<16xf32>
      %mul3A_1292 = arith.mulf %mul3A_1291, %mul3A_1287 : vector<16xf32>
      %sub3A_1293 = arith.constant 1.500000e+00 : f32
      %sub3A_1294 = vector.broadcast %sub3A_1293 : f32 to vector<16xf32>
      %sub3A_1295 = arith.subf %sub3A_1294, %mul3A_1292 : vector<16xf32>
      %mul3A_1296 = arith.mulf %mul3A_1287, %sub3A_1295 : vector<16xf32>
      %mul3A_1297 = arith.constant 5.000000e-01 : f32
      %mul3A_1298 = vector.broadcast %mul3A_1297 : f32 to vector<16xf32>
      %mul3A_1299 = arith.mulf %mul3A_1298, %add3A_1265 : vector<16xf32>
      %mul3A_1300 = arith.mulf %mul3A_1299, %mul3A_1296 : vector<16xf32>
      %mul3A_1301 = arith.mulf %mul3A_1300, %mul3A_1296 : vector<16xf32>
      %sub3A_1302 = arith.constant 1.500000e+00 : f32
      %sub3A_1303 = vector.broadcast %sub3A_1302 : f32 to vector<16xf32>
      %sub3A_1304 = arith.subf %sub3A_1303, %mul3A_1301 : vector<16xf32>
      %mul3A_1305 = arith.mulf %mul3A_1296, %sub3A_1304 : vector<16xf32>
      %mul3A_1306 = arith.mulf %add3A_1265, %mul3A_1305 : vector<16xf32>
      %jit3A = arith.constant 0.000000e+00 : f32
      %broadcast_in_dim3A_1307 = vector.broadcast %jit3A : f32 to vector<16xf32>
      %select_n3A = arith.select %eq3A_1273, %broadcast_in_dim3A_1307, %mul3A_1306 : vector<16xi1>, vector<16xf32>
      %eq3A_1308 = arith.constant 0.000000e+00 : f32
      %eq3A_1309 = vector.broadcast %eq3A_1308 : f32 to vector<16xf32>
      %eq3A_1310 = arith.cmpf oeq, %add3A_1269, %eq3A_1309 : vector<16xf32>
      %bitcast3A_1311 = vector.bitcast %add3A_1269 : vector<16xf32> to vector<16xi32>
      %shift_right_logical3A_1312 = arith.constant 1 : i32
      %shift_right_logical3A_1313 = vector.broadcast %shift_right_logical3A_1312 : i32 to vector<16xi32>
      %shift_right_logical3A_1314 = arith.shrui %bitcast3A_1311, %shift_right_logical3A_1313 : vector<16xi32>
      %sub3A_1315 = arith.constant 1597463007 : i32
      %sub3A_1316 = vector.broadcast %sub3A_1315 : i32 to vector<16xi32>
      %sub3A_1317 = arith.subi %sub3A_1316, %shift_right_logical3A_1314 : vector<16xi32>
      %bitcast3A_1318 = vector.bitcast %sub3A_1317 : vector<16xi32> to vector<16xf32>
      %mul3A_1319 = arith.constant 5.000000e-01 : f32
      %mul3A_1320 = vector.broadcast %mul3A_1319 : f32 to vector<16xf32>
      %mul3A_1321 = arith.mulf %mul3A_1320, %add3A_1269 : vector<16xf32>
      %mul3A_1322 = arith.mulf %mul3A_1321, %bitcast3A_1318 : vector<16xf32>
      %mul3A_1323 = arith.mulf %mul3A_1322, %bitcast3A_1318 : vector<16xf32>
      %sub3A_1324 = arith.constant 1.500000e+00 : f32
      %sub3A_1325 = vector.broadcast %sub3A_1324 : f32 to vector<16xf32>
      %sub3A_1326 = arith.subf %sub3A_1325, %mul3A_1323 : vector<16xf32>
      %mul3A_1327 = arith.mulf %bitcast3A_1318, %sub3A_1326 : vector<16xf32>
      %mul3A_1328 = arith.constant 5.000000e-01 : f32
      %mul3A_1329 = vector.broadcast %mul3A_1328 : f32 to vector<16xf32>
      %mul3A_1330 = arith.mulf %mul3A_1329, %add3A_1269 : vector<16xf32>
      %mul3A_1331 = arith.mulf %mul3A_1330, %mul3A_1327 : vector<16xf32>
      %mul3A_1332 = arith.mulf %mul3A_1331, %mul3A_1327 : vector<16xf32>
      %sub3A_1333 = arith.constant 1.500000e+00 : f32
      %sub3A_1334 = vector.broadcast %sub3A_1333 : f32 to vector<16xf32>
      %sub3A_1335 = arith.subf %sub3A_1334, %mul3A_1332 : vector<16xf32>
      %mul3A_1336 = arith.mulf %mul3A_1327, %sub3A_1335 : vector<16xf32>
      %mul3A_1337 = arith.constant 5.000000e-01 : f32
      %mul3A_1338 = vector.broadcast %mul3A_1337 : f32 to vector<16xf32>
      %mul3A_1339 = arith.mulf %mul3A_1338, %add3A_1269 : vector<16xf32>
      %mul3A_1340 = arith.mulf %mul3A_1339, %mul3A_1336 : vector<16xf32>
      %mul3A_1341 = arith.mulf %mul3A_1340, %mul3A_1336 : vector<16xf32>
      %sub3A_1342 = arith.constant 1.500000e+00 : f32
      %sub3A_1343 = vector.broadcast %sub3A_1342 : f32 to vector<16xf32>
      %sub3A_1344 = arith.subf %sub3A_1343, %mul3A_1341 : vector<16xf32>
      %mul3A_1345 = arith.mulf %mul3A_1336, %sub3A_1344 : vector<16xf32>
      %mul3A_1346 = arith.mulf %add3A_1269, %mul3A_1345 : vector<16xf32>
      %jit3A_1347 = arith.constant 0.000000e+00 : f32
      %broadcast_in_dim3A_1348 = vector.broadcast %jit3A_1347 : f32 to vector<16xf32>
      %select_n3A_1349 = arith.select %eq3A_1310, %broadcast_in_dim3A_1348, %mul3A_1346 : vector<16xi1>, vector<16xf32>
      %max3A = arith.constant 9.99999996E-13 : f32
      %max3A_1350 = vector.broadcast %max3A : f32 to vector<16xf32>
      %max3A_1351 = arith.maximumf %select_n3A, %max3A_1350 : vector<16xf32>
      %div3A = arith.divf %add3A_1267, %max3A_1351 : vector<16xf32>
      %max3A_1352 = arith.constant 9.99999996E-13 : f32
      %max3A_1353 = vector.broadcast %max3A_1352 : f32 to vector<16xf32>
      %max3A_1354 = arith.maximumf %select_n3A_1349, %max3A_1353 : vector<16xf32>
      %div3A_1355 = arith.divf %add3A_1271, %max3A_1354 : vector<16xf32>
      %sub3A_1356 = arith.subf %div3A, %div3A_1355 : vector<16xf32>
      %swap3A = arith.index_cast %scan3A_182 : i32 to index
      %swap3A_1357 = arith.constant 0 : index
      %swap3A_1358 = tpu.vector_load %arg14[%swap3A, %swap3A_1357] {strides = array<i32>} : memref<32x16xf32, #tpu.memory_space<vmem>>, vector<16xf32>,
      tpu.vector_store %arg14[%swap3A, %swap3A_1357], %sub3A_1356 {strides = array<i32>} : memref<32x16xf32, #tpu.memory_space<vmem>>, vector<16xf32>,
    }
    %scan3A_181 = arith.constant 32 : i32
    "tpu.region"() ({
      %run_scoped3A = tpu.sem_alloc : memref<!tpu.dma_semaphore, #tpu.memory_space<semaphore_mem>>
      %dma_start3A_182 = arith.constant 0 : i32
      %dma_start3A_183 = arith.constant 0 : i32
      %dma_start3A_184 = tpu.memref_slice %arg7[%add3A, %dma_start3A_182, %dma_start3A_183] : memref<32x32x16xf32, #tpu.memory_space<hbm>> -> memref<1x32x16xf32, #tpu.memory_space<hbm>>
      %dma_start3A_185 = tpu.memref_squeeze %dma_start3A_184 : memref<1x32x16xf32, #tpu.memory_space<hbm>> -> memref<32x16xf32, #tpu.memory_space<hbm>>
      %dma_start3A_186 = arith.constant 0 : i32
      %dma_start3A_187 = arith.constant 0 : i32
      %dma_start3A_188 = tpu.memref_slice %arg7[%add3A, %dma_start3A_186, %dma_start3A_187] : memref<32x32x16xf32, #tpu.memory_space<hbm>> -> memref<1x32x16xf32, #tpu.memory_space<hbm>>
      %dma_start3A_189 = tpu.memref_squeeze %dma_start3A_188 : memref<1x32x16xf32, #tpu.memory_space<hbm>> -> memref<32x16xf32, #tpu.memory_space<hbm>>
      tpu.enqueue_dma source(%arg14 : memref<32x16xf32, #tpu.memory_space<vmem>>) target(%dma_start3A_189 : memref<32x16xf32, #tpu.memory_space<hbm>>) target_semaphore(%run_scoped3A : memref<!tpu.dma_semaphore, #tpu.memory_space<semaphore_mem>>)
      %dma_wait3A_190 = arith.constant 0 : i32
      %dma_wait3A_191 = arith.constant 0 : i32
      %dma_wait3A_192 = tpu.memref_slice %arg7[%add3A, %dma_wait3A_190, %dma_wait3A_191] : memref<32x32x16xf32, #tpu.memory_space<hbm>> -> memref<1x32x16xf32, #tpu.memory_space<hbm>>
      %dma_wait3A_193 = tpu.memref_squeeze %dma_wait3A_192 : memref<1x32x16xf32, #tpu.memory_space<hbm>> -> memref<32x16xf32, #tpu.memory_space<hbm>>
      %dma_wait3A_194 = arith.constant 0 : i32
      %dma_wait3A_195 = arith.constant 0 : i32
      %dma_wait3A_196 = tpu.memref_slice %arg7[%add3A, %dma_wait3A_194, %dma_wait3A_195] : memref<32x32x16xf32, #tpu.memory_space<hbm>> -> memref<1x32x16xf32, #tpu.memory_space<hbm>>
      %dma_wait3A_197 = tpu.memref_squeeze %dma_wait3A_196 : memref<1x32x16xf32, #tpu.memory_space<hbm>> -> memref<32x16xf32, #tpu.memory_space<hbm>>
      tpu.wait_dma2 semaphore(%run_scoped3A : memref<!tpu.dma_semaphore, #tpu.memory_space<semaphore_mem>>) src(%arg14 : memref<32x16xf32, #tpu.memory_space<vmem>>) dst(%dma_wait3A_197 : memref<32x16xf32, #tpu.memory_space<hbm>>)
      tpu.yield
    }) : () -> ()
    return
  }
}

</mosaic_0001>

<sc_bundles>
// kernel: kernel.3.cloned.1.call-start
scs
__scs_entry_jumppad:
0x0: {  	(pc) =	sbr.rel $0x88, $3  }
0x1: {  	(tag) =	ssettag $0x0;
	lr =	simm.s32 $0x1  }
0x2: {  	[smem:$0x3F9C] =	sst lr;
	_ =	strace $0xD0000000  }
0x3: {  	_ = 	snop  }
0x4: {  	_ = 	snop  }
0x5: {  	_ = 	snop  }
0x6: {  	_ = 	snop  }
0x7: {  	_ = 	snop  }
__scs_overlays_trampoline_lowered:
0x8: {  	[smem:$0x3FAB] =	sst s0  }
0x9: {  	[smem:$0x3FAC] =	sst s1  }
0xa: {  	[smem:$0x3FAD] =	sst s2  }
0xb: {  	[smem:$0x3FAE] =	sst s3  }
0xc: {  	[smem:$0x3FAF] =	sst s4  }
0xd: {  	[smem:$0x3FB0] =	sst s5  }
0xe: {  	[smem:$0x3FB1] =	sst s6  }
0xf: {  	[smem:$0x3FB2] =	sst s7  }
0x10: {  	[smem:$0x3FB3] =	sst s8  }
0x11: {  	[smem:$0x3FB4] =	sst s9;
	s0 =	simm.s32 @!p0 $0x0  }
0x12: {  	s1 =	sld [smem:$0x3F9A];
	s0 =	simm.s32 @p0 $0x1  }
0x13: {  	[smem:$0x3FB5] =	sst s0;
	s0 =	simm.s32 @!p1 $0x0  }
0x14: {  	s2 =	sld [smem:$0x3F99];
	s0 =	simm.s32 @p1 $0x1  }
0x15: {  	[smem:$0x3FB6] =	sst s0;
	s0 =	simm.s32 @!p2 $0x0  }
0x16: {  	s3 =	sld [smem:$0x3FDB];
	s0 =	simm.s32 @p2 $0x1  }
0x17: {  	s4 =	simm.s32 $0x1BF5;
	[smem:$0x3FB8] =	sst s0  }
0x18: {  	s0 =	sld [smem:$0x3F9B];
	_ =	swait.ge [sflag:s4], $0x0  }
0x19: {  	s7 =	sld [smem:$0x3F9C]  }
0x1a: {  	s8 =	sadd.s32 $0xFFFFE003, lr  }
0x1b: {  	s9 =	sadd.s32 $0xFFFFFEF7, lr;
	s5 =	simm.s32 $0xFFFFFFFF;
	p2 =	slt.u32 s8, $0xFFFFF086  }
0x1c: {  	p1 =	slt.u32 s9, $0xF7A;
	s5 =	simm.s32 @!p2 $0x0  }
0x1d: {  	s5 =	simm.s32 @p1 $0x1;
	p0 =	seq.s32 s7, s2  }
0x1e: {  	s7 =	smul.u32 @!p0 $0xF7A, s2;
	p2 =	seq.s32 @!p0 s5, $0x0  }
0x1f: {  	s9 =	smul.u32 $0xF7A, s1;
	s8 =	simm.s32 @!p0 $0x1BF5;
	p2 =	por !p2, p0  }
0x20: {  	[sflag:s8] =	ssyncset.s32 @!p0 $0xFFFFF086;
	s6 =	sadd.s32 @!p0 s3, s7;
	s7 =	simm.s32 @!p0 $0x108  }
0x21: {  	s3 =	sadd.s32 s3, s9;
	s6 =	sadd.s32 @!p0 $0x88, s6;
	s7 =	simm.s32 @p2 $0x1082  }
0x22: {  	[simem:s7], [sflag:s8] =	dma.local @!p0 [hbm:s6], $0xF7A  }
0x23: {  	s9 =	sor.u32 $0xD0000000, s2;
	s6 =	simm.s32 $0x108;
	_ =	swait.ge @!p0 [sflag:s8], $0x0  }
0x24: {  	s3 =	sadd.s32 $0x88, s3;
	s6 =	simm.s32 @!p1 $0x1082;
	[sflag:s4] =	ssyncset.s32 $0xFFFFF086  }
0x25: {  	[simem:s6], [sflag:s4] =	dma.local [hbm:s3], $0xF7A  }
0x26: {  	[smem:$0x3F9C] =	sst s1;
	(tag) =	ssettag s2;
	_ =	strace s9  }
0x27: {  	s1 =	sld [smem:$0x3FAC]  }
0x28: {  	s2 =	sld [smem:$0x3FAD]  }
0x29: {  	s4 =	sld [smem:$0x3FAF]  }
0x2a: {  	p0 =	seq.s32 s5, $0x0;
	s5 =	sld [smem:$0x3FB0]  }
0x2b: {  	s6 =	sld [smem:$0x3FB1]  }
0x2c: {  	s7 =	sld [smem:$0x3FB2]  }
0x2d: {  	s3 =	simm.s32 $0x108;
	s8 =	sld [smem:$0x3FB3]  }
0x2e: {  	s3 =	simm.s32 @!p0 $0x1082;
	s9 =	sld [smem:$0x3FB4]  }
0x2f: {  	lr =	sadd.s32 s0, s3;
	s0 =	sld [smem:$0x3FAB]  }
0x30: {  	s3 =	sld [smem:$0x3FAE]  }
0x31: {  	[smem:$0x3FB7] =	sst s10  }
0x32: {  	s10 =	sld [smem:$0x3FB5];
	_ =	sdelay $0x3  }
0x33: {  	p0 =	seq.s32 s10, $0x1;
	s10 =	sld [smem:$0x3FB7];
	_ =	sdelay $0x3  }
0x34: {  	[smem:$0x3FB7] =	sst s10  }
0x35: {  	s10 =	sld [smem:$0x3FB6];
	_ =	sdelay $0x3  }
0x36: {  	p1 =	seq.s32 s10, $0x1;
	s10 =	sld [smem:$0x3FB7];
	_ =	sdelay $0x3  }
0x37: {  	[smem:$0x3FB7] =	sst s10  }
0x38: {  	s10 =	sld [smem:$0x3FB8]  }
0x39: {  	_ = 	snop;
	(pc) =	sbr.ind lr, $3  }
0x3a: {  	_ = 	snop  }
0x3b: {  	_ = 	snop  }
0x3c: {  	p2 =	seq.s32 s10, $0x1;
	s10 =	sld [smem:$0x3FB7]  }
0x3d: {  	_ =	shalt  }
0x3e: {  	_ =	shalt  }
0x3f: {  	_ =	shalt  }
0x40: {  	_ =	shalt  }
0x41: {  	_ =	shalt  }
0x42: {  	_ =	shalt  }
0x43: {  	_ =	shalt  }
0x44: {  	_ =	shalt  }
0x45: {  	_ =	shalt  }
0x46: {  	_ =	shalt  }
0x47: {  	_ =	shalt  }
0x48: {  	_ =	shalt  }
0x49: {  	_ =	shalt  }
0x4a: {  	_ =	shalt  }
0x4b: {  	_ =	shalt  }
0x4c: {  	_ =	shalt  }
0x4d: {  	_ =	shalt  }
0x4e: {  	_ =	shalt  }
0x4f: {  	_ =	shalt  }
0x50: {  	_ =	shalt  }
0x51: {  	_ =	shalt  }
0x52: {  	_ =	shalt  }
0x53: {  	_ =	shalt  }
0x54: {  	_ =	shalt  }
0x55: {  	_ =	shalt  }
0x56: {  	_ =	shalt  }
0x57: {  	_ =	shalt  }
0x58: {  	_ =	shalt  }
0x59: {  	_ =	shalt  }
0x5a: {  	_ =	shalt  }
0x5b: {  	_ =	shalt  }
0x5c: {  	_ =	shalt  }
0x5d: {  	_ =	shalt  }
0x5e: {  	_ =	shalt  }
0x5f: {  	_ =	shalt  }
0x60: {  	_ =	shalt  }
0x61: {  	_ =	shalt  }
0x62: {  	_ =	shalt  }
0x63: {  	_ =	shalt  }
0x64: {  	_ =	shalt  }
0x65: {  	_ =	shalt  }
0x66: {  	_ =	shalt  }
0x67: {  	_ =	shalt  }
0x68: {  	_ =	shalt  }
0x69: {  	_ =	shalt  }
0x6a: {  	_ =	shalt  }
0x6b: {  	_ =	shalt  }
0x6c: {  	_ =	shalt  }
0x6d: {  	_ =	shalt  }
0x6e: {  	_ =	shalt  }
0x6f: {  	_ =	shalt  }
0x70: {  	_ =	shalt  }
0x71: {  	_ =	shalt  }
0x72: {  	_ =	shalt  }
0x73: {  	_ =	shalt  }
0x74: {  	_ =	shalt  }
0x75: {  	_ =	shalt  }
0x76: {  	_ =	shalt  }
0x77: {  	_ =	shalt  }
0x78: {  	_ =	shalt  }
0x79: {  	_ =	shalt  }
0x7a: {  	_ =	shalt  }
0x7b: {  	_ =	shalt  }
0x7c: {  	_ =	shalt  }
0x7d: {  	_ =	shalt  }
0x7e: {  	_ =	shalt  }
0x7f: {  	_ =	shalt  }
0x80: {  	_ =	shalt  }
0x81: {  	_ =	shalt  }
0x82: {  	_ =	shalt  }
0x83: {  	_ =	shalt  }
0x84: {  	_ =	shalt  }
0x85: {  	_ =	shalt  }
0x86: {  	_ =	shalt  }
0x87: {  	_ =	shalt  }
.Lfunc_end0:
.L_simem_size_0:
called_computation_lowered:
.L_overlay_start_0:
0x88: {  	s2 =	sld [smem:$0x3FD9]  }
0x89: {  	s3 =	sld [smem:$0x3FFE];
	_ =	sdelay $0x1  }
0x8a: {  	s1 =	srdreg.scid  }
0x8b: {  	s0 =	sand.u32 $0x1, s1  }
0x8c: {  	s17 =	sshll.u32 s0, $0xA;
	s2 =	sadd.s32 s3, s2  }
0x8d: {  	s2 =	sadd.s32 s2, s17  }
0x8e: {  	[smem:$0x3FC3] =	sst s2  }
0x8f: {  	_ = 	snop  }
0x90: {  	s2 =	sld [smem:$0x3FC9]  }
0x91: {  	s18 =	sld [smem:$0x3FC8]  }
0x92: {  	s4 =	sld [smem:$0x3FC5]  }
0x93: {  	s5 =	sld [smem:$0x3FD0];
	(tm) =	ssettm $0x1  }
0x94: {  	s6 =	sld [smem:$0x3FFB];
	_ =	sdelay $0x3  }
0x95: {  	_ =	strace s6  }
0x96: {  	s6 =	sld [smem:$0x3FFC];
	_ =	sdelay $0x3  }
0x97: {  	_ =	strace s6  }
0x98: {  	s6 =	sld [smem:$0x3FFD];
	_ =	sdelay $0x3  }
0x99: {  	_ =	strace s6  }
0x9a: {  	_ =	strace $0x8FFFFFFF  }
0x9b: {  	s19 =	sld [smem:$0x3FDB];
	_ =	sdelay $0x1  }
0x9c: {  	s7 =	simm.s32 $_scs_section_size  }
0x9d: {  	s8 =	simm.s32 $_size__tile_overlayer_lowered;
	s9 =	simm.s32 $_tile_overlayer_lowered  }
0x9e: {  	s22 =	simm.s32 $0x1BFF;
	s21 =	sshll.u32 s9, $0x1;
	s6 =	sadd.s32 s7, s19  }
0x9f: {  	s10 =	simm.s32 $0x0;
	s20 =	sshll.u32 s8, $0x1;
	s8 =	sadd.s32 s21, s6  }
0xa0: {  	[timem:s10], [sflag:s22] =	dma.local [hbm:s8], s20  }
0xa1: {  	_ =	swait.ge [sflag:s22], s20  }
0xa2: {  	s7 =	ssub.s32 $0x0, s20;
	[sflag:s22] =	ssyncset.done $0x0  }
0xa3: {  	[sflag:s22] =	ssyncadd.s32 s7;
	_ =	sdelay $0x1  }
0xa4: {  	s23 =	simm.s32 $0x1B8B  }
0xa5: {  	_ =	swait.ge [sflag:s23], $0x1  }
0xa6: {  	[sflag:s23] =	ssyncset.done $0x0  }
0xa7: {  	s25 =	simm.s32 $0x1B8E;
	s24 =	sld [smem:$0x3FFE];
	[sflag:s23] =	ssyncadd.s32 $0xFFFFFFFF  }
0xa8: {  	s26 =	simm.s32 $execute0_lowered;
	[smem:$0x3FD2] =	sst s25  }
0xa9: {  	s8 =	sshll.u32 s26, $0x1;
	_ =	strace $0x80000046;
	[dreg:$0x1] =	wrdreg $0xFFFFFFFF  }
0xaa: {  	s28 =	simm.s32 $_size_execute0_lowered;
	s6 =	sadd.s32 s6, s8;
	[dreg:$0x0] =	wrdreg $0x0  }
0xab: {  	s8 =	sshll.u32 s28, $0x1;
	[dreg:$0x2] =	wrdreg s6  }
0xac: {  	[dreg:$0x3] =	wrdreg s8  }
0xad: {  	[dreg:$0x4] =	wrdreg $0xC0  }
0xae: {  	_ =	task [dreg:s10], $0x5FFFF  }
0xaf: {  	[dreg:$0x1] =	wrdreg $0xFFFFFFFF  }
0xb0: {  	[dreg:$0x0] =	wrdreg $0x60  }
0xb1: {  	[dreg:$0x2] =	wrdreg s24  }
0xb2: {  	[dreg:$0x3] =	wrdreg s2  }
0xb3: {  	[dreg:$0x4] =	wrdreg s18  }
0xb4: {  	[dreg:$0x5] =	wrdreg s4  }
0xb5: {  	[dreg:$0x6] =	wrdreg s5  }
0xb6: {  	[dreg:$0x7] =	wrdreg $0x9  }
0xb7: {  	_ =	task.clear_ibuf [dreg:s10], $0x8FFFF;
	_ =	strace $0x90000046  }
0xb8: {  	s29 =	simm.s32 $0x9;
	_ =	strace $0x80000048  }
0xb9: {  	_ =	swait.ge [sflag:s29], $0x1  }
0xba: {  	[sflag:s29] =	ssyncadd.s32 $0xFFFFFFFF  }
0xbb: {  	_ =	strace $0x90000048  }
0xbc: {  	_ =	sfence  }
0xbd: {  	s30 =	sld [smem:$0x0];
	_ =	sdelay $0x2  }
0xbe: {  	s31 =	sshll.u32 s1, $0xD;
	s1 =	sshrl.u32 s1, $0x2  }
0xbf: {  	s3 =	sand.u32 $0x4000, s31;
	s1 =	sadd.s32 s1, s30  }
0xc0: {  	s0 =	sor.u32 s3, s0;
	s1 =	sshll.u32 s1, $0x11  }
0xc1: {  	s0 =	sor.u32 s1, s0  }
0xc2: {  	s0 =	sadd.s32 $0x8F2B, s0  }
0xc3: {  	[sflag:s0] =	ssyncadd.remote.s32 $0x1  }
0xc4: {  	_ =	sfence.sel $0xFFFF  }
0xc5: {  	[dreg:$0x0] =	wrdreg $0xFFFFFFFF;
	(pc) =	sbr.abs _section_cstart, $3  }
0xc6: {  	[dreg:$0x1] =	wrdreg $0xFFFFFFFF  }
0xc7: {  	_ =	task.clear_ibuf [dreg:s10], $0x2FFFF;
	_ =	strace $0x9FFFFFFF  }
0xc8: {  	(tm) =	ssettm $0x7FFFFFFF  }
0xc9: {  	_ =	shalt  }
tec
execute0_lowered:
.L_overlay_start_1:
0x0: {  	(tag) =	ssettag $0x1  }
0x1: {  	s0 =	rddreg [dreg:$0x0]  }
0x2: {  	s2 =	rddreg [dreg:$0x1]  }
0x3: {  	s6 =	rddreg [dreg:$0x2]  }
0x4: {  	s1 =	rddreg [dreg:$0x3]  }
0x5: {  	s8 =	rddreg [dreg:$0x4]  }
0x6: {  	s4 =	srdreg.scid;
	s3 =	simm.s32 $0x0;
	s7 =	stileid.u32  }
0x7: {  	s11 =	simm.s32 $0x200;
	s12 =	simm.s32 $0x18400;
	s13 =	simm.s32 $0x10400  }
0x8: {  	s14 =	simm.s32 $0x80;
	s15 =	simm.s32 $0x400;
	s16 =	simm.s32 $0x8400  }
0x9: {  	s17 =	simm.s32 $0x2400;
	s18 =	simm.s32 $0x280;
	s19 =	simm.s32 $0xA400  }
0xa: {  	s20 =	simm.s32 $0x100;
	s21 =	simm.s32 $0x4400;
	s22 =	simm.s32 $0x300  }
0xb: {  	s23 =	simm.s32 $0xC400;
	s28 =	simm.s32 $0xE400;
	s29 =	simm.s32 $0x1  }
0xc: {  	s30 =	simm.s32 $0x18440;
	s31 =	simm.s32 $0x0;
	s5 =	sand.u32 $0x1, s4  }
0xd: {  	[smem:$0x7FF] =	sst s3;
	s24 =	sshll.u32 s7, $0xA;
	s4 =	sadd.s32 $0x187000, s0  }
0xe: {  	s25 =	sshll.u32 s5, $0x9;
	_ =	strace $0x80000047;
	s5 =	ssub.s32 $0x2, s5  }
0xf: {  	s7 =	sor.u32 s25, s24;
	s26 =	sshrl.u32 s5, $0x1;
	s24 =	simm.s32 $0x180  }
0x10: {  	s25 =	simm.s32 $0x6400;
	s9 =	sshll.u32 s7, $0x3;
	s10 =	sshrl.u32 s7, $0x3  }
0x11: {  	s0 =	sadd.s32 s9, s0;
	s9 =	ssub.s32 s5, s26;
	s5 =	sadd.s32 s2, s10  }
0x12: {  	v0 =	vlaneseq.u32;
	s6 =	sadd.s32 s6, s10;
	s8 =	sadd.s32 s8, s10;
	s10 =	simm.s32 $0x2  }
0x13: {  	v59 =	vmul.u32 $0x40, v0;
	s26 =	simm.s32 $0x380;
	s7 =	sadd.s32 $0x600, s0;
	s9 =	smax.u32 s9, $0x1  }
.LBB2_1:
0x14: {  	[tilespmem:s3], [sflag:$0x2] =	stream.linear.gather [hbm4b:s5+s3], $0x200, $0x38;
	[tilespmem:$0x18640] =	vst v63  }
0x15: {  	_ =	swait.ge [sflag:s10], $0x200  }
0x16: {  	[sflag:s10] =	ssyncset.done $0x0  }
0x17: {  	[sflag:s10] =	ssyncadd.s32 $0xFFFFFE00  }
0x18: {  	[tilespmem:s11], [sflag:$0x2] =	stream.linear.gather [hbm4b:s6+s3], $0x200, $0x38;
	[tilespmem:$0x18640] =	vst v63  }
0x19: {  	_ =	swait.ge [sflag:s10], $0x200  }
0x1a: {  	[sflag:s10] =	ssyncset.done $0x0  }
0x1b: {  	[sflag:s10] =	ssyncadd.s32 $0xFFFFFE00  }
0x1c: {  	[tilespmem:s12], [sflag:$0x2] =	stream.linear.gather [hbm4b:s1+s3], $0x40, $0x38;
	[tilespmem:$0x18640] =	vst v63  }
0x1d: {  	_ =	swait.ge [sflag:s10], $0x40  }
0x1e: {  	[sflag:s10] =	ssyncset.done $0x0  }
0x1f: {  	[sflag:s10] =	ssyncadd.s32 $0xFFFFFFC0  }
0x20: {  	[tilespmem:s13], [sflag:$0x1] =	stream.linear.gather [hbm4b:s7+s3], $0x8000, $0x38;
	[tilespmem:$0x18640] =	vst v63  }
0x21: {  	_ = 	snop  }
0x22: {  	[tilespmem:s15], [sflag:$0x1] =	stream.indirect.gather [hbm4b:s4+s14], $0x40, s3, s14, $0xb8;
	[tilespmem:$0x18640] =	vst v63  }
0x23: {  	_ = 	snop  }
0x24: {  	[tilespmem:s16], [sflag:$0x1] =	stream.indirect.gather [hbm4b:s4+s14], $0x40, s11, s14, $0xb8;
	[tilespmem:$0x18640] =	vst v63  }
0x25: {  	_ = 	snop  }
0x26: {  	[tilespmem:s17], [sflag:$0x1] =	stream.indirect.gather [hbm4b:s4+s14], $0x40, s14, s14, $0xb8;
	[tilespmem:$0x18640] =	vst v63  }
0x27: {  	_ = 	snop  }
0x28: {  	[tilespmem:s19], [sflag:$0x1] =	stream.indirect.gather [hbm4b:s4+s14], $0x40, s18, s14, $0xb8;
	[tilespmem:$0x18640] =	vst v63  }
0x29: {  	_ = 	snop  }
0x2a: {  	[tilespmem:s21], [sflag:$0x1] =	stream.indirect.gather [hbm4b:s4+s14], $0x40, s20, s14, $0xb8;
	[tilespmem:$0x18640] =	vst v63  }
0x2b: {  	_ = 	snop  }
0x2c: {  	[tilespmem:s23], [sflag:$0x1] =	stream.indirect.gather [hbm4b:s4+s14], $0x40, s22, s14, $0xb8;
	[tilespmem:$0x18640] =	vst v63  }
0x2d: {  	_ = 	snop  }
0x2e: {  	[tilespmem:s25], [sflag:$0x1] =	stream.indirect.gather [hbm4b:s4+s14], $0x40, s24, s14, $0xb8;
	[tilespmem:$0x18640] =	vst v63  }
0x2f: {  	_ = 	snop  }
0x30: {  	[tilespmem:s28], [sflag:$0x1] =	stream.indirect.gather [hbm4b:s4+s14], $0x40, s26, s14, $0xb8;
	[tilespmem:$0x18640] =	vst v63  }
0x31: {  	_ =	swait.ge [sflag:s29], $0x8000  }
0x32: {  	[sflag:s29] =	ssyncset.done $0x0  }
0x33: {  	[sflag:s29] =	ssyncadd.s32 $0xFFFF8000  }
0x34: {  	_ =	swait.ge [sflag:s29], $0x2000  }
0x35: {  	[sflag:s29] =	ssyncset.done $0x0  }
0x36: {  	[sflag:s29] =	ssyncadd.s32 $0xFFFFE000  }
0x37: {  	_ =	swait.ge [sflag:s29], $0x2000  }
0x38: {  	[sflag:s29] =	ssyncset.done $0x0  }
0x39: {  	[sflag:s29] =	ssyncadd.s32 $0xFFFFE000  }
0x3a: {  	_ =	swait.ge [sflag:s29], $0x2000  }
0x3b: {  	[sflag:s29] =	ssyncset.done $0x0  }
0x3c: {  	[sflag:s29] =	ssyncadd.s32 $0xFFFFE000  }
0x3d: {  	_ =	swait.ge [sflag:s29], $0x2000  }
0x3e: {  	[sflag:s29] =	ssyncset.done $0x0  }
0x3f: {  	[sflag:s29] =	ssyncadd.s32 $0xFFFFE000  }
0x40: {  	_ =	swait.ge [sflag:s29], $0x2000  }
0x41: {  	[sflag:s29] =	ssyncset.done $0x0  }
0x42: {  	[sflag:s29] =	ssyncadd.s32 $0xFFFFE000  }
0x43: {  	_ =	swait.ge [sflag:s29], $0x2000  }
0x44: {  	[sflag:s29] =	ssyncset.done $0x0  }
0x45: {  	[sflag:s29] =	ssyncadd.s32 $0xFFFFE000  }
0x46: {  	_ =	swait.ge [sflag:s29], $0x2000  }
0x47: {  	[sflag:s29] =	ssyncset.done $0x0  }
0x48: {  	[sflag:s29] =	ssyncadd.s32 $0xFFFFE000  }
0x49: {  	_ =	swait.ge [sflag:s29], $0x2000  }
0x4a: {  	[sflag:s29] =	ssyncset.done $0x0  }
0x4b: {  	[sflag:s29] =	ssyncadd.s32 $0xFFFFE000  }
0x4c: {  	v0 =	vld [tilespmem:$0x18400];
	_ =	sdelay $0x4  }
0x4d: {  	v2 =	vbroadcast v0, $0x6  }
0x4e: {  	v1 =	vbroadcast v0, $0x0  }
0x4f: {  	[tilespmem:$0x1FCB0] =	vst v2;
	v2 =	vbroadcast v0, $0x7  }
0x50: {  	[tilespmem:$0x1FC50] =	vst v1;
	v1 =	vbroadcast v0, $0x1  }
0x51: {  	[tilespmem:$0x1FCC0] =	vst v2;
	v2 =	vbroadcast v0, $0x8  }
0x52: {  	[tilespmem:$0x1FC60] =	vst v1;
	v1 =	vbroadcast v0, $0x2  }
0x53: {  	[tilespmem:$0x1FCD0] =	vst v2;
	v2 =	vbroadcast v0, $0x9  }
0x54: {  	[tilespmem:$0x1FC70] =	vst v1;
	v1 =	vbroadcast v0, $0x3  }
0x55: {  	[tilespmem:$0x1FCE0] =	vst v2;
	v2 =	vbroadcast v0, $0xA  }
0x56: {  	[tilespmem:$0x1FC80] =	vst v1;
	v1 =	vbroadcast v0, $0x4  }
0x57: {  	[tilespmem:$0x1FCF0] =	vst v2;
	v2 =	vbroadcast v0, $0xB  }
0x58: {  	[tilespmem:$0x1FC90] =	vst v1;
	v1 =	vbroadcast v0, $0x5  }
0x59: {  	[tilespmem:$0x1FD00] =	vst v2;
	v2 =	vbroadcast v0, $0xC  }
0x5a: {  	[tilespmem:$0x1FCA0] =	vst v1;
	v1 =	vld [tilespmem:$0x18410]  }
0x5b: {  	[tilespmem:$0x1FD10] =	vst v2;
	v2 =	vbroadcast v0, $0xD;
	_ =	sdelay $0x1  }
0x5c: {  	[tilespmem:$0x1FD20] =	vst v2;
	v2 =	vbroadcast v0, $0xE  }
0x5d: {  	v0 =	vbroadcast v0, $0xF  }
0x5e: {  	[tilespmem:$0x1FD30] =	vst v2;
	v2 =	vbroadcast v1, $0x6  }
0x5f: {  	[tilespmem:$0x1FD40] =	vst v0;
	v0 =	vbroadcast v1, $0x0  }
0x60: {  	[tilespmem:$0x1FDB0] =	vst v2;
	v2 =	vbroadcast v1, $0x7  }
0x61: {  	[tilespmem:$0x1FD50] =	vst v0;
	v0 =	vbroadcast v1, $0x1  }
0x62: {  	[tilespmem:$0x1FDC0] =	vst v2;
	v2 =	vbroadcast v1, $0x8  }
0x63: {  	[tilespmem:$0x1FD60] =	vst v0;
	v0 =	vbroadcast v1, $0x2  }
0x64: {  	[tilespmem:$0x1FDD0] =	vst v2;
	v2 =	vbroadcast v1, $0x9  }
0x65: {  	[tilespmem:$0x1FD70] =	vst v0;
	v0 =	vbroadcast v1, $0x3  }
0x66: {  	[tilespmem:$0x1FDE0] =	vst v2;
	v2 =	vbroadcast v1, $0xA  }
0x67: {  	[tilespmem:$0x1FD80] =	vst v0;
	v0 =	vbroadcast v1, $0x4  }
0x68: {  	[tilespmem:$0x1FDF0] =	vst v2;
	v2 =	vbroadcast v1, $0xB  }
0x69: {  	[tilespmem:$0x1FD90] =	vst v0;
	v0 =	vbroadcast v1, $0x5  }
0x6a: {  	[tilespmem:$0x1FE00] =	vst v2;
	v2 =	vbroadcast v1, $0xC  }
0x6b: {  	[tilespmem:$0x1FDA0] =	vst v0;
	v0 =	vld [tilespmem:$0x18420]  }
0x6c: {  	[tilespmem:$0x1FE10] =	vst v2;
	v2 =	vbroadcast v1, $0xD;
	_ =	sdelay $0x1  }
0x6d: {  	[tilespmem:$0x1FE20] =	vst v2;
	v2 =	vbroadcast v1, $0xE  }
0x6e: {  	v1 =	vbroadcast v1, $0xF  }
0x6f: {  	[tilespmem:$0x1FE30] =	vst v2;
	v2 =	vbroadcast v0, $0x6  }
0x70: {  	[tilespmem:$0x1FE40] =	vst v1;
	v1 =	vbroadcast v0, $0x0  }
0x71: {  	[tilespmem:$0x1FEB0] =	vst v2;
	v2 =	vbroadcast v0, $0x7  }
0x72: {  	[tilespmem:$0x1FE50] =	vst v1;
	v1 =	vbroadcast v0, $0x1  }
0x73: {  	[tilespmem:$0x1FEC0] =	vst v2;
	v2 =	vbroadcast v0, $0x8  }
0x74: {  	[tilespmem:$0x1FE60] =	vst v1;
	v1 =	vbroadcast v0, $0x2  }
0x75: {  	[tilespmem:$0x1FED0] =	vst v2;
	v2 =	vbroadcast v0, $0x9  }
0x76: {  	[tilespmem:$0x1FE70] =	vst v1;
	v1 =	vbroadcast v0, $0x3  }
0x77: {  	[tilespmem:$0x1FEE0] =	vst v2;
	v2 =	vbroadcast v0, $0xA  }
0x78: {  	[tilespmem:$0x1FE80] =	vst v1;
	v1 =	vbroadcast v0, $0x4  }
0x79: {  	[tilespmem:$0x1FEF0] =	vst v2;
	v2 =	vbroadcast v0, $0xB  }
0x7a: {  	[tilespmem:$0x1FE90] =	vst v1;
	v1 =	vbroadcast v0, $0x5  }
0x7b: {  	[tilespmem:$0x1FF00] =	vst v2;
	v2 =	vbroadcast v0, $0xC  }
0x7c: {  	[tilespmem:$0x1FEA0] =	vst v1;
	v1 =	vld [tilespmem:$0x18430]  }
0x7d: {  	[tilespmem:$0x1FF10] =	vst v2;
	v2 =	vbroadcast v0, $0xD;
	_ =	sdelay $0x1  }
0x7e: {  	[tilespmem:$0x1FF20] =	vst v2;
	v2 =	vbroadcast v0, $0xE;
	v0 =	vbroadcast v0, $0xF;
	_ =	sdelay $0x1  }
0x7f: {  	[tilespmem:$0x1FF40] =	vst v0;
	v0 =	vbroadcast v1, $0x0;
	_ =	sdelay $0x1  }
0x80: {  	[tilespmem:$0x1FF50] =	vst v0;
	v0 =	vbroadcast v1, $0x1;
	_ =	sdelay $0x1  }
0x81: {  	[tilespmem:$0x1FF60] =	vst v0;
	v0 =	vbroadcast v1, $0x2;
	_ =	sdelay $0x1  }
0x82: {  	[tilespmem:$0x1FF70] =	vst v0;
	v0 =	vbroadcast v1, $0x3;
	_ =	sdelay $0x1  }
0x83: {  	[tilespmem:$0x1FF80] =	vst v0;
	v0 =	vbroadcast v1, $0x4;
	_ =	sdelay $0x1  }
0x84: {  	[tilespmem:$0x1FF90] =	vst v0;
	v0 =	vbroadcast v1, $0x5;
	_ =	sdelay $0x1  }
0x85: {  	[tilespmem:$0x1FFA0] =	vst v0;
	v0 =	vbroadcast v1, $0x6;
	_ =	sdelay $0x1  }
0x86: {  	[tilespmem:$0x1FFB0] =	vst v0;
	v0 =	vbroadcast v1, $0x7;
	_ =	sdelay $0x1  }
0x87: {  	[tilespmem:$0x1FFC0] =	vst v0;
	v0 =	vbroadcast v1, $0x8;
	_ =	sdelay $0x1  }
0x88: {  	[tilespmem:$0x1FFD0] =	vst v0;
	v0 =	vbroadcast v1, $0x9;
	_ =	sdelay $0x1  }
0x89: {  	v60 =	vbroadcast v1, $0xB;
	[tilespmem:$0x1FFE0] =	vst v0;
	v0 =	vbroadcast v1, $0xA  }
0x8a: {  	v61 =	vbroadcast v1, $0xC;
	v62 =	vbroadcast v1, $0xD;
	[tilespmem:$0x1FF30] =	vst v2  }
0x8b: {  	s0 =	simm.s32 $0x18440;
	s2 =	simm.s32 $0x0;
	v63 =	vbroadcast v1, $0xE;
	[tilespmem:$0x1FFF0] =	vst v0;
	v0 =	vbroadcast v1, $0xF  }
.LBB2_2:
0x8c: {  	v1 =	vmov s2;
	v9 =	vld [tilespmem:$0x1FC50]  }
0x8d: {  	v13 =	vld [tilespmem:$0x1FC60];
	v1 =	vshll.u32 v1, $0x6  }
0x8e: {  	v16 =	vld [tilespmem:$0x1FC70];
	v1 =	vor.u32 v59, v1  }
0x8f: {  	v32 =	vld [tilespmem:$0x1FC80]  }
0x90: {  	v38 =	vld [tilespmem:$0x1FC90]  }
0x91: {  	v46 =	vld [tilespmem:$0x1FCA0];
	v2 =	vor.u32 $0x1, v1  }
0x92: {  	v54 =	vld [tilespmem:$0x1FCB0]  }
0x93: {  	v3 =	vld.idx.msk [tilespmem:v1+s13+$0x0], $0xffff  }
0x94: {  	v5 =	vor.u32 $0x2, v1;
	v4 =	vld.idx.msk [tilespmem:v1+s15+$0x0], $0xffff  }
0x95: {  	v6 =	vld.idx.msk [tilespmem:v1+s16+$0x0], $0xffff  }
0x96: {  	v7 =	vld.idx.msk [tilespmem:v2+s13+$0x0], $0xffff  }
0x97: {  	v21 =	vor.u32 $0x3, v1;
	v8 =	vld.idx.msk [tilespmem:v2+s15+$0x0], $0xffff  }
0x98: {  	v2 =	vld.idx.msk [tilespmem:v2+s16+$0x0], $0xffff  }
0x99: {  	v10 =	vld.idx.msk [tilespmem:v5+s15+$0x0], $0xffff  }
0x9a: {  	v14 =	vor.u32 $0x4, v1;
	v12 =	vld.idx.msk [tilespmem:v5+s13+$0x0], $0xffff  }
0x9b: {  	v5 =	vld.idx.msk [tilespmem:v5+s16+$0x0], $0xffff  }
0x9c: {  	v15 =	vld.idx.msk [tilespmem:v21+s15+$0x0], $0xffff  }
0x9d: {  	v17 =	vor.u32 $0x5, v1;
	v24 =	vld.idx.msk [tilespmem:v21+s13+$0x0], $0xffff  }
0x9e: {  	v26 =	vld.idx.msk [tilespmem:v21+s16+$0x0], $0xffff  }
0x9f: {  	v28 =	vld.idx.msk [tilespmem:v14+s13+$0x0], $0xffff  }
0xa0: {  	v31 =	vor.u32 $0x6, v1;
	v30 =	vld.idx.msk [tilespmem:v14+s15+$0x0], $0xffff  }
0xa1: {  	v14 =	vld.idx.msk [tilespmem:v14+s16+$0x0], $0xffff  }
0xa2: {  	v34 =	vld.idx.msk [tilespmem:v17+s13+$0x0], $0xffff  }
0xa3: {  	v40 =	vor.u32 $0x7, v1;
	v37 =	vld.idx.msk [tilespmem:v17+s15+$0x0], $0xffff  }
0xa4: {  	v39 =	vld.idx.msk [tilespmem:v17+s16+$0x0], $0xffff  }
0xa5: {  	v42 =	vld.idx.msk [tilespmem:v31+s15+$0x0], $0xffff  }
0xa6: {  	v49 =	vor.u32 $0x8, v1;
	v45 =	vld.idx.msk [tilespmem:v31+s13+$0x0], $0xffff  }
0xa7: {  	v48 =	vld.idx.msk [tilespmem:v31+s16+$0x0], $0xffff  }
0xa8: {  	v51 =	vld.idx.msk [tilespmem:v40+s15+$0x0], $0xffff  }
0xa9: {  	v53 =	vld.idx.msk [tilespmem:v40+s13+$0x0], $0xffff;
	v3 =	vmul.f32 v3, v9;
	v11 =	vmul.f32 v4, v4  }
0xaa: {  	v56 =	vor.u32 $0x9, v1;
	v57 =	vld.idx.msk [tilespmem:v40+s16+$0x0], $0xffff;
	v7 =	vmul.f32 v7, v13;
	v22 =	vmul.f32 v8, v8  }
0xab: {  	v18 =	vld.idx.msk [tilespmem:v49+s13+$0x0], $0xffff;
	v21 =	vor.u32 $0xA, v1;
	v23 =	vmul.f32 v2, v2;
	v12 =	vmul.f32 v12, v16  }
0xac: {  	v20 =	vld.idx.msk [tilespmem:v49+s15+$0x0], $0xffff;
	v25 =	vmul.f32 v10, v10;
	v29 =	vmul.f32 v5, v5  }
0xad: {  	v13 =	vld.idx.msk [tilespmem:v49+s16+$0x0], $0xffff;
	v4 =	vmul.f32 v3, v4;
	v3 =	vmul.f32 v3, v6  }
0xae: {  	v6 =	vmul.f32 v6, v6;
	v8 =	vmul.f32 v7, v8;
	v11 =	vadd.f32 v22, v11;
	v22 =	vld [tilespmem:$0x1FCC0]  }
0xaf: {  	v2 =	vmul.f32 v7, v2;
	v7 =	vmul.f32 v24, v32;
	v24 =	vld.idx.msk [tilespmem:v56+s13+$0x0], $0xffff;
	v4 =	vadd.f32 $0.0e+00, v4  }
0xb0: {  	v33 =	vmul.f32 v15, v15;
	v36 =	vmul.f32 v26, v26;
	v32 =	vld.idx.msk [tilespmem:v21+s15+$0x0], $0xffff;
	v6 =	vadd.f32 v23, v6  }
0xb1: {  	v3 =	vadd.f32 $0.0e+00, v3;
	v4 =	vadd.f32 v8, v4;
	v8 =	vmul.f32 v28, v38;
	v28 =	vld [tilespmem:$0x1FCD0]  }
0xb2: {  	v41 =	vmul.f32 v30, v30;
	v27 =	vmul.f32 v12, v10;
	v6 =	vadd.f32 v29, v6;
	v29 =	vld.idx.msk [tilespmem:v56+s16+$0x0], $0xffff  }
0xb3: {  	v5 =	vmul.f32 v12, v5;
	v35 =	vmul.f32 v7, v15;
	v2 =	vadd.f32 v2, v3;
	v38 =	vld.idx.msk [tilespmem:v21+s16+$0x0], $0xffff  }
0xb4: {  	v4 =	vadd.f32 v27, v4;
	v43 =	vmul.f32 v8, v30;
	v27 =	vld.idx.msk [tilespmem:v56+s15+$0x0], $0xffff;
	v30 =	vor.u32 $0xB, v1  }
0xb5: {  	v44 =	vmul.f32 v14, v14;
	v3 =	vadd.f32 v25, v11;
	v6 =	vadd.f32 v36, v6;
	v36 =	vld [tilespmem:$0x1FCE0]  }
0xb6: {  	v7 =	vmul.f32 v7, v26;
	v2 =	vadd.f32 v5, v2;
	v4 =	vadd.f32 v35, v4;
	v35 =	vld.idx.msk [tilespmem:v21+s13+$0x0], $0xffff  }
0xb7: {  	v3 =	vadd.f32 v33, v3;
	v5 =	vmul.f32 v34, v46;
	v6 =	vadd.f32 v44, v6;
	v44 =	vld [tilespmem:$0x1FCF0]  }
0xb8: {  	v46 =	vor.u32 $0xD, v1;
	v2 =	vadd.f32 v7, v2;
	v7 =	vmul.f32 v18, v28;
	v28 =	vld [tilespmem:$0x1FD20]  }
0xb9: {  	v47 =	vmul.f32 v37, v37;
	v52 =	vmul.f32 v39, v39;
	v3 =	vadd.f32 v41, v3;
	v41 =	vld.idx.msk [tilespmem:v30+s15+$0x0], $0xffff  }
0xba: {  	v31 =	vmul.f32 v20, v20;
	v8 =	vmul.f32 v8, v14;
	v4 =	vadd.f32 v43, v4;
	v43 =	vld.idx.msk [tilespmem:v30+s13+$0x0], $0xffff  }
0xbb: {  	v50 =	vmul.f32 v5, v37;
	v5 =	vmul.f32 v5, v39;
	v3 =	vadd.f32 v47, v3;
	v47 =	vld.idx.msk [tilespmem:v30+s16+$0x0], $0xffff  }
0xbc: {  	v39 =	vor.u32 $0xC, v1;
	v2 =	vadd.f32 v8, v2;
	v33 =	vmul.f32 v7, v20;
	v20 =	vld [tilespmem:$0x1FD10]  }
0xbd: {  	v55 =	vmul.f32 v42, v42;
	v19 =	vmul.f32 v48, v48;
	v21 =	vld.idx.msk [tilespmem:v46+s16+$0x0], $0xffff  }
0xbe: {  	v6 =	vadd.f32 v52, v6;
	v2 =	vadd.f32 v5, v2;
	v5 =	vmul.f32 v53, v22;
	v53 =	vld [tilespmem:$0x1FD00]  }
0xbf: {  	v3 =	vadd.f32 v55, v3;
	v55 =	vld.idx.msk [tilespmem:v46+s13+$0x0], $0xffff  }
0xc0: {  	v14 =	vmul.f32 v45, v54;
	v6 =	vadd.f32 v19, v6;
	v19 =	vld [tilespmem:$0x1FDB0]  }
0xc1: {  	v23 =	vmul.f32 v51, v51;
	v34 =	vmul.f32 v13, v13;
	v52 =	vor.u32 $0xE, v1;
	v49 =	vld.idx.msk [tilespmem:v39+s13+$0x0], $0xffff  }
0xc2: {  	v58 =	vmul.f32 v14, v42;
	v7 =	vmul.f32 v7, v13;
	v4 =	vadd.f32 v50, v4;
	v13 =	vld.idx.msk [tilespmem:v39+s16+$0x0], $0xffff  }
0xc3: {  	v9 =	vmul.f32 v14, v48;
	v25 =	vmul.f32 v5, v51;
	v51 =	vld.idx.msk [tilespmem:v39+s15+$0x0], $0xffff  }
0xc4: {  	v22 =	vor.u32 $0xF, v1;
	v4 =	vadd.f32 v58, v4;
	v58 =	vld.idx.msk [tilespmem:v46+s15+$0x0], $0xffff  }
0xc5: {  	v2 =	vadd.f32 v9, v2;
	v9 =	vmul.f32 v24, v36;
	v36 =	vld [tilespmem:$0x1FD30]  }
0xc6: {  	v26 =	vmul.f32 v57, v57;
	v24 =	vld.idx.msk [tilespmem:v52+s15+$0x0], $0xffff  }
0xc7: {  	v45 =	vmul.f32 v32, v32;
	v37 =	vmul.f32 v27, v27;
	v30 =	vld.idx.msk [tilespmem:v52+s16+$0x0], $0xffff  }
0xc8: {  	v14 =	vmul.f32 v35, v44;
	v44 =	vor.u32 $0x12, v1;
	v40 =	vmul.f32 v9, v27;
	v27 =	vld.idx.msk [tilespmem:v52+s13+$0x0], $0xffff  }
0xc9: {  	v50 =	vmul.f32 v38, v38;
	v3 =	vadd.f32 v23, v3;
	v5 =	vmul.f32 v5, v57;
	v35 =	vld.idx.msk [tilespmem:v22+s13+$0x0], $0xffff  }
0xca: {  	v6 =	vadd.f32 v26, v6;
	v10 =	vmul.f32 v14, v38;
	v4 =	vadd.f32 v25, v4;
	v39 =	vld.idx.msk [tilespmem:v22+s16+$0x0], $0xffff  }
0xcb: {  	v2 =	vadd.f32 v5, v2;
	v8 =	vmul.f32 v9, v29;
	v9 =	vmul.f32 v55, v28;
	v28 =	vld [tilespmem:$0x1FD70]  }
0xcc: {  	v38 =	vor.u32 $0x11, v1;
	v3 =	vadd.f32 v31, v3;
	v4 =	vadd.f32 v33, v4;
	v33 =	vld.idx.msk [tilespmem:v22+s15+$0x0], $0xffff  }
0xcd: {  	v42 =	vmul.f32 v29, v29;
	v48 =	vmul.f32 v14, v32;
	v6 =	vadd.f32 v34, v6;
	v55 =	vld.idx.msk [tilespmem:v44+s15+$0x0], $0xffff  }
0xce: {  	v2 =	vadd.f32 v7, v2;
	v3 =	vadd.f32 v37, v3;
	v7 =	vmul.f32 v43, v53;
	v22 =	vld.idx.msk [tilespmem:v44+s16+$0x0], $0xffff  }
0xcf: {  	v29 =	vmul.f32 v58, v58;
	v32 =	vmul.f32 v9, v58;
	v58 =	vld.idx.msk [tilespmem:v44+s13+$0x0], $0xffff  }
0xd0: {  	v31 =	vor.u32 $0x10, v1;
	v5 =	vadd.f32 v42, v6;
	v3 =	vadd.f32 v45, v3;
	v45 =	vld [tilespmem:$0x1FD40]  }
0xd1: {  	v57 =	vmul.f32 v47, v47;
	v6 =	vmul.f32 v7, v47;
	v47 =	vld.idx.msk [tilespmem:v38+s13+$0x0], $0xffff  }
0xd2: {  	v5 =	vadd.f32 v50, v5;
	v50 =	vld.idx.msk [tilespmem:v38+s15+$0x0], $0xffff  }
0xd3: {  	v52 =	vld.idx.msk [tilespmem:v38+s16+$0x0], $0xffff  }
0xd4: {  	v53 =	vor.u32 $0x13, v1;
	v56 =	vmul.f32 v7, v41;
	v7 =	vmul.f32 v49, v20;
	v20 =	vld [tilespmem:$0x1FD60]  }
0xd5: {  	v54 =	vmul.f32 v41, v41;
	v34 =	vmul.f32 v21, v21;
	v41 =	vld.idx.msk [tilespmem:v31+s13+$0x0], $0xffff  }
0xd6: {  	v26 =	vmul.f32 v13, v13;
	v23 =	vmul.f32 v51, v51;
	v4 =	vadd.f32 v40, v4;
	v43 =	vld.idx.msk [tilespmem:v31+s15+$0x0], $0xffff  }
0xd7: {  	v2 =	vadd.f32 v8, v2;
	v25 =	vmul.f32 v7, v51;
	v7 =	vmul.f32 v7, v13;
	v13 =	vld.idx.msk [tilespmem:v31+s16+$0x0], $0xffff  }
0xd8: {  	v14 =	vmul.f32 v27, v36;
	v36 =	vor.u32 $0x16, v1;
	v4 =	vadd.f32 v48, v4;
	v51 =	vld [tilespmem:$0x1FD50]  }
0xd9: {  	v8 =	vmul.f32 v9, v21;
	v42 =	vmul.f32 v30, v30;
	v2 =	vadd.f32 v10, v2;
	v27 =	vld.idx.msk [tilespmem:v53+s13+$0x0], $0xffff  }
0xda: {  	v3 =	vadd.f32 v54, v3;
	v40 =	vmul.f32 v14, v24;
	v31 =	vld.idx.msk [tilespmem:v53+s16+$0x0], $0xffff;
	v4 =	vadd.f32 v56, v4  }
0xdb: {  	v5 =	vadd.f32 v57, v5;
	v10 =	vmul.f32 v14, v30;
	v14 =	vmul.f32 v58, v28;
	v28 =	vld [tilespmem:$0x1FDC0]  }
0xdc: {  	v30 =	vor.u32 $0x15, v1;
	v3 =	vadd.f32 v23, v3;
	v4 =	vadd.f32 v25, v4;
	v25 =	vld.idx.msk [tilespmem:v53+s15+$0x0], $0xffff  }
0xdd: {  	v37 =	vmul.f32 v24, v24;
	v2 =	vadd.f32 v6, v2;
	v9 =	vmul.f32 v47, v20;
	v47 =	vld.idx.msk [tilespmem:v36+s15+$0x0], $0xffff  }
0xde: {  	v5 =	vadd.f32 v26, v5;
	v21 =	vmul.f32 v50, v50;
	v3 =	vadd.f32 v29, v3;
	v53 =	vld.idx.msk [tilespmem:v36+s16+$0x0], $0xffff  }
0xdf: {  	v2 =	vadd.f32 v7, v2;
	v7 =	vmul.f32 v35, v45;
	v24 =	vmul.f32 v9, v50;
	v50 =	vld.idx.msk [tilespmem:v36+s13+$0x0], $0xffff  }
0xe0: {  	v23 =	vor.u32 $0x14, v1;
	v5 =	vadd.f32 v34, v5;
	v3 =	vadd.f32 v37, v3;
	v37 =	vld [tilespmem:$0x1FD80]  }
0xe1: {  	v49 =	vmul.f32 v39, v39;
	v6 =	vmul.f32 v7, v39;
	v39 =	vld.idx.msk [tilespmem:v30+s13+$0x0], $0xffff  }
0xe2: {  	v5 =	vadd.f32 v42, v5;
	v42 =	vld.idx.msk [tilespmem:v30+s15+$0x0], $0xffff  }
0xe3: {  	v46 =	vmul.f32 v33, v33;
	v26 =	vmul.f32 v52, v52;
	v44 =	vld.idx.msk [tilespmem:v30+s16+$0x0], $0xffff  }
0xe4: {  	v45 =	vor.u32 $0x17, v1;
	v48 =	vmul.f32 v7, v33;
	v7 =	vmul.f32 v41, v51;
	v51 =	vld [tilespmem:$0x1FDA0]  }
0xe5: {  	v54 =	vmul.f32 v43, v43;
	v29 =	vmul.f32 v55, v55;
	v33 =	vld.idx.msk [tilespmem:v23+s13+$0x0], $0xffff  }
0xe6: {  	v34 =	vmul.f32 v22, v22;
	v57 =	vmul.f32 v13, v13;
	v4 =	vadd.f32 v32, v4;
	v35 =	vld.idx.msk [tilespmem:v23+s15+$0x0], $0xffff  }
0xe7: {  	v2 =	vadd.f32 v8, v2;
	v56 =	vmul.f32 v7, v43;
	v7 =	vmul.f32 v7, v13;
	v13 =	vld.idx.msk [tilespmem:v23+s16+$0x0], $0xffff  }
0xe8: {  	v36 =	vor.u32 $0x1B, v1;
	v8 =	vmul.f32 v9, v52;
	v4 =	vadd.f32 v40, v4;
	v43 =	vld [tilespmem:$0x1FD90]  }
0xe9: {  	v32 =	vmul.f32 v14, v55;
	v2 =	vadd.f32 v10, v2;
	v3 =	vadd.f32 v46, v3;
	v58 =	vld.idx.msk [tilespmem:v45+s13+$0x0], $0xffff  }
0xea: {  	v5 =	vadd.f32 v49, v5;
	v10 =	vmul.f32 v14, v22;
	v20 =	vmul.f32 v47, v47;
	v22 =	vld.idx.msk [tilespmem:v45+s16+$0x0], $0xffff  }
0xeb: {  	v4 =	vadd.f32 v48, v4;
	v2 =	vadd.f32 v6, v2;
	v14 =	vmul.f32 v50, v19;
	v50 =	vld [tilespmem:$0x1FDF0]  }
0xec: {  	v3 =	vadd.f32 v54, v3;
	v5 =	vadd.f32 v57, v5;
	v54 =	vor.u32 $0x18, v1;
	v19 =	vld [tilespmem:$0x1FE50]  }
0xed: {  	v9 =	vmul.f32 v39, v51;
	v4 =	vadd.f32 v56, v4;
	v2 =	vadd.f32 v7, v2;
	v56 =	vld.idx.msk [tilespmem:v45+s15+$0x0], $0xffff  }
0xee: {  	v5 =	vadd.f32 v26, v5;
	v7 =	vmul.f32 v27, v37;
	v23 =	vmul.f32 v14, v47;
	v47 =	vld.idx.msk [tilespmem:v36+s15+$0x0], $0xffff  }
0xef: {  	v52 =	vmul.f32 v42, v42;
	v3 =	vadd.f32 v21, v3;
	v55 =	vmul.f32 v9, v42;
	v42 =	vld [tilespmem:$0x1FDE0]  }
0xf0: {  	v21 =	vor.u32 $0x19, v1;
	v5 =	vadd.f32 v34, v5;
	v40 =	vmul.f32 v7, v25;
	v34 =	vld [tilespmem:$0x1FDD0]  }
0xf1: {  	v4 =	vadd.f32 v24, v4;
	v6 =	vmul.f32 v7, v31;
	v7 =	vmul.f32 v33, v43;
	v24 =	vld.idx.msk [tilespmem:v54+s13+$0x0], $0xffff  }
0xf2: {  	v38 =	vmul.f32 v25, v25;
	v49 =	vmul.f32 v13, v13;
	v2 =	vadd.f32 v8, v2;
	v26 =	vld.idx.msk [tilespmem:v54+s15+$0x0], $0xffff  }
0xf3: {  	v27 =	vor.u32 $0x1A, v1;
	v48 =	vmul.f32 v7, v35;
	v7 =	vmul.f32 v7, v13;
	v13 =	vld.idx.msk [tilespmem:v54+s16+$0x0], $0xffff  }
0xf4: {  	v25 =	vmul.f32 v53, v53;
	v2 =	vadd.f32 v10, v2;
	v10 =	vmul.f32 v14, v53;
	v53 =	vld.idx.msk [tilespmem:v36+s16+$0x0], $0xffff  }
0xf5: {  	v30 =	vld.idx.msk [tilespmem:v21+s13+$0x0], $0xffff  }
0xf6: {  	v41 =	vmul.f32 v31, v31;
	v3 =	vadd.f32 v29, v3;
	v33 =	vld.idx.msk [tilespmem:v21+s15+$0x0], $0xffff  }
0xf7: {  	v46 =	vmul.f32 v35, v35;
	v45 =	vor.u32 $0x1C, v1;
	v4 =	vadd.f32 v32, v4;
	v35 =	vld.idx.msk [tilespmem:v21+s16+$0x0], $0xffff  }
0xf8: {  	v3 =	vadd.f32 v38, v3;
	v5 =	vadd.f32 v41, v5;
	v38 =	vld.idx.msk [tilespmem:v27+s15+$0x0], $0xffff  }
0xf9: {  	v57 =	vmul.f32 v44, v44;
	v41 =	vld.idx.msk [tilespmem:v27+s13+$0x0], $0xffff;
	v4 =	vadd.f32 v40, v4;
	v2 =	vadd.f32 v6, v2  }
0xfa: {  	v8 =	vmul.f32 v9, v44;
	v44 =	vld.idx.msk [tilespmem:v27+s16+$0x0], $0xffff;
	v3 =	vadd.f32 v46, v3;
	v5 =	vadd.f32 v49, v5  }
0xfb: {  	v49 =	vld.idx.msk [tilespmem:v36+s13+$0x0], $0xffff;
	v4 =	vadd.f32 v48, v4;
	v2 =	vadd.f32 v7, v2  }
0xfc: {  	v3 =	vadd.f32 v52, v3;
	v5 =	vadd.f32 v57, v5;
	v7 =	vmul.f32 v58, v28;
	v57 =	vld.idx.msk [tilespmem:v45+s15+$0x0], $0xffff  }
0xfd: {  	v4 =	vadd.f32 v55, v4;
	v55 =	vld.idx.msk [tilespmem:v45+s13+$0x0], $0xffff  }
0xfe: {  	v52 =	vor.u32 $0x1D, v1;
	v3 =	vadd.f32 v20, v3;
	v31 =	vmul.f32 v7, v56;
	v20 =	vld [tilespmem:$0x1FE00]  }
0xff: {  	v6 =	vmul.f32 v7, v22;
	v7 =	vmul.f32 v24, v34;
	v34 =	vld [tilespmem:$0x1FE20]  }
0x100: {  	v40 =	vmul.f32 v13, v13;
	v14 =	vmul.f32 v41, v50;
	v41 =	vld [tilespmem:$0x1FE30]  }
0x101: {  	v58 =	vor.u32 $0x1E, v1;
	v39 =	vmul.f32 v7, v26;
	v7 =	vmul.f32 v7, v13;
	v13 =	vld.idx.msk [tilespmem:v45+s16+$0x0], $0xffff  }
0x102: {  	v32 =	vmul.f32 v22, v22;
	v37 =	vmul.f32 v26, v26;
	v26 =	vld [tilespmem:$0x1FE10]  }
0x103: {  	v29 =	vmul.f32 v56, v56;
	v21 =	vmul.f32 v47, v47;
	v28 =	vor.u32 $0x1F, v1;
	v22 =	vld.idx.msk [tilespmem:v52+s13+$0x0], $0xffff  }
0x104: {  	v2 =	vadd.f32 v8, v2;
	v5 =	vadd.f32 v25, v5;
	v9 =	vmul.f32 v30, v42;
	v25 =	vld.idx.msk [tilespmem:v52+s15+$0x0], $0xffff  }
0x105: {  	v43 =	vmul.f32 v33, v33;
	v48 =	vmul.f32 v35, v35;
	v4 =	vadd.f32 v23, v4;
	v27 =	vld.idx.msk [tilespmem:v52+s16+$0x0], $0xffff  }
0x106: {  	v51 =	vmul.f32 v38, v38;
	v24 =	vmul.f32 v53, v53;
	v3 =	vadd.f32 v29, v3;
	v30 =	vld.idx.msk [tilespmem:v58+s13+$0x0], $0xffff  }
0x107: {  	v2 =	vadd.f32 v10, v2;
	v46 =	vmul.f32 v9, v33;
	v33 =	vld.idx.msk [tilespmem:v58+s15+$0x0], $0xffff;
	v4 =	vadd.f32 v31, v4  }
0x108: {  	v5 =	vadd.f32 v32, v5;
	v36 =	vld.idx.msk [tilespmem:v58+s16+$0x0], $0xffff;
	v3 =	vadd.f32 v37, v3;
	v37 =	vor.u32 $0x20, v1  }
0x109: {  	v8 =	vmul.f32 v9, v35;
	v42 =	vld.idx.msk [tilespmem:v28+s13+$0x0], $0xffff;
	v2 =	vadd.f32 v6, v2;
	v4 =	vadd.f32 v39, v4  }
0x10a: {  	v54 =	vmul.f32 v14, v38;
	v5 =	vadd.f32 v40, v5;
	v3 =	vadd.f32 v43, v3;
	v39 =	vld.idx.msk [tilespmem:v28+s15+$0x0], $0xffff  }
0x10b: {  	v2 =	vadd.f32 v7, v2;
	v7 =	vmul.f32 v49, v20;
	v4 =	vadd.f32 v46, v4;
	v46 =	vld.idx.msk [tilespmem:v28+s16+$0x0], $0xffff  }
0x10c: {  	v10 =	vmul.f32 v14, v44;
	v29 =	vmul.f32 v57, v57;
	v3 =	vadd.f32 v51, v3;
	v51 =	vld [tilespmem:$0x1FE40]  }
0x10d: {  	v5 =	vadd.f32 v48, v5;
	v23 =	vmul.f32 v7, v47;
	v47 =	vor.u32 $0x21, v1;
	v48 =	vld.idx.msk [tilespmem:v37+s13+$0x0], $0xffff  }
0x10e: {  	v6 =	vmul.f32 v7, v53;
	v11 =	vmul.f32 v30, v41;
	v53 =	vld.idx.msk [tilespmem:v37+s15+$0x0], $0xffff  }
0x10f: {  	v2 =	vadd.f32 v8, v2;
	v7 =	vmul.f32 v55, v26;
	v55 =	vld.idx.msk [tilespmem:v37+s16+$0x0], $0xffff;
	v3 =	vadd.f32 v21, v3  }
0x110: {  	v49 =	vmul.f32 v36, v36;
	v28 =	vor.u32 $0x24, v1;
	v50 =	vmul.f32 v11, v36;
	v36 =	vld [tilespmem:$0x1FE70]  }
0x111: {  	v18 =	vor.u32 $0x25, v1;
	v3 =	vadd.f32 v29, v3;
	v29 =	vld [tilespmem:$0x1FE60]  }
0x112: {  	v4 =	vadd.f32 v54, v4;
	v2 =	vadd.f32 v10, v2;
	v54 =	vor.u32 $0x22, v1;
	v58 =	vld.idx.msk [tilespmem:v47+s13+$0x0], $0xffff  }
0x113: {  	v56 =	vmul.f32 v44, v44;
	v9 =	vmul.f32 v22, v34;
	v20 =	vld.idx.msk [tilespmem:v47+s15+$0x0], $0xffff  }
0x114: {  	v31 =	vmul.f32 v7, v57;
	v7 =	vmul.f32 v7, v13;
	v2 =	vadd.f32 v6, v2;
	v22 =	vld.idx.msk [tilespmem:v47+s16+$0x0], $0xffff  }
0x115: {  	v32 =	vmul.f32 v13, v13;
	v21 =	vor.u32 $0x23, v1;
	v41 =	vld.idx.msk [tilespmem:v28+s16+$0x0], $0xffff  }
0x116: {  	v5 =	vadd.f32 v56, v5;
	v2 =	vadd.f32 v7, v2;
	v7 =	vmul.f32 v48, v19;
	v48 =	vld.idx.msk [tilespmem:v18+s15+$0x0], $0xffff  }
0x117: {  	v35 =	vmul.f32 v25, v25;
	v38 =	vmul.f32 v9, v25;
	v25 =	vld.idx.msk [tilespmem:v54+s13+$0x0], $0xffff  }
0x118: {  	v40 =	vmul.f32 v27, v27;
	v5 =	vadd.f32 v24, v5;
	v43 =	vmul.f32 v9, v27;
	v27 =	vld.idx.msk [tilespmem:v54+s15+$0x0], $0xffff  }
0x119: {  	v30 =	vld.idx.msk [tilespmem:v54+s16+$0x0], $0xffff  }
0x11a: {  	v4 =	vadd.f32 v23, v4;
	v5 =	vadd.f32 v32, v5;
	v32 =	vld.idx.msk [tilespmem:v21+s13+$0x0], $0xffff  }
0x11b: {  	v44 =	vmul.f32 v33, v33;
	v10 =	vmul.f32 v42, v51;
	v34 =	vld.idx.msk [tilespmem:v21+s15+$0x0], $0xffff  }
0x11c: {  	v45 =	vmul.f32 v11, v33;
	v4 =	vadd.f32 v31, v4;
	v3 =	vadd.f32 v35, v3;
	v37 =	vld.idx.msk [tilespmem:v21+s16+$0x0], $0xffff  }
0x11d: {  	v52 =	vmul.f32 v39, v39;
	v56 =	vmul.f32 v10, v39;
	v39 =	vld.idx.msk [tilespmem:v28+s15+$0x0], $0xffff  }
0x11e: {  	v42 =	vor.u32 $0x26, v1;
	v4 =	vadd.f32 v38, v4;
	v3 =	vadd.f32 v44, v3;
	v44 =	vld [tilespmem:$0x1FE80]  }
0x11f: {  	v26 =	vmul.f32 v55, v55;
	v2 =	vadd.f32 v43, v2;
	v6 =	vmul.f32 v7, v55;
	v55 =	vld [tilespmem:$0x1FE90]  }
0x120: {  	v5 =	vadd.f32 v40, v5;
	v4 =	vadd.f32 v45, v4;
	v45 =	vld.idx.msk [tilespmem:v28+s13+$0x0], $0xffff  }
0x121: {  	v57 =	vmul.f32 v46, v46;
	v51 =	vor.u32 $0x27, v1;
	v2 =	vadd.f32 v50, v2;
	v50 =	vld.idx.msk [tilespmem:v18+s16+$0x0], $0xffff  }
0x122: {  	v23 =	vmul.f32 v53, v53;
	v5 =	vadd.f32 v49, v5;
	v3 =	vadd.f32 v52, v3;
	v52 =	vld.idx.msk [tilespmem:v18+s13+$0x0], $0xffff  }
0x123: {  	v19 =	vor.u32 $0x28, v1;
	v9 =	vmul.f32 v10, v46;
	v24 =	vmul.f32 v7, v53;
	v54 =	vld.idx.msk [tilespmem:v42+s15+$0x0], $0xffff  }
0x124: {  	v5 =	vadd.f32 v57, v5;
	v31 =	vmul.f32 v20, v20;
	v33 =	vmul.f32 v22, v22;
	v57 =	vld.idx.msk [tilespmem:v42+s16+$0x0], $0xffff  }
0x125: {  	v28 =	vor.u32 $0x29, v1;
	v2 =	vadd.f32 v9, v2;
	v9 =	vmul.f32 v58, v29;
	v58 =	vld.idx.msk [tilespmem:v42+s13+$0x0], $0xffff  }
0x126: {  	v4 =	vadd.f32 v56, v4;
	v8 =	vmul.f32 v25, v36;
	v38 =	vmul.f32 v27, v27;
	v25 =	vld.idx.msk [tilespmem:v51+s15+$0x0], $0xffff  }
0x127: {  	v5 =	vadd.f32 v26, v5;
	v43 =	vmul.f32 v30, v30;
	v47 =	vmul.f32 v34, v34;
	v26 =	vld [tilespmem:$0x1FEA0]  }
0x128: {  	v3 =	vadd.f32 v23, v3;
	v53 =	vmul.f32 v37, v37;
	v56 =	vmul.f32 v39, v39;
	v29 =	vld.idx.msk [tilespmem:v51+s13+$0x0], $0xffff  }
0x129: {  	v21 =	vor.u32 $0x2B, v1;
	v12 =	vmul.f32 v32, v44;
	v40 =	vmul.f32 v8, v27;
	v27 =	vld.idx.msk [tilespmem:v51+s16+$0x0], $0xffff  }
0x12a: {  	v4 =	vadd.f32 v24, v4;
	v10 =	vmul.f32 v9, v20;
	v3 =	vadd.f32 v31, v3;
	v31 =	vld.idx.msk [tilespmem:v19+s15+$0x0], $0xffff  }
0x12b: {  	v35 =	vmul.f32 v9, v22;
	v5 =	vadd.f32 v33, v5;
	v46 =	vmul.f32 v8, v30;
	v33 =	vld.idx.msk [tilespmem:v19+s16+$0x0], $0xffff  }
0x12c: {  	v2 =	vadd.f32 v6, v2;
	v24 =	vmul.f32 v41, v41;
	v49 =	vmul.f32 v12, v34;
	v34 =	vld [tilespmem:$0x1FEB0]  }
0x12d: {  	v30 =	vmul.f32 v48, v48;
	v20 =	vor.u32 $0x2A, v1;
	v9 =	vmul.f32 v12, v37;
	v37 =	vld.idx.msk [tilespmem:v28+s15+$0x0], $0xffff  }
0x12e: {  	v22 =	vor.u32 $0x2E, v1;
	v12 =	vmul.f32 v45, v55;
	v32 =	vmul.f32 v50, v50;
	v42 =	vld.idx.msk [tilespmem:v28+s13+$0x0], $0xffff  }
0x12f: {  	v36 =	vmul.f32 v54, v54;
	v55 =	vld.idx.msk [tilespmem:v21+s13+$0x0], $0xffff;
	v4 =	vadd.f32 v10, v4;
	v2 =	vadd.f32 v35, v2  }
0x130: {  	v3 =	vadd.f32 v38, v3;
	v35 =	vld.idx.msk [tilespmem:v19+s13+$0x0], $0xffff;
	v38 =	vmul.f32 v57, v57;
	v23 =	vmul.f32 v12, v39  }
0x131: {  	v5 =	vadd.f32 v43, v5;
	v7 =	vmul.f32 v12, v41;
	v6 =	vmul.f32 v52, v26;
	v39 =	vld.idx.msk [tilespmem:v28+s16+$0x0], $0xffff  }
0x132: {  	v41 =	vld [tilespmem:$0x1FEC0];
	v43 =	vmul.f32 v25, v25;
	v4 =	vadd.f32 v40, v4;
	v2 =	vadd.f32 v46, v2  }
0x133: {  	v12 =	vld.idx.msk [tilespmem:v21+s15+$0x0], $0xffff;
	v3 =	vadd.f32 v47, v3;
	v5 =	vadd.f32 v53, v5;
	v47 =	vor.u32 $0x2C, v1  }
0x134: {  	v11 =	vmul.f32 v6, v48;
	v6 =	vmul.f32 v6, v50;
	v44 =	vld.idx.msk [tilespmem:v20+s15+$0x0], $0xffff;
	v4 =	vadd.f32 v49, v4  }
0x135: {  	v46 =	vld.idx.msk [tilespmem:v20+s16+$0x0], $0xffff;
	v48 =	vmul.f32 v27, v27;
	v2 =	vadd.f32 v9, v2;
	v3 =	vadd.f32 v56, v3  }
0x136: {  	v50 =	vld.idx.msk [tilespmem:v20+s13+$0x0], $0xffff;
	v52 =	vmul.f32 v31, v31;
	v5 =	vadd.f32 v24, v5;
	v4 =	vadd.f32 v23, v4  }
0x137: {  	v20 =	vld.idx.msk [tilespmem:v21+s16+$0x0], $0xffff;
	v56 =	vmul.f32 v33, v33;
	v2 =	vadd.f32 v7, v2;
	v3 =	vadd.f32 v30, v3  }
0x138: {  	v49 =	vld [tilespmem:$0x1FED0];
	v7 =	vmul.f32 v58, v34;
	v5 =	vadd.f32 v32, v5;
	v58 =	vmul.f32 v37, v37  }
0x139: {  	v26 =	vld [tilespmem:$0x1FF10];
	v23 =	vmul.f32 v39, v39;
	v32 =	vor.u32 $0x2F, v1;
	v4 =	vadd.f32 v11, v4  }
0x13a: {  	v13 =	vld.idx.msk [tilespmem:v22+s16+$0x0], $0xffff;
	v2 =	vadd.f32 v6, v2;
	v10 =	vmul.f32 v7, v54;
	v3 =	vadd.f32 v36, v3  }
0x13b: {  	v30 =	vld [tilespmem:$0x1FEF0];
	v40 =	vmul.f32 v7, v57;
	v7 =	vmul.f32 v29, v41;
	v5 =	vadd.f32 v38, v5  }
0x13c: {  	v54 =	vor.u32 $0x2D, v1;
	v57 =	vld [tilespmem:$0x1FEE0];
	v34 =	vmul.f32 v46, v46;
	v38 =	vmul.f32 v20, v20  }
0x13d: {  	v21 =	vld.idx.msk [tilespmem:v47+s16+$0x0], $0xffff;
	v8 =	vmul.f32 v35, v49;
	v35 =	vor.u32 $0x30, v1;
	v4 =	vadd.f32 v10, v4  }
0x13e: {  	v49 =	vor.u32 $0x31, v1;
	v2 =	vadd.f32 v40, v2;
	v3 =	vadd.f32 v43, v3;
	v10 =	vld.idx.msk [tilespmem:v47+s15+$0x0], $0xffff  }
0x13f: {  	v45 =	vmul.f32 v7, v25;
	v51 =	vmul.f32 v7, v27;
	v5 =	vadd.f32 v48, v5;
	v41 =	vld.idx.msk [tilespmem:v32+s16+$0x0], $0xffff  }
0x140: {  	v53 =	vmul.f32 v8, v31;
	v31 =	vmul.f32 v50, v30;
	v50 =	vld [tilespmem:$0x1FF00];
	v3 =	vadd.f32 v52, v3  }
0x141: {  	v8 =	vmul.f32 v8, v33;
	v2 =	vadd.f32 v51, v2;
	v51 =	vld.idx.msk [tilespmem:v22+s13+$0x0], $0xffff;
	v9 =	vmul.f32 v42, v57  }
0x142: {  	v33 =	vmul.f32 v44, v44;
	v4 =	vadd.f32 v45, v4;
	v45 =	vld.idx.msk [tilespmem:v32+s15+$0x0], $0xffff;
	v3 =	vadd.f32 v58, v3  }
0x143: {  	v27 =	vld.idx.msk [tilespmem:v54+s15+$0x0], $0xffff;
	v2 =	vadd.f32 v8, v2;
	v11 =	vmul.f32 v9, v37;
	v9 =	vmul.f32 v9, v39  }
0x144: {  	v5 =	vadd.f32 v56, v5;
	v6 =	vld.idx.msk [tilespmem:v54+s16+$0x0], $0xffff;
	v37 =	vmul.f32 v12, v12;
	v3 =	vadd.f32 v33, v3  }
0x145: {  	v36 =	vor.u32 $0x37, v1;
	v52 =	vmul.f32 v21, v21;
	v2 =	vadd.f32 v9, v2;
	v9 =	vld.idx.msk [tilespmem:v22+s15+$0x0], $0xffff  }
0x146: {  	v8 =	vld.idx.msk [tilespmem:v47+s13+$0x0], $0xffff;
	v5 =	vadd.f32 v23, v5;
	v47 =	vmul.f32 v10, v10;
	v3 =	vadd.f32 v37, v3  }
0x147: {  	v15 =	vmul.f32 v31, v44;
	v44 =	vor.u32 $0x32, v1;
	v4 =	vadd.f32 v53, v4;
	v42 =	vld.idx.msk [tilespmem:v35+s15+$0x0], $0xffff  }
0x148: {  	v43 =	vld.idx.msk [tilespmem:v49+s15+$0x0], $0xffff;
	v5 =	vadd.f32 v34, v5;
	v53 =	vmul.f32 v27, v27;
	v3 =	vadd.f32 v47, v3  }
0x149: {  	v14 =	vmul.f32 v31, v46;
	v46 =	vor.u32 $0x33, v1;
	v39 =	vld.idx.msk [tilespmem:v35+s16+$0x0], $0xffff;
	v7 =	vmul.f32 v55, v50  }
0x14a: {  	v50 =	vld.idx.msk [tilespmem:v35+s13+$0x0], $0xffff;
	v5 =	vadd.f32 v38, v5;
	v3 =	vadd.f32 v53, v3;
	v55 =	vmul.f32 v9, v9  }
0x14b: {  	v4 =	vadd.f32 v11, v4;
	v11 =	vld.idx.msk [tilespmem:v54+s13+$0x0], $0xffff;
	v57 =	vmul.f32 v45, v45;
	v54 =	vmul.f32 v6, v6  }
0x14c: {  	v38 =	vld.idx.msk [tilespmem:v32+s13+$0x0], $0xffff;
	v5 =	vadd.f32 v52, v5;
	v47 =	vor.u32 $0x34, v1;
	v3 =	vadd.f32 v55, v3  }
0x14d: {  	v48 =	vor.u32 $0x35, v1;
	v40 =	vor.u32 $0x38, v1;
	v56 =	vmul.f32 v13, v13;
	v19 =	vld.idx.msk [tilespmem:v44+s15+$0x0], $0xffff  }
0x14e: {  	v32 =	vld.idx.msk [tilespmem:v49+s16+$0x0], $0xffff;
	v22 =	vmul.f32 v42, v42;
	v5 =	vadd.f32 v54, v5;
	v3 =	vadd.f32 v57, v3  }
0x14f: {  	v30 =	vor.u32 $0x36, v1;
	v58 =	vmul.f32 v41, v41;
	v12 =	vmul.f32 v7, v12;
	v29 =	vld.idx.msk [tilespmem:v46+s15+$0x0], $0xffff  }
0x150: {  	v24 =	vld.idx.msk [tilespmem:v44+s16+$0x0], $0xffff;
	v25 =	vmul.f32 v43, v43;
	v5 =	vadd.f32 v56, v5;
	v3 =	vadd.f32 v22, v3  }
0x151: {  	v7 =	vmul.f32 v7, v20;
	v4 =	vadd.f32 v15, v4;
	v23 =	vmul.f32 v39, v39;
	v34 =	vld.idx.msk [tilespmem:v47+s15+$0x0], $0xffff  }
0x152: {  	v33 =	vld.idx.msk [tilespmem:v46+s16+$0x0], $0xffff;
	v31 =	vmul.f32 v19, v19;
	v5 =	vadd.f32 v58, v5;
	v3 =	vadd.f32 v25, v3  }
0x153: {  	v35 =	vld.idx.msk [tilespmem:v48+s15+$0x0], $0xffff;
	v2 =	vadd.f32 v14, v2;
	v8 =	vmul.f32 v8, v26;
	v28 =	vmul.f32 v32, v32  }
0x154: {  	v52 =	vmul.f32 v29, v29;
	v14 =	vld.idx.msk [tilespmem:v47+s16+$0x0], $0xffff;
	v5 =	vadd.f32 v23, v5;
	v3 =	vadd.f32 v31, v3  }
0x155: {  	v15 =	vld.idx.msk [tilespmem:v30+s15+$0x0], $0xffff;
	v26 =	vor.u32 $0x39, v1;
	v10 =	vmul.f32 v8, v10;
	v37 =	vmul.f32 v24, v24  }
0x156: {  	v20 =	vld.idx.msk [tilespmem:v48+s16+$0x0], $0xffff;
	v5 =	vadd.f32 v28, v5;
	v55 =	vmul.f32 v34, v34;
	v3 =	vadd.f32 v52, v3  }
0x157: {  	v4 =	vadd.f32 v12, v4;
	v8 =	vmul.f32 v8, v21;
	v21 =	vld.idx.msk [tilespmem:v36+s15+$0x0], $0xffff;
	v54 =	vmul.f32 v33, v33  }
0x158: {  	v16 =	vld.idx.msk [tilespmem:v30+s16+$0x0], $0xffff;
	v57 =	vmul.f32 v35, v35;
	v53 =	vadd.f32 v37, v5;
	v3 =	vadd.f32 v55, v3  }
0x159: {  	v2 =	vadd.f32 v7, v2;
	v28 =	vadd.f32 v10, v4;
	v56 =	vmul.f32 v14, v14;
	v25 =	vld.idx.msk [tilespmem:v40+s15+$0x0], $0xffff  }
0x15a: {  	v10 =	vmul.f32 v15, v15;
	v4 =	vadd.f32 v54, v53;
	v53 =	vld [tilespmem:$0x1FF20];
	v3 =	vadd.f32 v57, v3  }
0x15b: {  	v12 =	vadd.f32 v8, v2;
	v58 =	vmul.f32 v20, v20;
	v31 =	vor.u32 $0x3A, v1  }
0x15c: {  	v17 =	vld.idx.msk [tilespmem:v36+s16+$0x0], $0xffff;
	v2 =	vadd.f32 v56, v4;
	v55 =	vmul.f32 v21, v21;
	v3 =	vadd.f32 v10, v3  }
0x15d: {  	v18 =	vld.idx.msk [tilespmem:v26+s15+$0x0], $0xffff;
	v37 =	vor.u32 $0x3B, v1;
	v54 =	vmul.f32 v16, v16  }
0x15e: {  	v22 =	vld.idx.msk [tilespmem:v40+s16+$0x0], $0xffff;
	v2 =	vadd.f32 v58, v2;
	v57 =	vmul.f32 v25, v25;
	v3 =	vadd.f32 v55, v3  }
0x15f: {  	v23 =	vld.idx.msk [tilespmem:v26+s16+$0x0], $0xffff;
	v52 =	vmul.f32 v11, v53  }
0x160: {  	v4 =	vor.u32 $0x3C, v1;
	v2 =	vadd.f32 v54, v2;
	v54 =	vadd.f32 v57, v3;
	v3 =	vld [tilespmem:$0x1FF30]  }
0x161: {  	v56 =	vmul.f32 v17, v17;
	v11 =	vmul.f32 v52, v27;
	v27 =	vld.idx.msk [tilespmem:v31+s15+$0x0], $0xffff  }
0x162: {  	v8 =	vor.u32 $0x3D, v1;
	v10 =	vld.idx.msk [tilespmem:v31+s16+$0x0], $0xffff  }
0x163: {  	v58 =	vmul.f32 v22, v22;
	v2 =	vadd.f32 v56, v2;
	v53 =	vadd.f32 v11, v28;
	v28 =	vld.idx.msk [tilespmem:v37+s15+$0x0], $0xffff  }
0x164: {  	v5 =	vld.idx.msk [tilespmem:v37+s16+$0x0], $0xffff;
	v55 =	vmul.f32 v18, v18;
	v11 =	vor.u32 $0x3E, v1  }
0x165: {  	v56 =	vadd.f32 v58, v2;
	v57 =	vmul.f32 v23, v23;
	v51 =	vmul.f32 v51, v3;
	v3 =	vld.idx.msk [tilespmem:v4+s15+$0x0], $0xffff  }
0x166: {  	v2 =	vld.idx.msk [tilespmem:v4+s16+$0x0], $0xffff;
	v54 =	vadd.f32 v55, v54;
	v55 =	vmul.f32 v27, v27  }
0x167: {  	v7 =	vor.u32 $0x3F, v1;
	v1 =	vld.idx.msk [tilespmem:v8+s15+$0x0], $0xffff;
	v56 =	vadd.f32 v57, v56;
	v57 =	vmul.f32 v10, v10  }
0x168: {  	v52 =	vmul.f32 v52, v6;
	v6 =	vld.idx.msk [tilespmem:v8+s16+$0x0], $0xffff;
	v54 =	vadd.f32 v55, v54;
	v55 =	vmul.f32 v28, v28  }
0x169: {  	v56 =	vadd.f32 v57, v56;
	v57 =	vmul.f32 v5, v5;
	v58 =	vmul.f32 v51, v9;
	v9 =	vld.idx.msk [tilespmem:v11+s15+$0x0], $0xffff  }
0x16a: {  	v52 =	vadd.f32 v52, v12;
	v54 =	vadd.f32 v55, v54;
	v55 =	vmul.f32 v3, v3  }
0x16b: {  	v12 =	vld.idx.msk [tilespmem:v11+s16+$0x0], $0xffff;
	v56 =	vadd.f32 v57, v56;
	v57 =	vmul.f32 v2, v2;
	v51 =	vmul.f32 v51, v13  }
0x16c: {  	v53 =	vadd.f32 v58, v53;
	v58 =	vld [tilespmem:$0x1FF40];
	v54 =	vadd.f32 v55, v54;
	v55 =	vmul.f32 v1, v1  }
0x16d: {  	v51 =	vadd.f32 v51, v52;
	v52 =	vadd.f32 v57, v56;
	v57 =	vld [tilespmem:$0x1FF50]  }
0x16e: {  	v56 =	vmul.f32 v6, v6;
	v54 =	vadd.f32 v55, v54;
	v55 =	vmul.f32 v9, v9  }
0x16f: {  	v49 =	vld.idx.msk [tilespmem:v49+s13+$0x0], $0xffff  }
0x170: {  	v13 =	vld.idx.msk [tilespmem:v7+s15+$0x0], $0xffff;
	v52 =	vadd.f32 v56, v52;
	v54 =	vadd.f32 v55, v54;
	v55 =	vmul.f32 v12, v12  }
0x171: {  	v58 =	vmul.f32 v38, v58;
	v38 =	vld.idx.msk [tilespmem:v7+s16+$0x0], $0xffff  }
0x172: {  	v50 =	vmul.f32 v50, v57;
	v57 =	vadd.f32 v55, v52;
	v55 =	vld [tilespmem:$0x1FF60]  }
0x173: {  	v45 =	vmul.f32 v58, v45;
	_ =	sdelay $0x1  }
0x174: {  	v56 =	vmul.f32 v13, v13;
	v42 =	vmul.f32 v50, v42;
	v45 =	vadd.f32 v45, v53  }
0x175: {  	v44 =	vld.idx.msk [tilespmem:v44+s13+$0x0], $0xffff;
	v41 =	vmul.f32 v58, v41;
	v58 =	vmul.f32 v38, v38  }
0x176: {  	v4 =	vld.idx.msk [tilespmem:v4+s13+$0x0], $0xffff;
	v52 =	vadd.f32 v56, v54;
	v42 =	vadd.f32 v42, v45;
	v45 =	vmul.f32 v49, v55  }
0x177: {  	v8 =	vld.idx.msk [tilespmem:v8+s13+$0x0], $0xffff;
	v39 =	vmul.f32 v50, v39;
	v41 =	vadd.f32 v41, v51;
	v49 =	vadd.f32 v58, v57  }
0x178: {  	v56 =	vshrl.u32 v52, $0x1;
	v51 =	vmul.f32 $5.000000000e-01, v52;
	v58 =	vld [tilespmem:$0x1FF70];
	v57 =	vmul.f32 v45, v43  }
0x179: {  	v46 =	vld.idx.msk [tilespmem:v46+s13+$0x0], $0xffff;
	v39 =	vadd.f32 v39, v41;
	v43 =	vsub.s32 $0x5F3759DF, v56;
	v53 =	vshrl.u32 v49, $0x1  }
0x17a: {  	v54 =	vmul.f32 $5.000000000e-01, v49;
	v50 =	vmul.f32 v43, v51;
	v41 =	vadd.f32 v57, v42;
	v57 =	vld [tilespmem:$0x1FF80]  }
0x17b: {  	v47 =	vld.idx.msk [tilespmem:v47+s13+$0x0], $0xffff;
	v4 =	vmul.f32 v4, v61;
	v32 =	vmul.f32 v45, v32;
	v45 =	vsub.s32 $0x5F3759DF, v53  }
0x17c: {  	v56 =	vmul.f32 v45, v54;
	v55 =	vmul.f32 v43, v50;
	v50 =	vld [tilespmem:$0x1FF90]  }
0x17d: {  	v8 =	vmul.f32 v8, v62;
	v44 =	vmul.f32 v44, v58  }
0x17e: {  	v3 =	vmul.f32 v4, v3;
	v42 =	vld.idx.msk [tilespmem:v48+s13+$0x0], $0xffff;
	v48 =	vmul.f32 v45, v56  }
0x17f: {  	v32 =	vadd.f32 v32, v39;
	v19 =	vmul.f32 v44, v19;
	v39 =	vmul.f32 v46, v57  }
0x180: {  	v56 =	vld [tilespmem:$0x1FFA0];
	v24 =	vmul.f32 v44, v24;
	v58 =	vsub.f32 $1.500000000e+00, v55;
	v53 =	vsub.f32 $1.500000000e+00, v48  }
0x181: {  	v19 =	vadd.f32 v19, v41;
	v41 =	vmul.f32 v47, v50;
	v29 =	vmul.f32 v39, v29  }
0x182: {  	v30 =	vld.idx.msk [tilespmem:v30+s13+$0x0], $0xffff;
	v33 =	vmul.f32 v39, v33;
	v39 =	vmul.f32 v43, v58  }
0x183: {  	v2 =	vmul.f32 v4, v2;
	v24 =	vadd.f32 v24, v32;
	v57 =	vld.idx.msk [tilespmem:v36+s13+$0x0], $0xffff;
	v36 =	vmul.f32 v45, v53  }
0x184: {  	v48 =	vld [tilespmem:$0x1FFB0];
	v55 =	vmul.f32 v41, v34;
	v19 =	vadd.f32 v29, v19;
	v58 =	vmul.f32 v39, v51  }
0x185: {  	v34 =	vmul.f32 v42, v56;
	v14 =	vmul.f32 v41, v14  }
0x186: {  	v24 =	vadd.f32 v33, v24;
	v19 =	vadd.f32 v55, v19;
	v46 =	vmul.f32 v58, v39;
	v55 =	vld [tilespmem:$0x1FFC0]  }
0x187: {  	v1 =	vmul.f32 v8, v1;
	v47 =	vmul.f32 v36, v54  }
0x188: {  	v45 =	vld.idx.msk [tilespmem:v40+s13+$0x0], $0xffff;
	v20 =	vmul.f32 v34, v20;
	v14 =	vadd.f32 v14, v24;
	v50 =	vsub.f32 $1.500000000e+00, v46  }
0x189: {  	vm0 =	veq.f32 v52, $0.0e+00;
	v53 =	vmul.f32 v47, v36;
	v24 =	vmul.f32 v30, v48;
	v30 =	vld [tilespmem:$0x1FFD0]  }
0x18a: {  	v26 =	vld.idx.msk [tilespmem:v26+s13+$0x0], $0xffff;
	v44 =	vmul.f32 v34, v35;
	v14 =	vadd.f32 v20, v14;
	v56 =	vmul.f32 v50, v39  }
0x18b: {  	v37 =	vld.idx.msk [tilespmem:v37+s13+$0x0], $0xffff;
	v15 =	vmul.f32 v24, v15;
	v20 =	vmul.f32 v57, v55;
	v57 =	vsub.f32 $1.500000000e+00, v53  }
0x18c: {  	v41 =	vld [tilespmem:$0x1FFE0];
	v19 =	vadd.f32 v44, v19;
	v16 =	vmul.f32 v24, v16;
	v39 =	vmul.f32 v56, v51  }
0x18d: {  	vm15 =	veq.f32 v49, $0.0e+00;
	v33 =	vld.idx.msk [tilespmem:v31+s13+$0x0], $0xffff;
	v58 =	vmul.f32 v20, v21;
	v35 =	vmul.f32 v57, v36  }
0x18e: {  	v15 =	vadd.f32 v15, v19;
	v21 =	vmul.f32 v45, v30;
	v34 =	vmul.f32 v20, v17;
	v45 =	vld [tilespmem:$0x1FFF0]  }
0x18f: {  	v14 =	vadd.f32 v16, v14;
	v42 =	vmul.f32 v39, v56;
	v43 =	vmul.f32 v35, v54  }
0x190: {  	v15 =	vadd.f32 v58, v15;
	v36 =	vmul.f32 v21, v25;
	v40 =	vmul.f32 v21, v22  }
0x191: {  	v14 =	vadd.f32 v34, v14;
	v21 =	vmul.f32 v26, v41;
	v22 =	vmul.f32 v43, v35  }
0x192: {  	v20 =	vmul.f32 v37, v60;
	v19 =	vsub.f32 $1.500000000e+00, v42;
	v15 =	vadd.f32 v36, v15  }
0x193: {  	v44 =	vmul.f32 v21, v18;
	v18 =	vmul.f32 v33, v45;
	v47 =	vsub.f32 $1.500000000e+00, v22  }
0x194: {  	v14 =	vadd.f32 v40, v14;
	v21 =	vmul.f32 v21, v23;
	v19 =	vmul.f32 v19, v56  }
0x195: {  	v11 =	vld.idx.msk [tilespmem:v11+s13+$0x0], $0xffff;
	v15 =	vadd.f32 v44, v15;
	v46 =	vmul.f32 v18, v27;
	v17 =	vmul.f32 v47, v35  }
0x196: {  	v14 =	vadd.f32 v21, v14;
	v10 =	vmul.f32 v18, v10;
	v50 =	vmul.f32 v19, v52  }
0x197: {  	v7 =	vld.idx.msk [tilespmem:v7+s13+$0x0], $0xffff;
	v48 =	vmul.f32 v20, v28;
	v15 =	vadd.f32 v46, v15;
	v52 =	vmul.f32 v17, v49  }
0x198: {  	v5 =	vmul.f32 v20, v5;
	v10 =	vadd.f32 v10, v14;
	v53 =	vmax.f32 v50, $9.999999960e-13  }
0x199: {  	v16 =	vsel vm0, $0x2B8CBCCC, v53;
	v51 =	vadd.f32 v48, v15;
	v15 =	vmax.f32 v52, $9.999999960e-13  }
0x19a: {  	v54 =	vmul.f32 v11, v63;
	(erf) = vrcp.f32 v16;
	v15 =	vsel vm15, $0x2B8CBCCC, v15  }
0x19b: {  	v5 =	vadd.f32 v5, v10;
	v3 =	vadd.f32 v3, v51;
	(erf) = vrcp.f32 v15  }
0x19c: {  	v55 =	vmul.f32 v8, v6;
	v56 =	vmul.f32 v7, v0  }
0x19d: {  	v2 =	vadd.f32 v2, v5;
	v1 =	vadd.f32 v1, v3;
	v3 =	vmul.f32 v54, v9  }
0x19e: {  	v4 =	vmul.f32 v54, v12  }
0x19f: {  	v2 =	vadd.f32 v55, v2;
	v1 =	vadd.f32 v3, v1;
	v3 =	vmul.f32 v56, v13;
	_ =	sdelay $0x1  }
0x1a0: {  	v57 =	vmul.f32 v56, v38;
	v2 =	vadd.f32 v4, v2;
	_ =	sdelay $0x1  }
0x1a1: {  	v1 =	vadd.f32 v3, v1;
	v2 =	vadd.f32 v57, v2;
	v3 =	vpop (erf)  }
0x1a2: {  	p0 =	sne.s32 s2, $0x1F0;
	v58 =	vpop (erf)  }
.Ltmp0:
0x1a3: {  	v1 =	vmul.f32 v3, v1;
	v2 =	vmul.f32 v58, v2;
	(pc) =	sbr.rel @p0 .LBB2_2-.Ltmp0, $3  }
0x1a4: {  	_ = 	snop  }
0x1a5: {  	v1 =	vsub.f32 v1, v2;
	_ =	sdelay $0x1  }
0x1a6: {  	s2 =	sadd.s32 $0x10, s2;
	[tilespmem:s0+$0x0] =	vst v1;
	s0 =	sadd.s32 $0x10, s0  }
0x1a7: {  	s31 =	sadd.s32 $0x1, s31  }
0x1a8: {  	p0 =	sne.s32 s31, s9  }
.Ltmp1:
0x1a9: {  	_ = 	snop;
	(pc) =	sbr.rel @p0 .LBB2_1-.Ltmp1, $4  }
0x1aa: {  	[hbm4b:s8+s3] =	stream.linear.scatter [tilespmem:s30], [sflag:$0x2], $0x200, $0x38;
	[tilespmem:$0x18640] =	vst v63  }
0x1ab: {  	_ =	swait.ge [sflag:s10], $0x200  }
0x1ac: {  	[sflag:s10] =	ssyncset.done $0x0  }
0x1ad: {  	[sflag:s10] =	ssyncadd.s32 $0xFFFFFE00  }
0x1ae: {  	_ =	sfence.sel $0x180000  }
0x1af: {  	[bflag:$0x0] =	sbarrier.arrive $0xFFFF  }
0x1b0: {  	_ =	strace $0x90000047  }
0x1b1: {  	s0 =	stileid.u32;
	[bflag:$0x2] =	sbarrier.arrive $0xFFFF  }
0x1b2: {  	p0 =	sne.s32 s0, $0x0;
	s0 =	rddreg [dreg:$0x5]  }
0x1b3: {  	s0 =	sadd.s32 @!p0 $0x100000, s0  }
0x1b4: {  	[sflag:s0] =	ssyncadd.tile.s32 @!p0 $0x1;
	_ =	shalt  }
.Lfunc_end2:
_tile_overlayer_lowered:
.L_overlay_start_2:
0x1b5: {  	(tag) =	ssettag $0x2  }
0x1b6: {  	s0 =	rddreg [dreg:$0x0];
	s2 =	stileid.u32  }
0x1b7: {  	s1 =	rddreg [dreg:$0x1];
	p0 =	sne.s32 s2, $0x0  }
0x1b8: {  	s3 =	rddreg [dreg:$0x2];
	[bflag:$0x3] =	sbarrier.arrive $0xFFFF;
	s2 =	simm.s32 @!p0 $0x1C02  }
0x1b9: {  	[timem:s3], [sflag:s2] =	dma.local @!p0 [hbm:s0], s1  }
0x1ba: {  	s0 =	simm.s32 @!p0 $0x2  }
0x1bb: {  	_ =	swait.ge @!p0 [sflag:s0], s1  }
0x1bc: {  	s1 =	ssub.s32 @!p0 $0x0, s1;
	[sflag:s0] =	ssyncset.done @!p0 $0x0  }
0x1bd: {  	[sflag:s0] =	ssyncadd.s32 @!p0 s1  }
0x1be: {  	[bflag:$0x3] =	sbarrier.arrive $0xFFFF  }
0x1bf: {  	_ =	shalt  }

</sc_bundles>
